<compile_context>
chip_gen: v7x
topology: tpu7x:2x2x1
jax: 0.10.2.dev20260603
libtpu: 0.0.44.dev20260713+nightly
codegen_flags: <defaults>
</compile_context>

<pallas_src>
import functools

import jax
import jax.numpy as jnp
from jax import lax
from jax.experimental import pallas as pl
from jax.experimental.pallas import tpu as pltpu
from jax.experimental.pallas import tpu_sc as plsc

_NC = 2
_NS = 16
_NW = _NC * _NS
_LANES = 128
_G = 64
_STEPS = 2
_BN = 1000


def _trans_body(h_ref, w_ref, o_ref):
    o_ref[0] = jnp.dot(h_ref[...], w_ref[0],
                       preferred_element_type=jnp.float32)


def _edge_trans(h, w_edge):
    n, d = h.shape
    t = w_edge.shape[0]
    nb = n // _BN
    return pl.pallas_call(
        _trans_body,
        grid=(nb, t),
        in_specs=[
            pl.BlockSpec((_BN, d), lambda i, j: (i, 0)),
            pl.BlockSpec((1, d, d), lambda i, j: (j, 0, 0)),
        ],
        out_specs=pl.BlockSpec((1, _BN, d), lambda i, j: (j, i, 0)),
        out_shape=jax.ShapeDtypeStruct((t, n, d), jnp.float32),
    )(h, w_edge)


def _gru_body(m_ref, h_ref, wz, uz, bz, wr, ur, br, wh, uh, bh, o_ref):
    m = m_ref[0] + m_ref[1]
    hh = h_ref[...]
    dot = functools.partial(jnp.dot, preferred_element_type=jnp.float32)
    z = jax.nn.sigmoid(dot(m, wz[...]) + dot(hh, uz[...]) + bz[...])
    r = jax.nn.sigmoid(dot(m, wr[...]) + dot(hh, ur[...]) + br[...])
    ht = jnp.tanh(dot(m, wh[...]) + dot(r * hh, uh[...]) + bh[...])
    o_ref[...] = (1.0 - z) * hh + z * ht


def _gru(mparts, h, wz, uz, bz, wr, ur, br, wh, uh, bh):
    n, d = h.shape
    nb = n // _BN
    wspec = pl.BlockSpec((d, d), lambda i: (0, 0))
    bspec = pl.BlockSpec((1, d), lambda i: (0, 0))
    return pl.pallas_call(
        _gru_body,
        grid=(nb,),
        in_specs=[
            pl.BlockSpec((2, _BN, d), lambda i: (0, i, 0)),
            pl.BlockSpec((_BN, d), lambda i: (i, 0)),
            wspec, wspec, bspec, wspec, wspec, bspec, wspec, wspec, bspec,
        ],
        out_specs=pl.BlockSpec((_BN, d), lambda i: (i, 0)),
        out_shape=jax.ShapeDtypeStruct((n, d), jnp.float32),
    )(mparts, h, wz, uz, bz, wr, ur, br, wh, uh, bh)


def _seg_body(nchunk, nacc, table, gidx_h, dst_h, out_h,
              idx_v, dst_v, buf_v, zero_v, acc, sem, sem2):
    c = lax.axis_index("c")
    s = lax.axis_index("s")
    wid = c * _NS + s
    d = zero_v.shape[1]
    zr = zero_v.shape[0]

    def _zrow(i, carry):
        for j in range(d // 16):
            zero_v[i, pl.ds(j * 16, 16)] = jnp.zeros((16,), jnp.float32)
        return carry
    lax.fori_loop(0, zr, _zrow, 0)

    rpt = nacc // _NS
    base = s * rpt

    def _zcopy(k, carry):
        pltpu.sync_copy(zero_v, acc.at[pl.ds(base + k * zr, zr)])
        return carry
    lax.fori_loop(0, rpt // zr, _zcopy, 0)
    plsc.subcore_barrier()

    nh = idx_v.shape[0]
    npair = nh // 2
    for half in range(nchunk // nh):
        pltpu.sync_copy(gidx_h.at[wid, pl.ds(half * nh, nh)], idx_v)
        pltpu.sync_copy(dst_h.at[wid, pl.ds(half * nh, nh)], dst_v)
        pltpu.async_copy(table.at[idx_v.at[0]], buf_v.at[0], sem)
        pltpu.async_copy(table.at[idx_v.at[1]], buf_v.at[1], sem2)

        def _pair(p, carry):
            pltpu.make_async_copy(table.at[idx_v.at[2 * p]],
                                  buf_v.at[0], sem).wait()
            pltpu.sync_copy(buf_v.at[0], acc.at[dst_v.at[2 * p]], add=True)

            @pl.when(p + 1 < npair)
            def _():
                pltpu.async_copy(table.at[idx_v.at[2 * p + 2]],
                                 buf_v.at[0], sem)
            pltpu.make_async_copy(table.at[idx_v.at[2 * p + 1]],
                                  buf_v.at[1], sem2).wait()
            pltpu.sync_copy(buf_v.at[1], acc.at[dst_v.at[2 * p + 1]],
                            add=True)

            @pl.when(p + 1 < npair)
            def _():
                pltpu.async_copy(table.at[idx_v.at[2 * p + 3]],
                                 buf_v.at[1], sem2)
            return carry
        lax.fori_loop(0, npair, _pair, 0)
    plsc.subcore_barrier()

    pltpu.sync_copy(acc.at[pl.ds(base, rpt)],
                    out_h.at[c, pl.ds(base, rpt)])


def _sc_segsum(table, gidx_p, dst_p, nacc):
    _, nchunk, lanes = gidx_p.shape
    d = table.shape[1]
    zr = 8
    kern = pl.kernel(
        functools.partial(_seg_body, nchunk, nacc),
        out_type=jax.ShapeDtypeStruct((_NC, nacc, d), jnp.float32),
        mesh=plsc.VectorSubcoreMesh(core_axis_name="c", subcore_axis_name="s"),
        scratch_types=[
            pltpu.VMEM((max(nchunk // 2, 2), lanes), jnp.int32),
            pltpu.VMEM((max(nchunk // 2, 2), lanes), jnp.int32),
            pltpu.VMEM((2, lanes, d), jnp.float32),
            pltpu.VMEM((zr, d), jnp.float32),
            pltpu.VMEM_SHARED((nacc, d), jnp.float32),
            pltpu.SemaphoreType.DMA,
            pltpu.SemaphoreType.DMA,
        ],
    )
    return kern(table, gidx_p, dst_p)


def _head_body(hs_ref, org_ref, w1, w2, b1, b2, o_ref):
    dot = functools.partial(jnp.dot, preferred_element_type=jnp.float32)
    sums = hs_ref[0, :_G] + hs_ref[1, :_G]
    w = dot(w1[...], w2[...])
    s = dot(sums, w)
    c = dot(b1[...], w2[...]) + b2[...]
    org = org_ref[...]
    gids = lax.broadcasted_iota(jnp.int32, (_G, org.shape[1]), 0)
    eq = org == gids
    counts = jnp.sum(jnp.where(eq, 1.0, 0.0), axis=1, keepdims=True)
    val = (s + counts * c) / jnp.maximum(counts, 1.0)
    o_ref[...] = jax.nn.sigmoid(val)


def _head_final(hsum, org2, w1, w2, b1, b2):
    return pl.pallas_call(
        _head_body,
        out_shape=jax.ShapeDtypeStruct((_G, 1), jnp.float32),
    )(hsum, org2, w1, w2, b1, b2)


def _pad_indices(vals, fill_base, fill_mod, nchunk):
    cap = _NW * nchunk * _LANES
    pad = cap - vals.shape[0]
    filler = fill_base + jnp.arange(pad, dtype=jnp.int32) % fill_mod
    return jnp.concatenate([vals, filler]).reshape(_NW, nchunk, _LANES)


def kernel(x, edge_index, edge_type, hole_locs, origins, W_edge,
           Wz, Uz, bz, Wr, Ur, br, Wh, Uh, bh, W1, b1, W2, b2):
    n, d = x.shape
    e = edge_index.shape[1]
    t = W_edge.shape[0]
    h_count = hole_locs.shape[0]

    src = edge_index[0]
    dst = edge_index[1]
    gidx = edge_type * n + src

    nacc = (-(-(n + 1) // _LANES)) * _LANES
    nchunk = 2 * (-(-e // (_NW * _LANES * 2)))
    gidx_p = _pad_indices(gidx, 0, t * n, nchunk)
    dst_p = _pad_indices(dst, n, nacc - n, nchunk)

    hacc = (-(-(_G + 1) // (_NS * 8))) * (_NS * 8)
    hchunk = -(-h_count // (_NW * _LANES))
    hol_p = _pad_indices(hole_locs, 0, n, hchunk)
    org_p = _pad_indices(origins, _G, hacc - _G, hchunk)

    bzr, brr, bhr = bz.reshape(1, d), br.reshape(1, d), bh.reshape(1, d)
    b1r, b2r = b1.reshape(1, d), b2.reshape(1, 1)

    h = x
    for _ in range(_STEPS):
        at = _edge_trans(h, W_edge)
        table = at.reshape(t * n, d)
        mparts = _sc_segsum(table, gidx_p, dst_p, nacc)
        h = _gru(mparts, h, Wz, Uz, bzr, Wr, Ur, brr, Wh, Uh, bhr)

    hsum = _sc_segsum(h, hol_p, org_p, hacc)
    org2 = origins.reshape(1, h_count)
    preds = _head_final(hsum, org2, W1, W2, b1r, b2r)
    return preds.reshape(_G)

# --- scband reference (transcript-rebuilt; emitter-appended) ---
"""Pipeline reference for scband-discriminator-33157147525449 (READ-ONLY COPY).

The authoritative reference and input builder live on the scoring server;
editing this copy changes nothing except your own understanding.
"""

import jax, jax.numpy as jnp
import numpy as np

N = 10000
E = 320000
D = 128
T = 4
H = 5000
G = 64
STEPS = 2


def setup_inputs(seed: int = 0):
    key = jax.random.key(seed)
    ks = jax.random.split(key, 20)
    s = 1.0 / np.sqrt(D)
    x = jax.random.normal(ks[0], (N, D), dtype=jnp.float32)
    edge_index = jax.random.randint(ks[1], (2, E), 0, N, dtype=jnp.int32)
    edge_type = jax.random.randint(ks[2], (E,), 0, T, dtype=jnp.int32)
    hole_locs = jax.random.randint(ks[3], (H,), 0, N, dtype=jnp.int32)
    origins = jnp.sort(jax.random.randint(ks[4], (H,), 0, G, dtype=jnp.int32))
    W_edge = jax.random.normal(ks[5], (T, D, D), dtype=jnp.float32) * s
    Wz = jax.random.normal(ks[6], (D, D), dtype=jnp.float32) * s
    Uz = jax.random.normal(ks[7], (D, D), dtype=jnp.float32) * s
    bz = jnp.zeros((D,), dtype=jnp.float32)
    Wr = jax.random.normal(ks[8], (D, D), dtype=jnp.float32) * s
    Ur = jax.random.normal(ks[9], (D, D), dtype=jnp.float32) * s
    br = jnp.zeros((D,), dtype=jnp.float32)
    Wh = jax.random.normal(ks[10], (D, D), dtype=jnp.float32) * s
    Uh = jax.random.normal(ks[11], (D, D), dtype=jnp.float32) * s
    bh = jnp.zeros((D,), dtype=jnp.float32)
    W1 = jax.random.normal(ks[12], (D, D), dtype=jnp.float32) * s
    b1 = jnp.zeros((D,), dtype=jnp.float32)
    W2 = jax.random.normal(ks[13], (D, 1), dtype=jnp.float32) * s
    b2 = jnp.zeros((1,), dtype=jnp.float32)
    return {"x": x, "edge_index": edge_index, "edge_type": edge_type,
            "hole_locs": hole_locs, "origins": origins, "W_edge": W_edge,
            "Wz": Wz, "Uz": Uz, "bz": bz, "Wr": Wr, "Ur": Ur, "br": br,
            "Wh": Wh, "Uh": Uh, "bh": bh, "W1": W1, "b1": b1, "W2": W2, "b2": b2}


def reference(x, edge_index, edge_type, hole_locs, origins, W_edge,
              Wz, Uz, bz, Wr, Ur, br, Wh, Uh, bh, W1, b1, W2, b2):
    src = edge_index[0]
    dst = edge_index[1]
    h = x
    # GGNN propagation: per-edge-type linear transform, gather over edges,
    # scatter-add (segment_sum) into destination nodes, GRU state update.
    for _ in range(STEPS):
        all_trans = jnp.einsum('nd,tdf->tnf', h, W_edge)  # [T, N, D]
        msgs = all_trans[edge_type, src]                  # gather [E, D]
        m = jax.ops.segment_sum(msgs, dst, num_segments=N)
        z = jax.nn.sigmoid(m @ Wz + h @ Uz + bz)
        r = jax.nn.sigmoid(m @ Wr + h @ Ur + br)
        htil = jnp.tanh(m @ Wh + (r * h) @ Uh + bh)
        h = (1.0 - z) * h + z * htil
    # Discriminator head: gather leaf (hole) node states, two Dense layers,
    # per-graph segment mean, sigmoid.
    states = h[hole_locs]
    states = states @ W1 + b1
    states = states @ W2 + b2
    sums = jax.ops.segment_sum(states, origins, num_segments=G)
    counts = jax.ops.segment_sum(jnp.ones((H, 1), dtype=jnp.float32), origins, num_segments=G)
    mean = sums / jnp.maximum(counts, 1.0)
    preds = jax.nn.sigmoid(mean)
    return jnp.squeeze(preds, -1)

if __name__ == "__main__":
    import jax
    _d = setup_inputs()
    print(jax.jit(kernel)(*tuple(_d.values())))

</pallas_src>

<mosaic_0001>
#map = affine_map<(d0, d1) -> (0, 0)>
#map1 = affine_map<(d0, d1) -> (0, 0, 0)>
module attributes {stable_mosaic.version = 14 : i64} {
  func.func @_seg_body(%arg0: i32, %arg1: i32, %arg2: memref<40000x128xf32, #tpu.memory_space<hbm>>, %arg3: memref<32x80x128xi32, #tpu.memory_space<hbm>>, %arg4: memref<32x80x128xi32, #tpu.memory_space<hbm>>, %arg5: memref<2x10112x128xf32, #tpu.memory_space<hbm>>, %arg6: memref<40x128xi32, #tpu.memory_space<vmem>>, %arg7: memref<40x128xi32, #tpu.memory_space<vmem>>, %arg8: memref<2x128x128xf32, #tpu.memory_space<vmem>>, %arg9: memref<8x128xf32, #tpu.memory_space<vmem>>, %arg10: memref<10112x128xf32, #tpu.memory_space<vmem_shared>>, %arg11: memref<!tpu.dma_semaphore, #tpu.memory_space<semaphore_mem>>, %arg12: memref<!tpu.dma_semaphore, #tpu.memory_space<semaphore_mem>>) attributes {dimension_semantics = [#tpu.dimension_semantics<core_parallel>, #tpu.dimension_semantics<subcore_parallel>], iteration_bounds = array<i64: 2, 16>, scalar_prefetch = 0 : i64, scratch_operands = 7 : i64, tpu.core_type = #tpu.core_type<sc_vector_subcore>, window_params = [{transform_indices = #map}, {transform_indices = #map1}, {transform_indices = #map1}, {transform_indices = #map1}]} {
    %mul3A = arith.constant 16 : i32
    %mul3A_0 = arith.muli %arg0, %mul3A : i32
    %add3A = arith.addi %mul3A_0, %arg1 : i32
    %scan3A = arith.constant 0 : i32
    %scan3A_1 = arith.constant 0 : i32
    %scan3A_2 = arith.constant 8 : i32
    %scan3A_3 = arith.addi %scan3A_1, %scan3A_2 : i32
    %scan3A_4 = arith.constant 1 : i32
    scf.for %scan3A_74 = %scan3A_1 to %scan3A_3 step %scan3A_4  : i32 {
      %broadcast_in_dim3A = arith.constant 0.000000e+00 : f32
      %broadcast_in_dim3A_75 = vector.broadcast %broadcast_in_dim3A : f32 to vector<16xf32>
      %swap3A = arith.index_cast %scan3A_74 : i32 to index
      %swap3A_76 = arith.constant 0 : index
      %swap3A_77 = tpu.vector_load %arg9[%swap3A, %swap3A_76] {strides = array<i32>} : memref<8x128xf32, #tpu.memory_space<vmem>>, vector<1x16xf32>,
      %swap3A_78 = vector.shape_cast %swap3A_77 : vector<1x16xf32> to vector<16xf32>
      %swap3A_79 = vector.shape_cast %broadcast_in_dim3A_75 : vector<16xf32> to vector<1x16xf32>
      tpu.vector_store %arg9[%swap3A, %swap3A_76], %swap3A_79 {strides = array<i32>} : memref<8x128xf32, #tpu.memory_space<vmem>>, vector<1x16xf32>,
      %broadcast_in_dim3A_80 = arith.constant 0.000000e+00 : f32
      %broadcast_in_dim3A_81 = vector.broadcast %broadcast_in_dim3A_80 : f32 to vector<16xf32>
      %swap3A_82 = arith.index_cast %scan3A_74 : i32 to index
      %swap3A_83 = arith.constant 16 : index
      %swap3A_84 = tpu.vector_load %arg9[%swap3A_82, %swap3A_83] {strides = array<i32>} : memref<8x128xf32, #tpu.memory_space<vmem>>, vector<1x16xf32>,
      %swap3A_85 = vector.shape_cast %swap3A_84 : vector<1x16xf32> to vector<16xf32>
      %swap3A_86 = vector.shape_cast %broadcast_in_dim3A_81 : vector<16xf32> to vector<1x16xf32>
      tpu.vector_store %arg9[%swap3A_82, %swap3A_83], %swap3A_86 {strides = array<i32>} : memref<8x128xf32, #tpu.memory_space<vmem>>, vector<1x16xf32>,
      %broadcast_in_dim3A_87 = arith.constant 0.000000e+00 : f32
      %broadcast_in_dim3A_88 = vector.broadcast %broadcast_in_dim3A_87 : f32 to vector<16xf32>
      %swap3A_89 = arith.index_cast %scan3A_74 : i32 to index
      %swap3A_90 = arith.constant 32 : index
      %swap3A_91 = tpu.vector_load %arg9[%swap3A_89, %swap3A_90] {strides = array<i32>} : memref<8x128xf32, #tpu.memory_space<vmem>>, vector<1x16xf32>,
      %swap3A_92 = vector.shape_cast %swap3A_91 : vector<1x16xf32> to vector<16xf32>
      %swap3A_93 = vector.shape_cast %broadcast_in_dim3A_88 : vector<16xf32> to vector<1x16xf32>
      tpu.vector_store %arg9[%swap3A_89, %swap3A_90], %swap3A_93 {strides = array<i32>} : memref<8x128xf32, #tpu.memory_space<vmem>>, vector<1x16xf32>,
      %broadcast_in_dim3A_94 = arith.constant 0.000000e+00 : f32
      %broadcast_in_dim3A_95 = vector.broadcast %broadcast_in_dim3A_94 : f32 to vector<16xf32>
      %swap3A_96 = arith.index_cast %scan3A_74 : i32 to index
      %swap3A_97 = arith.constant 48 : index
      %swap3A_98 = tpu.vector_load %arg9[%swap3A_96, %swap3A_97] {strides = array<i32>} : memref<8x128xf32, #tpu.memory_space<vmem>>, vector<1x16xf32>,
      %swap3A_99 = vector.shape_cast %swap3A_98 : vector<1x16xf32> to vector<16xf32>
      %swap3A_100 = vector.shape_cast %broadcast_in_dim3A_95 : vector<16xf32> to vector<1x16xf32>
      tpu.vector_store %arg9[%swap3A_96, %swap3A_97], %swap3A_100 {strides = array<i32>} : memref<8x128xf32, #tpu.memory_space<vmem>>, vector<1x16xf32>,
      %broadcast_in_dim3A_101 = arith.constant 0.000000e+00 : f32
      %broadcast_in_dim3A_102 = vector.broadcast %broadcast_in_dim3A_101 : f32 to vector<16xf32>
      %swap3A_103 = arith.index_cast %scan3A_74 : i32 to index
      %swap3A_104 = arith.constant 64 : index
      %swap3A_105 = tpu.vector_load %arg9[%swap3A_103, %swap3A_104] {strides = array<i32>} : memref<8x128xf32, #tpu.memory_space<vmem>>, vector<1x16xf32>,
      %swap3A_106 = vector.shape_cast %swap3A_105 : vector<1x16xf32> to vector<16xf32>
      %swap3A_107 = vector.shape_cast %broadcast_in_dim3A_102 : vector<16xf32> to vector<1x16xf32>
      tpu.vector_store %arg9[%swap3A_103, %swap3A_104], %swap3A_107 {strides = array<i32>} : memref<8x128xf32, #tpu.memory_space<vmem>>, vector<1x16xf32>,
      %broadcast_in_dim3A_108 = arith.constant 0.000000e+00 : f32
      %broadcast_in_dim3A_109 = vector.broadcast %broadcast_in_dim3A_108 : f32 to vector<16xf32>
      %swap3A_110 = arith.index_cast %scan3A_74 : i32 to index
      %swap3A_111 = arith.constant 80 : index
      %swap3A_112 = tpu.vector_load %arg9[%swap3A_110, %swap3A_111] {strides = array<i32>} : memref<8x128xf32, #tpu.memory_space<vmem>>, vector<1x16xf32>,
      %swap3A_113 = vector.shape_cast %swap3A_112 : vector<1x16xf32> to vector<16xf32>
      %swap3A_114 = vector.shape_cast %broadcast_in_dim3A_109 : vector<16xf32> to vector<1x16xf32>
      tpu.vector_store %arg9[%swap3A_110, %swap3A_111], %swap3A_114 {strides = array<i32>} : memref<8x128xf32, #tpu.memory_space<vmem>>, vector<1x16xf32>,
      %broadcast_in_dim3A_115 = arith.constant 0.000000e+00 : f32
      %broadcast_in_dim3A_116 = vector.broadcast %broadcast_in_dim3A_115 : f32 to vector<16xf32>
      %swap3A_117 = arith.index_cast %scan3A_74 : i32 to index
      %swap3A_118 = arith.constant 96 : index
      %swap3A_119 = tpu.vector_load %arg9[%swap3A_117, %swap3A_118] {strides = array<i32>} : memref<8x128xf32, #tpu.memory_space<vmem>>, vector<1x16xf32>,
      %swap3A_120 = vector.shape_cast %swap3A_119 : vector<1x16xf32> to vector<16xf32>
      %swap3A_121 = vector.shape_cast %broadcast_in_dim3A_116 : vector<16xf32> to vector<1x16xf32>
      tpu.vector_store %arg9[%swap3A_117, %swap3A_118], %swap3A_121 {strides = array<i32>} : memref<8x128xf32, #tpu.memory_space<vmem>>, vector<1x16xf32>,
      %broadcast_in_dim3A_122 = arith.constant 0.000000e+00 : f32
      %broadcast_in_dim3A_123 = vector.broadcast %broadcast_in_dim3A_122 : f32 to vector<16xf32>
      %swap3A_124 = arith.index_cast %scan3A_74 : i32 to index
      %swap3A_125 = arith.constant 112 : index
      %swap3A_126 = tpu.vector_load %arg9[%swap3A_124, %swap3A_125] {strides = array<i32>} : memref<8x128xf32, #tpu.memory_space<vmem>>, vector<1x16xf32>,
      %swap3A_127 = vector.shape_cast %swap3A_126 : vector<1x16xf32> to vector<16xf32>
      %swap3A_128 = vector.shape_cast %broadcast_in_dim3A_123 : vector<16xf32> to vector<1x16xf32>
      tpu.vector_store %arg9[%swap3A_124, %swap3A_125], %swap3A_128 {strides = array<i32>} : memref<8x128xf32, #tpu.memory_space<vmem>>, vector<1x16xf32>,
    }
    %scan3A_5 = arith.constant 8 : i32
    %mul3A_6 = arith.constant 632 : i32
    %mul3A_7 = arith.muli %arg1, %mul3A_6 : i32
    %scan3A_8 = arith.constant 0 : i32
    %scan3A_9 = arith.constant 0 : i32
    %scan3A_10 = arith.constant 79 : i32
    %scan3A_11 = arith.addi %scan3A_9, %scan3A_10 : i32
    %scan3A_12 = arith.constant 1 : i32
    scf.for %scan3A_74 = %scan3A_9 to %scan3A_11 step %scan3A_12  : i32 {
      %mul3A_75 = arith.constant 8 : i32
      %mul3A_76 = arith.muli %scan3A_74, %mul3A_75 : i32
      %add3A_77 = arith.addi %mul3A_7, %mul3A_76 : i32
      "tpu.region"() ({
        %run_scoped3A = tpu.sem_alloc : memref<!tpu.dma_semaphore, #tpu.memory_space<semaphore_mem>>
        %dma_start3A_78 = arith.constant 0 : i32
        %dma_start3A_79 = tpu.memref_slice %arg10[%add3A_77, %dma_start3A_78] : memref<10112x128xf32, #tpu.memory_space<vmem_shared>> -> memref<8x128xf32, #tpu.memory_space<vmem_shared>>
        %dma_start3A_80 = arith.constant 0 : i32
        %dma_start3A_81 = tpu.memref_slice %arg10[%add3A_77, %dma_start3A_80] : memref<10112x128xf32, #tpu.memory_space<vmem_shared>> -> memref<8x128xf32, #tpu.memory_space<vmem_shared>>
        tpu.enqueue_dma source(%arg9 : memref<8x128xf32, #tpu.memory_space<vmem>>) target(%dma_start3A_81 : memref<8x128xf32, #tpu.memory_space<vmem_shared>>) target_semaphore(%run_scoped3A : memref<!tpu.dma_semaphore, #tpu.memory_space<semaphore_mem>>)
        %dma_wait3A = arith.constant 0 : i32
        %dma_wait3A_82 = tpu.memref_slice %arg10[%add3A_77, %dma_wait3A] : memref<10112x128xf32, #tpu.memory_space<vmem_shared>> -> memref<8x128xf32, #tpu.memory_space<vmem_shared>>
        %dma_wait3A_83 = arith.constant 0 : i32
        %dma_wait3A_84 = tpu.memref_slice %arg10[%add3A_77, %dma_wait3A_83] : memref<10112x128xf32, #tpu.memory_space<vmem_shared>> -> memref<8x128xf32, #tpu.memory_space<vmem_shared>>
        tpu.wait_dma2 semaphore(%run_scoped3A : memref<!tpu.dma_semaphore, #tpu.memory_space<semaphore_mem>>) src(%arg9 : memref<8x128xf32, #tpu.memory_space<vmem>>) dst(%dma_wait3A_84 : memref<8x128xf32, #tpu.memory_space<vmem_shared>>)
        tpu.yield
      }) : () -> ()
    }
    %scan3A_13 = arith.constant 79 : i32
    %barrier3A = arith.constant 0 : index
    tpu.barrier barrier_id(%barrier3A)
    "tpu.region"() ({
      %run_scoped3A = tpu.sem_alloc : memref<!tpu.dma_semaphore, #tpu.memory_space<semaphore_mem>>
      %dma_start3A_74 = arith.constant 0 : i32
      %dma_start3A_75 = arith.constant 0 : i32
      %dma_start3A_76 = tpu.memref_slice %arg3[%add3A, %dma_start3A_74, %dma_start3A_75] : memref<32x80x128xi32, #tpu.memory_space<hbm>> -> memref<1x40x128xi32, #tpu.memory_space<hbm>>
      %dma_start3A_77 = tpu.memref_squeeze %dma_start3A_76 : memref<1x40x128xi32, #tpu.memory_space<hbm>> -> memref<40x128xi32, #tpu.memory_space<hbm>>
      %dma_start3A_78 = arith.constant 0 : i32
      %dma_start3A_79 = arith.constant 0 : i32
      %dma_start3A_80 = tpu.memref_slice %arg3[%add3A, %dma_start3A_78, %dma_start3A_79] : memref<32x80x128xi32, #tpu.memory_space<hbm>> -> memref<1x40x128xi32, #tpu.memory_space<hbm>>
      %dma_start3A_81 = tpu.memref_squeeze %dma_start3A_80 : memref<1x40x128xi32, #tpu.memory_space<hbm>> -> memref<40x128xi32, #tpu.memory_space<hbm>>
      tpu.enqueue_dma source(%dma_start3A_81 : memref<40x128xi32, #tpu.memory_space<hbm>>) target(%arg6 : memref<40x128xi32, #tpu.memory_space<vmem>>) target_semaphore(%run_scoped3A : memref<!tpu.dma_semaphore, #tpu.memory_space<semaphore_mem>>)
      %dma_wait3A = arith.constant 0 : i32
      %dma_wait3A_82 = arith.constant 0 : i32
      %dma_wait3A_83 = tpu.memref_slice %arg3[%add3A, %dma_wait3A, %dma_wait3A_82] : memref<32x80x128xi32, #tpu.memory_space<hbm>> -> memref<1x40x128xi32, #tpu.memory_space<hbm>>
      %dma_wait3A_84 = tpu.memref_squeeze %dma_wait3A_83 : memref<1x40x128xi32, #tpu.memory_space<hbm>> -> memref<40x128xi32, #tpu.memory_space<hbm>>
      %dma_wait3A_85 = arith.constant 0 : i32
      %dma_wait3A_86 = arith.constant 0 : i32
      %dma_wait3A_87 = tpu.memref_slice %arg3[%add3A, %dma_wait3A_85, %dma_wait3A_86] : memref<32x80x128xi32, #tpu.memory_space<hbm>> -> memref<1x40x128xi32, #tpu.memory_space<hbm>>
      %dma_wait3A_88 = tpu.memref_squeeze %dma_wait3A_87 : memref<1x40x128xi32, #tpu.memory_space<hbm>> -> memref<40x128xi32, #tpu.memory_space<hbm>>
      tpu.wait_dma2 semaphore(%run_scoped3A : memref<!tpu.dma_semaphore, #tpu.memory_space<semaphore_mem>>) src(%dma_wait3A_88 : memref<40x128xi32, #tpu.memory_space<hbm>>) dst(%arg6 : memref<40x128xi32, #tpu.memory_space<vmem>>)
      tpu.yield
    }) : () -> ()
    "tpu.region"() ({
      %run_scoped3A = tpu.sem_alloc : memref<!tpu.dma_semaphore, #tpu.memory_space<semaphore_mem>>
      %dma_start3A_74 = arith.constant 0 : i32
      %dma_start3A_75 = arith.constant 0 : i32
      %dma_start3A_76 = tpu.memref_slice %arg4[%add3A, %dma_start3A_74, %dma_start3A_75] : memref<32x80x128xi32, #tpu.memory_space<hbm>> -> memref<1x40x128xi32, #tpu.memory_space<hbm>>
      %dma_start3A_77 = tpu.memref_squeeze %dma_start3A_76 : memref<1x40x128xi32, #tpu.memory_space<hbm>> -> memref<40x128xi32, #tpu.memory_space<hbm>>
      %dma_start3A_78 = arith.constant 0 : i32
      %dma_start3A_79 = arith.constant 0 : i32
      %dma_start3A_80 = tpu.memref_slice %arg4[%add3A, %dma_start3A_78, %dma_start3A_79] : memref<32x80x128xi32, #tpu.memory_space<hbm>> -> memref<1x40x128xi32, #tpu.memory_space<hbm>>
      %dma_start3A_81 = tpu.memref_squeeze %dma_start3A_80 : memref<1x40x128xi32, #tpu.memory_space<hbm>> -> memref<40x128xi32, #tpu.memory_space<hbm>>
      tpu.enqueue_dma source(%dma_start3A_81 : memref<40x128xi32, #tpu.memory_space<hbm>>) target(%arg7 : memref<40x128xi32, #tpu.memory_space<vmem>>) target_semaphore(%run_scoped3A : memref<!tpu.dma_semaphore, #tpu.memory_space<semaphore_mem>>)
      %dma_wait3A = arith.constant 0 : i32
      %dma_wait3A_82 = arith.constant 0 : i32
      %dma_wait3A_83 = tpu.memref_slice %arg4[%add3A, %dma_wait3A, %dma_wait3A_82] : memref<32x80x128xi32, #tpu.memory_space<hbm>> -> memref<1x40x128xi32, #tpu.memory_space<hbm>>
      %dma_wait3A_84 = tpu.memref_squeeze %dma_wait3A_83 : memref<1x40x128xi32, #tpu.memory_space<hbm>> -> memref<40x128xi32, #tpu.memory_space<hbm>>
      %dma_wait3A_85 = arith.constant 0 : i32
      %dma_wait3A_86 = arith.constant 0 : i32
      %dma_wait3A_87 = tpu.memref_slice %arg4[%add3A, %dma_wait3A_85, %dma_wait3A_86] : memref<32x80x128xi32, #tpu.memory_space<hbm>> -> memref<1x40x128xi32, #tpu.memory_space<hbm>>
      %dma_wait3A_88 = tpu.memref_squeeze %dma_wait3A_87 : memref<1x40x128xi32, #tpu.memory_space<hbm>> -> memref<40x128xi32, #tpu.memory_space<hbm>>
      tpu.wait_dma2 semaphore(%run_scoped3A : memref<!tpu.dma_semaphore, #tpu.memory_space<semaphore_mem>>) src(%dma_wait3A_88 : memref<40x128xi32, #tpu.memory_space<hbm>>) dst(%arg7 : memref<40x128xi32, #tpu.memory_space<vmem>>)
      tpu.yield
    }) : () -> ()
    %dma_start3A = arith.constant 0 : i32
    %dma_start3A_14 = arith.constant 0 : i32
    %dma_start3A_15 = arith.constant 0 : i32
    %dma_start3A_16 = arith.constant 0 : i32
    %dma_start3A_17 = tpu.memref_slice %arg8[%dma_start3A_14, %dma_start3A_15, %dma_start3A_16] : memref<2x128x128xf32, #tpu.memory_space<vmem>> -> memref<1x128x128xf32, #tpu.memory_space<vmem>>
    %dma_start3A_18 = tpu.memref_squeeze %dma_start3A_17 : memref<1x128x128xf32, #tpu.memory_space<vmem>> -> memref<128x128xf32, #tpu.memory_space<vmem>>
    %dma_start3A_19 = arith.constant 0 : i32
    %dma_start3A_20 = tpu.memref_slice %arg6[%dma_start3A, %dma_start3A_19] : memref<40x128xi32, #tpu.memory_space<vmem>> -> memref<1x128xi32, #tpu.memory_space<vmem>>
    %dma_start3A_21 = tpu.memref_squeeze %dma_start3A_20 : memref<1x128xi32, #tpu.memory_space<vmem>> -> memref<128xi32, #tpu.memory_space<vmem>>
    %dma_start3A_22 = arith.constant 0 : i32
    %dma_start3A_23 = arith.constant 0 : i32
    %dma_start3A_24 = tpu.memref_slice %arg2[%dma_start3A_22, %dma_start3A_23] : memref<40000x128xf32, #tpu.memory_space<hbm>> -> memref<40000x128xf32, #tpu.memory_space<hbm>>
    tpu.enqueue_indirect_dma source(%dma_start3A_24 : memref<40000x128xf32, #tpu.memory_space<hbm>>) target(%dma_start3A_18 : memref<128x128xf32, #tpu.memory_space<vmem>>) offsets(%dma_start3A_21 : memref<128xi32, #tpu.memory_space<vmem>>) semaphore(%arg11 : memref<!tpu.dma_semaphore, #tpu.memory_space<semaphore_mem>>)
    %dma_start3A_25 = arith.constant 1 : i32
    %dma_start3A_26 = arith.constant 1 : i32
    %dma_start3A_27 = arith.constant 0 : i32
    %dma_start3A_28 = arith.constant 0 : i32
    %dma_start3A_29 = tpu.memref_slice %arg8[%dma_start3A_26, %dma_start3A_27, %dma_start3A_28] : memref<2x128x128xf32, #tpu.memory_space<vmem>> -> memref<1x128x128xf32, #tpu.memory_space<vmem>>
    %dma_start3A_30 = tpu.memref_squeeze %dma_start3A_29 : memref<1x128x128xf32, #tpu.memory_space<vmem>> -> memref<128x128xf32, #tpu.memory_space<vmem>>
    %dma_start3A_31 = arith.constant 0 : i32
    %dma_start3A_32 = tpu.memref_slice %arg6[%dma_start3A_25, %dma_start3A_31] : memref<40x128xi32, #tpu.memory_space<vmem>> -> memref<1x128xi32, #tpu.memory_space<vmem>>
    %dma_start3A_33 = tpu.memref_squeeze %dma_start3A_32 : memref<1x128xi32, #tpu.memory_space<vmem>> -> memref<128xi32, #tpu.memory_space<vmem>>
    %dma_start3A_34 = arith.constant 0 : i32
    %dma_start3A_35 = arith.constant 0 : i32
    %dma_start3A_36 = tpu.memref_slice %arg2[%dma_start3A_34, %dma_start3A_35] : memref<40000x128xf32, #tpu.memory_space<hbm>> -> memref<40000x128xf32, #tpu.memory_space<hbm>>
    tpu.enqueue_indirect_dma source(%dma_start3A_36 : memref<40000x128xf32, #tpu.memory_space<hbm>>) target(%dma_start3A_30 : memref<128x128xf32, #tpu.memory_space<vmem>>) offsets(%dma_start3A_33 : memref<128xi32, #tpu.memory_space<vmem>>) semaphore(%arg12 : memref<!tpu.dma_semaphore, #tpu.memory_space<semaphore_mem>>)
    %scan3A_37 = arith.constant 0 : i32
    %scan3A_38 = arith.constant 0 : i32
    %scan3A_39 = arith.constant 20 : i32
    %scan3A_40 = arith.addi %scan3A_38, %scan3A_39 : i32
    %scan3A_41 = arith.constant 1 : i32
    scf.for %scan3A_74 = %scan3A_38 to %scan3A_40 step %scan3A_41  : i32 {
      %mul3A_75 = arith.constant 2 : i32
      %mul3A_76 = arith.muli %mul3A_75, %scan3A_74 : i32
      %dma_wait3A = arith.constant 0 : i32
      %dma_wait3A_77 = arith.constant 0 : i32
      %dma_wait3A_78 = arith.constant 0 : i32
      %dma_wait3A_79 = tpu.memref_slice %arg8[%dma_wait3A, %dma_wait3A_77, %dma_wait3A_78] : memref<2x128x128xf32, #tpu.memory_space<vmem>> -> memref<1x128x128xf32, #tpu.memory_space<vmem>>
      %dma_wait3A_80 = tpu.memref_squeeze %dma_wait3A_79 : memref<1x128x128xf32, #tpu.memory_space<vmem>> -> memref<128x128xf32, #tpu.memory_space<vmem>>
      %dma_wait3A_81 = arith.constant 0 : i32
      %dma_wait3A_82 = tpu.memref_slice %arg6[%mul3A_76, %dma_wait3A_81] : memref<40x128xi32, #tpu.memory_space<vmem>> -> memref<1x128xi32, #tpu.memory_space<vmem>>
      %dma_wait3A_83 = tpu.memref_squeeze %dma_wait3A_82 : memref<1x128xi32, #tpu.memory_space<vmem>> -> memref<128xi32, #tpu.memory_space<vmem>>
      %dma_wait3A_84 = arith.constant 0 : i32
      %dma_wait3A_85 = arith.constant 0 : i32
      %dma_wait3A_86 = tpu.memref_slice %arg2[%dma_wait3A_84, %dma_wait3A_85] : memref<40000x128xf32, #tpu.memory_space<hbm>> -> memref<40000x128xf32, #tpu.memory_space<hbm>>
      tpu.wait_indirect_dma semaphore(%arg11 : memref<!tpu.dma_semaphore, #tpu.memory_space<semaphore_mem>>) src(%dma_wait3A_86 : memref<40000x128xf32, #tpu.memory_space<hbm>>) dst(%dma_wait3A_80 : memref<128x128xf32, #tpu.memory_space<vmem>>)
      %mul3A_87 = arith.constant 2 : i32
      %mul3A_88 = arith.muli %mul3A_87, %scan3A_74 : i32
      %run_scoped3A = arith.constant 0 : i32
      "tpu.region"() ({
        %run_scoped3A_120 = tpu.sem_alloc : memref<!tpu.dma_semaphore, #tpu.memory_space<semaphore_mem>>
        %dma_start3A_121 = arith.constant 0 : i32
        %dma_start3A_122 = arith.constant 0 : i32
        %dma_start3A_123 = tpu.memref_slice %arg8[%run_scoped3A, %dma_start3A_121, %dma_start3A_122] : memref<2x128x128xf32, #tpu.memory_space<vmem>> -> memref<1x128x128xf32, #tpu.memory_space<vmem>>
        %dma_start3A_124 = tpu.memref_squeeze %dma_start3A_123 : memref<1x128x128xf32, #tpu.memory_space<vmem>> -> memref<128x128xf32, #tpu.memory_space<vmem>>
        %dma_start3A_125 = arith.constant 0 : i32
        %dma_start3A_126 = tpu.memref_slice %arg7[%mul3A_88, %dma_start3A_125] : memref<40x128xi32, #tpu.memory_space<vmem>> -> memref<1x128xi32, #tpu.memory_space<vmem>>
        %dma_start3A_127 = tpu.memref_squeeze %dma_start3A_126 : memref<1x128xi32, #tpu.memory_space<vmem>> -> memref<128xi32, #tpu.memory_space<vmem>>
        %dma_start3A_128 = arith.constant 0 : i32
        %dma_start3A_129 = arith.constant 0 : i32
        %dma_start3A_130 = tpu.memref_slice %arg10[%dma_start3A_128, %dma_start3A_129] : memref<10112x128xf32, #tpu.memory_space<vmem_shared>> -> memref<10112x128xf32, #tpu.memory_space<vmem_shared>>
        tpu.enqueue_indirect_dma source(%dma_start3A_124 : memref<128x128xf32, #tpu.memory_space<vmem>>) target(%dma_start3A_130 : memref<10112x128xf32, #tpu.memory_space<vmem_shared>>) offsets(%dma_start3A_127 : memref<128xi32, #tpu.memory_space<vmem>>) semaphore(%run_scoped3A_120 : memref<!tpu.dma_semaphore, #tpu.memory_space<semaphore_mem>>) {add = true}
        %dma_wait3A_131 = arith.constant 0 : i32
        %dma_wait3A_132 = arith.constant 0 : i32
        %dma_wait3A_133 = tpu.memref_slice %arg8[%run_scoped3A, %dma_wait3A_131, %dma_wait3A_132] : memref<2x128x128xf32, #tpu.memory_space<vmem>> -> memref<1x128x128xf32, #tpu.memory_space<vmem>>
        %dma_wait3A_134 = tpu.memref_squeeze %dma_wait3A_133 : memref<1x128x128xf32, #tpu.memory_space<vmem>> -> memref<128x128xf32, #tpu.memory_space<vmem>>
        %dma_wait3A_135 = arith.constant 0 : i32
        %dma_wait3A_136 = tpu.memref_slice %arg7[%mul3A_88, %dma_wait3A_135] : memref<40x128xi32, #tpu.memory_space<vmem>> -> memref<1x128xi32, #tpu.memory_space<vmem>>
        %dma_wait3A_137 = tpu.memref_squeeze %dma_wait3A_136 : memref<1x128xi32, #tpu.memory_space<vmem>> -> memref<128xi32, #tpu.memory_space<vmem>>
        %dma_wait3A_138 = arith.constant 0 : i32
        %dma_wait3A_139 = arith.constant 0 : i32
        %dma_wait3A_140 = tpu.memref_slice %arg10[%dma_wait3A_138, %dma_wait3A_139] : memref<10112x128xf32, #tpu.memory_space<vmem_shared>> -> memref<10112x128xf32, #tpu.memory_space<vmem_shared>>
        tpu.wait_indirect_dma semaphore(%run_scoped3A_120 : memref<!tpu.dma_semaphore, #tpu.memory_space<semaphore_mem>>) src(%dma_wait3A_134 : memref<128x128xf32, #tpu.memory_space<vmem>>) dst(%dma_wait3A_140 : memref<10112x128xf32, #tpu.memory_space<vmem_shared>>)
        tpu.yield
      }) : () -> ()
      %add3A_89 = arith.constant 1 : i32
      %add3A_90 = arith.addi %scan3A_74, %add3A_89 : i32
      %lt3A = arith.constant 20 : i32
      %lt3A_91 = arith.cmpi slt, %add3A_90, %lt3A : i32
      %convert_element_type3A = arith.extui %lt3A_91 : i1 to i32
      %cond3A = arith.constant 0 : i32
      %cond3A_92 = arith.cmpi ne, %convert_element_type3A, %cond3A : i32
      scf.if %cond3A_92 {
        %mul3A_120 = arith.constant 2 : i32
        %mul3A_121 = arith.muli %mul3A_120, %scan3A_74 : i32
        %add3A_122 = arith.constant 2 : i32
        %add3A_123 = arith.addi %mul3A_121, %add3A_122 : i32
        %dma_start3A_124 = arith.constant 0 : i32
        %dma_start3A_125 = arith.constant 0 : i32
        %dma_start3A_126 = arith.constant 0 : i32
        %dma_start3A_127 = tpu.memref_slice %arg8[%dma_start3A_124, %dma_start3A_125, %dma_start3A_126] : memref<2x128x128xf32, #tpu.memory_space<vmem>> -> memref<1x128x128xf32, #tpu.memory_space<vmem>>
        %dma_start3A_128 = tpu.memref_squeeze %dma_start3A_127 : memref<1x128x128xf32, #tpu.memory_space<vmem>> -> memref<128x128xf32, #tpu.memory_space<vmem>>
        %dma_start3A_129 = arith.constant 0 : i32
        %dma_start3A_130 = tpu.memref_slice %arg6[%add3A_123, %dma_start3A_129] : memref<40x128xi32, #tpu.memory_space<vmem>> -> memref<1x128xi32, #tpu.memory_space<vmem>>
        %dma_start3A_131 = tpu.memref_squeeze %dma_start3A_130 : memref<1x128xi32, #tpu.memory_space<vmem>> -> memref<128xi32, #tpu.memory_space<vmem>>
        %dma_start3A_132 = arith.constant 0 : i32
        %dma_start3A_133 = arith.constant 0 : i32
        %dma_start3A_134 = tpu.memref_slice %arg2[%dma_start3A_132, %dma_start3A_133] : memref<40000x128xf32, #tpu.memory_space<hbm>> -> memref<40000x128xf32, #tpu.memory_space<hbm>>
        tpu.enqueue_indirect_dma source(%dma_start3A_134 : memref<40000x128xf32, #tpu.memory_space<hbm>>) target(%dma_start3A_128 : memref<128x128xf32, #tpu.memory_space<vmem>>) offsets(%dma_start3A_131 : memref<128xi32, #tpu.memory_space<vmem>>) semaphore(%arg11 : memref<!tpu.dma_semaphore, #tpu.memory_space<semaphore_mem>>)
      } else {
      }
      %mul3A_93 = arith.constant 2 : i32
      %mul3A_94 = arith.muli %mul3A_93, %scan3A_74 : i32
      %add3A_95 = arith.constant 1 : i32
      %add3A_96 = arith.addi %mul3A_94, %add3A_95 : i32
      %dma_wait3A_97 = arith.constant 1 : i32
      %dma_wait3A_98 = arith.constant 0 : i32
      %dma_wait3A_99 = arith.constant 0 : i32
      %dma_wait3A_100 = tpu.memref_slice %arg8[%dma_wait3A_97, %dma_wait3A_98, %dma_wait3A_99] : memref<2x128x128xf32, #tpu.memory_space<vmem>> -> memref<1x128x128xf32, #tpu.memory_space<vmem>>
      %dma_wait3A_101 = tpu.memref_squeeze %dma_wait3A_100 : memref<1x128x128xf32, #tpu.memory_space<vmem>> -> memref<128x128xf32, #tpu.memory_space<vmem>>
      %dma_wait3A_102 = arith.constant 0 : i32
      %dma_wait3A_103 = tpu.memref_slice %arg6[%add3A_96, %dma_wait3A_102] : memref<40x128xi32, #tpu.memory_space<vmem>> -> memref<1x128xi32, #tpu.memory_space<vmem>>
      %dma_wait3A_104 = tpu.memref_squeeze %dma_wait3A_103 : memref<1x128xi32, #tpu.memory_space<vmem>> -> memref<128xi32, #tpu.memory_space<vmem>>
      %dma_wait3A_105 = arith.constant 0 : i32
      %dma_wait3A_106 = arith.constant 0 : i32
      %dma_wait3A_107 = tpu.memref_slice %arg2[%dma_wait3A_105, %dma_wait3A_106] : memref<40000x128xf32, #tpu.memory_space<hbm>> -> memref<40000x128xf32, #tpu.memory_space<hbm>>
      tpu.wait_indirect_dma semaphore(%arg12 : memref<!tpu.dma_semaphore, #tpu.memory_space<semaphore_mem>>) src(%dma_wait3A_107 : memref<40000x128xf32, #tpu.memory_space<hbm>>) dst(%dma_wait3A_101 : memref<128x128xf32, #tpu.memory_space<vmem>>)
      %mul3A_108 = arith.constant 2 : i32
      %mul3A_109 = arith.muli %mul3A_108, %scan3A_74 : i32
      %add3A_110 = arith.constant 1 : i32
      %add3A_111 = arith.addi %mul3A_109, %add3A_110 : i32
      %run_scoped3A_112 = arith.constant 1 : i32
      "tpu.region"() ({
        %run_scoped3A_120 = tpu.sem_alloc : memref<!tpu.dma_semaphore, #tpu.memory_space<semaphore_mem>>
        %dma_start3A_121 = arith.constant 0 : i32
        %dma_start3A_122 = arith.constant 0 : i32
        %dma_start3A_123 = tpu.memref_slice %arg8[%run_scoped3A_112, %dma_start3A_121, %dma_start3A_122] : memref<2x128x128xf32, #tpu.memory_space<vmem>> -> memref<1x128x128xf32, #tpu.memory_space<vmem>>
        %dma_start3A_124 = tpu.memref_squeeze %dma_start3A_123 : memref<1x128x128xf32, #tpu.memory_space<vmem>> -> memref<128x128xf32, #tpu.memory_space<vmem>>
        %dma_start3A_125 = arith.constant 0 : i32
        %dma_start3A_126 = tpu.memref_slice %arg7[%add3A_111, %dma_start3A_125] : memref<40x128xi32, #tpu.memory_space<vmem>> -> memref<1x128xi32, #tpu.memory_space<vmem>>
        %dma_start3A_127 = tpu.memref_squeeze %dma_start3A_126 : memref<1x128xi32, #tpu.memory_space<vmem>> -> memref<128xi32, #tpu.memory_space<vmem>>
        %dma_start3A_128 = arith.constant 0 : i32
        %dma_start3A_129 = arith.constant 0 : i32
        %dma_start3A_130 = tpu.memref_slice %arg10[%dma_start3A_128, %dma_start3A_129] : memref<10112x128xf32, #tpu.memory_space<vmem_shared>> -> memref<10112x128xf32, #tpu.memory_space<vmem_shared>>
        tpu.enqueue_indirect_dma source(%dma_start3A_124 : memref<128x128xf32, #tpu.memory_space<vmem>>) target(%dma_start3A_130 : memref<10112x128xf32, #tpu.memory_space<vmem_shared>>) offsets(%dma_start3A_127 : memref<128xi32, #tpu.memory_space<vmem>>) semaphore(%run_scoped3A_120 : memref<!tpu.dma_semaphore, #tpu.memory_space<semaphore_mem>>) {add = true}
        %dma_wait3A_131 = arith.constant 0 : i32
        %dma_wait3A_132 = arith.constant 0 : i32
        %dma_wait3A_133 = tpu.memref_slice %arg8[%run_scoped3A_112, %dma_wait3A_131, %dma_wait3A_132] : memref<2x128x128xf32, #tpu.memory_space<vmem>> -> memref<1x128x128xf32, #tpu.memory_space<vmem>>
        %dma_wait3A_134 = tpu.memref_squeeze %dma_wait3A_133 : memref<1x128x128xf32, #tpu.memory_space<vmem>> -> memref<128x128xf32, #tpu.memory_space<vmem>>
        %dma_wait3A_135 = arith.constant 0 : i32
        %dma_wait3A_136 = tpu.memref_slice %arg7[%add3A_111, %dma_wait3A_135] : memref<40x128xi32, #tpu.memory_space<vmem>> -> memref<1x128xi32, #tpu.memory_space<vmem>>
        %dma_wait3A_137 = tpu.memref_squeeze %dma_wait3A_136 : memref<1x128xi32, #tpu.memory_space<vmem>> -> memref<128xi32, #tpu.memory_space<vmem>>
        %dma_wait3A_138 = arith.constant 0 : i32
        %dma_wait3A_139 = arith.constant 0 : i32
        %dma_wait3A_140 = tpu.memref_slice %arg10[%dma_wait3A_138, %dma_wait3A_139] : memref<10112x128xf32, #tpu.memory_space<vmem_shared>> -> memref<10112x128xf32, #tpu.memory_space<vmem_shared>>
        tpu.wait_indirect_dma semaphore(%run_scoped3A_120 : memref<!tpu.dma_semaphore, #tpu.memory_space<semaphore_mem>>) src(%dma_wait3A_134 : memref<128x128xf32, #tpu.memory_space<vmem>>) dst(%dma_wait3A_140 : memref<10112x128xf32, #tpu.memory_space<vmem_shared>>)
        tpu.yield
      }) : () -> ()
      %add3A_113 = arith.constant 1 : i32
      %add3A_114 = arith.addi %scan3A_74, %add3A_113 : i32
      %lt3A_115 = arith.constant 20 : i32
      %lt3A_116 = arith.cmpi slt, %add3A_114, %lt3A_115 : i32
      %convert_element_type3A_117 = arith.extui %lt3A_116 : i1 to i32
      %cond3A_118 = arith.constant 0 : i32
      %cond3A_119 = arith.cmpi ne, %convert_element_type3A_117, %cond3A_118 : i32
      scf.if %cond3A_119 {
        %mul3A_120 = arith.constant 2 : i32
        %mul3A_121 = arith.muli %mul3A_120, %scan3A_74 : i32
        %add3A_122 = arith.constant 3 : i32
        %add3A_123 = arith.addi %mul3A_121, %add3A_122 : i32
        %dma_start3A_124 = arith.constant 1 : i32
        %dma_start3A_125 = arith.constant 0 : i32
        %dma_start3A_126 = arith.constant 0 : i32
        %dma_start3A_127 = tpu.memref_slice %arg8[%dma_start3A_124, %dma_start3A_125, %dma_start3A_126] : memref<2x128x128xf32, #tpu.memory_space<vmem>> -> memref<1x128x128xf32, #tpu.memory_space<vmem>>
        %dma_start3A_128 = tpu.memref_squeeze %dma_start3A_127 : memref<1x128x128xf32, #tpu.memory_space<vmem>> -> memref<128x128xf32, #tpu.memory_space<vmem>>
        %dma_start3A_129 = arith.constant 0 : i32
        %dma_start3A_130 = tpu.memref_slice %arg6[%add3A_123, %dma_start3A_129] : memref<40x128xi32, #tpu.memory_space<vmem>> -> memref<1x128xi32, #tpu.memory_space<vmem>>
        %dma_start3A_131 = tpu.memref_squeeze %dma_start3A_130 : memref<1x128xi32, #tpu.memory_space<vmem>> -> memref<128xi32, #tpu.memory_space<vmem>>
        %dma_start3A_132 = arith.constant 0 : i32
        %dma_start3A_133 = arith.constant 0 : i32
        %dma_start3A_134 = tpu.memref_slice %arg2[%dma_start3A_132, %dma_start3A_133] : memref<40000x128xf32, #tpu.memory_space<hbm>> -> memref<40000x128xf32, #tpu.memory_space<hbm>>
        tpu.enqueue_indirect_dma source(%dma_start3A_134 : memref<40000x128xf32, #tpu.memory_space<hbm>>) target(%dma_start3A_128 : memref<128x128xf32, #tpu.memory_space<vmem>>) offsets(%dma_start3A_131 : memref<128xi32, #tpu.memory_space<vmem>>) semaphore(%arg12 : memref<!tpu.dma_semaphore, #tpu.memory_space<semaphore_mem>>)
      } else {
      }
    }
    %scan3A_42 = arith.constant 20 : i32
    "tpu.region"() ({
      %run_scoped3A = tpu.sem_alloc : memref<!tpu.dma_semaphore, #tpu.memory_space<semaphore_mem>>
      %dma_start3A_74 = arith.constant 40 : i32
      %dma_start3A_75 = arith.constant 0 : i32
      %dma_start3A_76 = tpu.memref_slice %arg3[%add3A, %dma_start3A_74, %dma_start3A_75] : memref<32x80x128xi32, #tpu.memory_space<hbm>> -> memref<1x40x128xi32, #tpu.memory_space<hbm>>
      %dma_start3A_77 = tpu.memref_squeeze %dma_start3A_76 : memref<1x40x128xi32, #tpu.memory_space<hbm>> -> memref<40x128xi32, #tpu.memory_space<hbm>>
      %dma_start3A_78 = arith.constant 40 : i32
      %dma_start3A_79 = arith.constant 0 : i32
      %dma_start3A_80 = tpu.memref_slice %arg3[%add3A, %dma_start3A_78, %dma_start3A_79] : memref<32x80x128xi32, #tpu.memory_space<hbm>> -> memref<1x40x128xi32, #tpu.memory_space<hbm>>
      %dma_start3A_81 = tpu.memref_squeeze %dma_start3A_80 : memref<1x40x128xi32, #tpu.memory_space<hbm>> -> memref<40x128xi32, #tpu.memory_space<hbm>>
      tpu.enqueue_dma source(%dma_start3A_81 : memref<40x128xi32, #tpu.memory_space<hbm>>) target(%arg6 : memref<40x128xi32, #tpu.memory_space<vmem>>) target_semaphore(%run_scoped3A : memref<!tpu.dma_semaphore, #tpu.memory_space<semaphore_mem>>)
      %dma_wait3A = arith.constant 40 : i32
      %dma_wait3A_82 = arith.constant 0 : i32
      %dma_wait3A_83 = tpu.memref_slice %arg3[%add3A, %dma_wait3A, %dma_wait3A_82] : memref<32x80x128xi32, #tpu.memory_space<hbm>> -> memref<1x40x128xi32, #tpu.memory_space<hbm>>
      %dma_wait3A_84 = tpu.memref_squeeze %dma_wait3A_83 : memref<1x40x128xi32, #tpu.memory_space<hbm>> -> memref<40x128xi32, #tpu.memory_space<hbm>>
      %dma_wait3A_85 = arith.constant 40 : i32
      %dma_wait3A_86 = arith.constant 0 : i32
      %dma_wait3A_87 = tpu.memref_slice %arg3[%add3A, %dma_wait3A_85, %dma_wait3A_86] : memref<32x80x128xi32, #tpu.memory_space<hbm>> -> memref<1x40x128xi32, #tpu.memory_space<hbm>>
      %dma_wait3A_88 = tpu.memref_squeeze %dma_wait3A_87 : memref<1x40x128xi32, #tpu.memory_space<hbm>> -> memref<40x128xi32, #tpu.memory_space<hbm>>
      tpu.wait_dma2 semaphore(%run_scoped3A : memref<!tpu.dma_semaphore, #tpu.memory_space<semaphore_mem>>) src(%dma_wait3A_88 : memref<40x128xi32, #tpu.memory_space<hbm>>) dst(%arg6 : memref<40x128xi32, #tpu.memory_space<vmem>>)
      tpu.yield
    }) : () -> ()
    "tpu.region"() ({
      %run_scoped3A = tpu.sem_alloc : memref<!tpu.dma_semaphore, #tpu.memory_space<semaphore_mem>>
      %dma_start3A_74 = arith.constant 40 : i32
      %dma_start3A_75 = arith.constant 0 : i32
      %dma_start3A_76 = tpu.memref_slice %arg4[%add3A, %dma_start3A_74, %dma_start3A_75] : memref<32x80x128xi32, #tpu.memory_space<hbm>> -> memref<1x40x128xi32, #tpu.memory_space<hbm>>
      %dma_start3A_77 = tpu.memref_squeeze %dma_start3A_76 : memref<1x40x128xi32, #tpu.memory_space<hbm>> -> memref<40x128xi32, #tpu.memory_space<hbm>>
      %dma_start3A_78 = arith.constant 40 : i32
      %dma_start3A_79 = arith.constant 0 : i32
      %dma_start3A_80 = tpu.memref_slice %arg4[%add3A, %dma_start3A_78, %dma_start3A_79] : memref<32x80x128xi32, #tpu.memory_space<hbm>> -> memref<1x40x128xi32, #tpu.memory_space<hbm>>
      %dma_start3A_81 = tpu.memref_squeeze %dma_start3A_80 : memref<1x40x128xi32, #tpu.memory_space<hbm>> -> memref<40x128xi32, #tpu.memory_space<hbm>>
      tpu.enqueue_dma source(%dma_start3A_81 : memref<40x128xi32, #tpu.memory_space<hbm>>) target(%arg7 : memref<40x128xi32, #tpu.memory_space<vmem>>) target_semaphore(%run_scoped3A : memref<!tpu.dma_semaphore, #tpu.memory_space<semaphore_mem>>)
      %dma_wait3A = arith.constant 40 : i32
      %dma_wait3A_82 = arith.constant 0 : i32
      %dma_wait3A_83 = tpu.memref_slice %arg4[%add3A, %dma_wait3A, %dma_wait3A_82] : memref<32x80x128xi32, #tpu.memory_space<hbm>> -> memref<1x40x128xi32, #tpu.memory_space<hbm>>
      %dma_wait3A_84 = tpu.memref_squeeze %dma_wait3A_83 : memref<1x40x128xi32, #tpu.memory_space<hbm>> -> memref<40x128xi32, #tpu.memory_space<hbm>>
      %dma_wait3A_85 = arith.constant 40 : i32
      %dma_wait3A_86 = arith.constant 0 : i32
      %dma_wait3A_87 = tpu.memref_slice %arg4[%add3A, %dma_wait3A_85, %dma_wait3A_86] : memref<32x80x128xi32, #tpu.memory_space<hbm>> -> memref<1x40x128xi32, #tpu.memory_space<hbm>>
      %dma_wait3A_88 = tpu.memref_squeeze %dma_wait3A_87 : memref<1x40x128xi32, #tpu.memory_space<hbm>> -> memref<40x128xi32, #tpu.memory_space<hbm>>
      tpu.wait_dma2 semaphore(%run_scoped3A : memref<!tpu.dma_semaphore, #tpu.memory_space<semaphore_mem>>) src(%dma_wait3A_88 : memref<40x128xi32, #tpu.memory_space<hbm>>) dst(%arg7 : memref<40x128xi32, #tpu.memory_space<vmem>>)
      tpu.yield
    }) : () -> ()
    %dma_start3A_43 = arith.constant 0 : i32
    %dma_start3A_44 = arith.constant 0 : i32
    %dma_start3A_45 = arith.constant 0 : i32
    %dma_start3A_46 = arith.constant 0 : i32
    %dma_start3A_47 = tpu.memref_slice %arg8[%dma_start3A_44, %dma_start3A_45, %dma_start3A_46] : memref<2x128x128xf32, #tpu.memory_space<vmem>> -> memref<1x128x128xf32, #tpu.memory_space<vmem>>
    %dma_start3A_48 = tpu.memref_squeeze %dma_start3A_47 : memref<1x128x128xf32, #tpu.memory_space<vmem>> -> memref<128x128xf32, #tpu.memory_space<vmem>>
    %dma_start3A_49 = arith.constant 0 : i32
    %dma_start3A_50 = tpu.memref_slice %arg6[%dma_start3A_43, %dma_start3A_49] : memref<40x128xi32, #tpu.memory_space<vmem>> -> memref<1x128xi32, #tpu.memory_space<vmem>>
    %dma_start3A_51 = tpu.memref_squeeze %dma_start3A_50 : memref<1x128xi32, #tpu.memory_space<vmem>> -> memref<128xi32, #tpu.memory_space<vmem>>
    %dma_start3A_52 = arith.constant 0 : i32
    %dma_start3A_53 = arith.constant 0 : i32
    %dma_start3A_54 = tpu.memref_slice %arg2[%dma_start3A_52, %dma_start3A_53] : memref<40000x128xf32, #tpu.memory_space<hbm>> -> memref<40000x128xf32, #tpu.memory_space<hbm>>
    tpu.enqueue_indirect_dma source(%dma_start3A_54 : memref<40000x128xf32, #tpu.memory_space<hbm>>) target(%dma_start3A_48 : memref<128x128xf32, #tpu.memory_space<vmem>>) offsets(%dma_start3A_51 : memref<128xi32, #tpu.memory_space<vmem>>) semaphore(%arg11 : memref<!tpu.dma_semaphore, #tpu.memory_space<semaphore_mem>>)
    %dma_start3A_55 = arith.constant 1 : i32
    %dma_start3A_56 = arith.constant 1 : i32
    %dma_start3A_57 = arith.constant 0 : i32
    %dma_start3A_58 = arith.constant 0 : i32
    %dma_start3A_59 = tpu.memref_slice %arg8[%dma_start3A_56, %dma_start3A_57, %dma_start3A_58] : memref<2x128x128xf32, #tpu.memory_space<vmem>> -> memref<1x128x128xf32, #tpu.memory_space<vmem>>
    %dma_start3A_60 = tpu.memref_squeeze %dma_start3A_59 : memref<1x128x128xf32, #tpu.memory_space<vmem>> -> memref<128x128xf32, #tpu.memory_space<vmem>>
    %dma_start3A_61 = arith.constant 0 : i32
    %dma_start3A_62 = tpu.memref_slice %arg6[%dma_start3A_55, %dma_start3A_61] : memref<40x128xi32, #tpu.memory_space<vmem>> -> memref<1x128xi32, #tpu.memory_space<vmem>>
    %dma_start3A_63 = tpu.memref_squeeze %dma_start3A_62 : memref<1x128xi32, #tpu.memory_space<vmem>> -> memref<128xi32, #tpu.memory_space<vmem>>
    %dma_start3A_64 = arith.constant 0 : i32
    %dma_start3A_65 = arith.constant 0 : i32
    %dma_start3A_66 = tpu.memref_slice %arg2[%dma_start3A_64, %dma_start3A_65] : memref<40000x128xf32, #tpu.memory_space<hbm>> -> memref<40000x128xf32, #tpu.memory_space<hbm>>
    tpu.enqueue_indirect_dma source(%dma_start3A_66 : memref<40000x128xf32, #tpu.memory_space<hbm>>) target(%dma_start3A_60 : memref<128x128xf32, #tpu.memory_space<vmem>>) offsets(%dma_start3A_63 : memref<128xi32, #tpu.memory_space<vmem>>) semaphore(%arg12 : memref<!tpu.dma_semaphore, #tpu.memory_space<semaphore_mem>>)
    %scan3A_67 = arith.constant 0 : i32
    %scan3A_68 = arith.constant 0 : i32
    %scan3A_69 = arith.constant 20 : i32
    %scan3A_70 = arith.addi %scan3A_68, %scan3A_69 : i32
    %scan3A_71 = arith.constant 1 : i32
    scf.for %scan3A_74 = %scan3A_68 to %scan3A_70 step %scan3A_71  : i32 {
      %mul3A_75 = arith.constant 2 : i32
      %mul3A_76 = arith.muli %mul3A_75, %scan3A_74 : i32
      %dma_wait3A = arith.constant 0 : i32
      %dma_wait3A_77 = arith.constant 0 : i32
      %dma_wait3A_78 = arith.constant 0 : i32
      %dma_wait3A_79 = tpu.memref_slice %arg8[%dma_wait3A, %dma_wait3A_77, %dma_wait3A_78] : memref<2x128x128xf32, #tpu.memory_space<vmem>> -> memref<1x128x128xf32, #tpu.memory_space<vmem>>
      %dma_wait3A_80 = tpu.memref_squeeze %dma_wait3A_79 : memref<1x128x128xf32, #tpu.memory_space<vmem>> -> memref<128x128xf32, #tpu.memory_space<vmem>>
      %dma_wait3A_81 = arith.constant 0 : i32
      %dma_wait3A_82 = tpu.memref_slice %arg6[%mul3A_76, %dma_wait3A_81] : memref<40x128xi32, #tpu.memory_space<vmem>> -> memref<1x128xi32, #tpu.memory_space<vmem>>
      %dma_wait3A_83 = tpu.memref_squeeze %dma_wait3A_82 : memref<1x128xi32, #tpu.memory_space<vmem>> -> memref<128xi32, #tpu.memory_space<vmem>>
      %dma_wait3A_84 = arith.constant 0 : i32
      %dma_wait3A_85 = arith.constant 0 : i32
      %dma_wait3A_86 = tpu.memref_slice %arg2[%dma_wait3A_84, %dma_wait3A_85] : memref<40000x128xf32, #tpu.memory_space<hbm>> -> memref<40000x128xf32, #tpu.memory_space<hbm>>
      tpu.wait_indirect_dma semaphore(%arg11 : memref<!tpu.dma_semaphore, #tpu.memory_space<semaphore_mem>>) src(%dma_wait3A_86 : memref<40000x128xf32, #tpu.memory_space<hbm>>) dst(%dma_wait3A_80 : memref<128x128xf32, #tpu.memory_space<vmem>>)
      %mul3A_87 = arith.constant 2 : i32
      %mul3A_88 = arith.muli %mul3A_87, %scan3A_74 : i32
      %run_scoped3A = arith.constant 0 : i32
      "tpu.region"() ({
        %run_scoped3A_120 = tpu.sem_alloc : memref<!tpu.dma_semaphore, #tpu.memory_space<semaphore_mem>>
        %dma_start3A_121 = arith.constant 0 : i32
        %dma_start3A_122 = arith.constant 0 : i32
        %dma_start3A_123 = tpu.memref_slice %arg8[%run_scoped3A, %dma_start3A_121, %dma_start3A_122] : memref<2x128x128xf32, #tpu.memory_space<vmem>> -> memref<1x128x128xf32, #tpu.memory_space<vmem>>
        %dma_start3A_124 = tpu.memref_squeeze %dma_start3A_123 : memref<1x128x128xf32, #tpu.memory_space<vmem>> -> memref<128x128xf32, #tpu.memory_space<vmem>>
        %dma_start3A_125 = arith.constant 0 : i32
        %dma_start3A_126 = tpu.memref_slice %arg7[%mul3A_88, %dma_start3A_125] : memref<40x128xi32, #tpu.memory_space<vmem>> -> memref<1x128xi32, #tpu.memory_space<vmem>>
        %dma_start3A_127 = tpu.memref_squeeze %dma_start3A_126 : memref<1x128xi32, #tpu.memory_space<vmem>> -> memref<128xi32, #tpu.memory_space<vmem>>
        %dma_start3A_128 = arith.constant 0 : i32
        %dma_start3A_129 = arith.constant 0 : i32
        %dma_start3A_130 = tpu.memref_slice %arg10[%dma_start3A_128, %dma_start3A_129] : memref<10112x128xf32, #tpu.memory_space<vmem_shared>> -> memref<10112x128xf32, #tpu.memory_space<vmem_shared>>
        tpu.enqueue_indirect_dma source(%dma_start3A_124 : memref<128x128xf32, #tpu.memory_space<vmem>>) target(%dma_start3A_130 : memref<10112x128xf32, #tpu.memory_space<vmem_shared>>) offsets(%dma_start3A_127 : memref<128xi32, #tpu.memory_space<vmem>>) semaphore(%run_scoped3A_120 : memref<!tpu.dma_semaphore, #tpu.memory_space<semaphore_mem>>) {add = true}
        %dma_wait3A_131 = arith.constant 0 : i32
        %dma_wait3A_132 = arith.constant 0 : i32
        %dma_wait3A_133 = tpu.memref_slice %arg8[%run_scoped3A, %dma_wait3A_131, %dma_wait3A_132] : memref<2x128x128xf32, #tpu.memory_space<vmem>> -> memref<1x128x128xf32, #tpu.memory_space<vmem>>
        %dma_wait3A_134 = tpu.memref_squeeze %dma_wait3A_133 : memref<1x128x128xf32, #tpu.memory_space<vmem>> -> memref<128x128xf32, #tpu.memory_space<vmem>>
        %dma_wait3A_135 = arith.constant 0 : i32
        %dma_wait3A_136 = tpu.memref_slice %arg7[%mul3A_88, %dma_wait3A_135] : memref<40x128xi32, #tpu.memory_space<vmem>> -> memref<1x128xi32, #tpu.memory_space<vmem>>
        %dma_wait3A_137 = tpu.memref_squeeze %dma_wait3A_136 : memref<1x128xi32, #tpu.memory_space<vmem>> -> memref<128xi32, #tpu.memory_space<vmem>>
        %dma_wait3A_138 = arith.constant 0 : i32
        %dma_wait3A_139 = arith.constant 0 : i32
        %dma_wait3A_140 = tpu.memref_slice %arg10[%dma_wait3A_138, %dma_wait3A_139] : memref<10112x128xf32, #tpu.memory_space<vmem_shared>> -> memref<10112x128xf32, #tpu.memory_space<vmem_shared>>
        tpu.wait_indirect_dma semaphore(%run_scoped3A_120 : memref<!tpu.dma_semaphore, #tpu.memory_space<semaphore_mem>>) src(%dma_wait3A_134 : memref<128x128xf32, #tpu.memory_space<vmem>>) dst(%dma_wait3A_140 : memref<10112x128xf32, #tpu.memory_space<vmem_shared>>)
        tpu.yield
      }) : () -> ()
      %add3A_89 = arith.constant 1 : i32
      %add3A_90 = arith.addi %scan3A_74, %add3A_89 : i32
      %lt3A = arith.constant 20 : i32
      %lt3A_91 = arith.cmpi slt, %add3A_90, %lt3A : i32
      %convert_element_type3A = arith.extui %lt3A_91 : i1 to i32
      %cond3A = arith.constant 0 : i32
      %cond3A_92 = arith.cmpi ne, %convert_element_type3A, %cond3A : i32
      scf.if %cond3A_92 {
        %mul3A_120 = arith.constant 2 : i32
        %mul3A_121 = arith.muli %mul3A_120, %scan3A_74 : i32
        %add3A_122 = arith.constant 2 : i32
        %add3A_123 = arith.addi %mul3A_121, %add3A_122 : i32
        %dma_start3A_124 = arith.constant 0 : i32
        %dma_start3A_125 = arith.constant 0 : i32
        %dma_start3A_126 = arith.constant 0 : i32
        %dma_start3A_127 = tpu.memref_slice %arg8[%dma_start3A_124, %dma_start3A_125, %dma_start3A_126] : memref<2x128x128xf32, #tpu.memory_space<vmem>> -> memref<1x128x128xf32, #tpu.memory_space<vmem>>
        %dma_start3A_128 = tpu.memref_squeeze %dma_start3A_127 : memref<1x128x128xf32, #tpu.memory_space<vmem>> -> memref<128x128xf32, #tpu.memory_space<vmem>>
        %dma_start3A_129 = arith.constant 0 : i32
        %dma_start3A_130 = tpu.memref_slice %arg6[%add3A_123, %dma_start3A_129] : memref<40x128xi32, #tpu.memory_space<vmem>> -> memref<1x128xi32, #tpu.memory_space<vmem>>
        %dma_start3A_131 = tpu.memref_squeeze %dma_start3A_130 : memref<1x128xi32, #tpu.memory_space<vmem>> -> memref<128xi32, #tpu.memory_space<vmem>>
        %dma_start3A_132 = arith.constant 0 : i32
        %dma_start3A_133 = arith.constant 0 : i32
        %dma_start3A_134 = tpu.memref_slice %arg2[%dma_start3A_132, %dma_start3A_133] : memref<40000x128xf32, #tpu.memory_space<hbm>> -> memref<40000x128xf32, #tpu.memory_space<hbm>>
        tpu.enqueue_indirect_dma source(%dma_start3A_134 : memref<40000x128xf32, #tpu.memory_space<hbm>>) target(%dma_start3A_128 : memref<128x128xf32, #tpu.memory_space<vmem>>) offsets(%dma_start3A_131 : memref<128xi32, #tpu.memory_space<vmem>>) semaphore(%arg11 : memref<!tpu.dma_semaphore, #tpu.memory_space<semaphore_mem>>)
      } else {
      }
      %mul3A_93 = arith.constant 2 : i32
      %mul3A_94 = arith.muli %mul3A_93, %scan3A_74 : i32
      %add3A_95 = arith.constant 1 : i32
      %add3A_96 = arith.addi %mul3A_94, %add3A_95 : i32
      %dma_wait3A_97 = arith.constant 1 : i32
      %dma_wait3A_98 = arith.constant 0 : i32
      %dma_wait3A_99 = arith.constant 0 : i32
      %dma_wait3A_100 = tpu.memref_slice %arg8[%dma_wait3A_97, %dma_wait3A_98, %dma_wait3A_99] : memref<2x128x128xf32, #tpu.memory_space<vmem>> -> memref<1x128x128xf32, #tpu.memory_space<vmem>>
      %dma_wait3A_101 = tpu.memref_squeeze %dma_wait3A_100 : memref<1x128x128xf32, #tpu.memory_space<vmem>> -> memref<128x128xf32, #tpu.memory_space<vmem>>
      %dma_wait3A_102 = arith.constant 0 : i32
      %dma_wait3A_103 = tpu.memref_slice %arg6[%add3A_96, %dma_wait3A_102] : memref<40x128xi32, #tpu.memory_space<vmem>> -> memref<1x128xi32, #tpu.memory_space<vmem>>
      %dma_wait3A_104 = tpu.memref_squeeze %dma_wait3A_103 : memref<1x128xi32, #tpu.memory_space<vmem>> -> memref<128xi32, #tpu.memory_space<vmem>>
      %dma_wait3A_105 = arith.constant 0 : i32
      %dma_wait3A_106 = arith.constant 0 : i32
      %dma_wait3A_107 = tpu.memref_slice %arg2[%dma_wait3A_105, %dma_wait3A_106] : memref<40000x128xf32, #tpu.memory_space<hbm>> -> memref<40000x128xf32, #tpu.memory_space<hbm>>
      tpu.wait_indirect_dma semaphore(%arg12 : memref<!tpu.dma_semaphore, #tpu.memory_space<semaphore_mem>>) src(%dma_wait3A_107 : memref<40000x128xf32, #tpu.memory_space<hbm>>) dst(%dma_wait3A_101 : memref<128x128xf32, #tpu.memory_space<vmem>>)
      %mul3A_108 = arith.constant 2 : i32
      %mul3A_109 = arith.muli %mul3A_108, %scan3A_74 : i32
      %add3A_110 = arith.constant 1 : i32
      %add3A_111 = arith.addi %mul3A_109, %add3A_110 : i32
      %run_scoped3A_112 = arith.constant 1 : i32
      "tpu.region"() ({
        %run_scoped3A_120 = tpu.sem_alloc : memref<!tpu.dma_semaphore, #tpu.memory_space<semaphore_mem>>
        %dma_start3A_121 = arith.constant 0 : i32
        %dma_start3A_122 = arith.constant 0 : i32
        %dma_start3A_123 = tpu.memref_slice %arg8[%run_scoped3A_112, %dma_start3A_121, %dma_start3A_122] : memref<2x128x128xf32, #tpu.memory_space<vmem>> -> memref<1x128x128xf32, #tpu.memory_space<vmem>>
        %dma_start3A_124 = tpu.memref_squeeze %dma_start3A_123 : memref<1x128x128xf32, #tpu.memory_space<vmem>> -> memref<128x128xf32, #tpu.memory_space<vmem>>
        %dma_start3A_125 = arith.constant 0 : i32
        %dma_start3A_126 = tpu.memref_slice %arg7[%add3A_111, %dma_start3A_125] : memref<40x128xi32, #tpu.memory_space<vmem>> -> memref<1x128xi32, #tpu.memory_space<vmem>>
        %dma_start3A_127 = tpu.memref_squeeze %dma_start3A_126 : memref<1x128xi32, #tpu.memory_space<vmem>> -> memref<128xi32, #tpu.memory_space<vmem>>
        %dma_start3A_128 = arith.constant 0 : i32
        %dma_start3A_129 = arith.constant 0 : i32
        %dma_start3A_130 = tpu.memref_slice %arg10[%dma_start3A_128, %dma_start3A_129] : memref<10112x128xf32, #tpu.memory_space<vmem_shared>> -> memref<10112x128xf32, #tpu.memory_space<vmem_shared>>
        tpu.enqueue_indirect_dma source(%dma_start3A_124 : memref<128x128xf32, #tpu.memory_space<vmem>>) target(%dma_start3A_130 : memref<10112x128xf32, #tpu.memory_space<vmem_shared>>) offsets(%dma_start3A_127 : memref<128xi32, #tpu.memory_space<vmem>>) semaphore(%run_scoped3A_120 : memref<!tpu.dma_semaphore, #tpu.memory_space<semaphore_mem>>) {add = true}
        %dma_wait3A_131 = arith.constant 0 : i32
        %dma_wait3A_132 = arith.constant 0 : i32
        %dma_wait3A_133 = tpu.memref_slice %arg8[%run_scoped3A_112, %dma_wait3A_131, %dma_wait3A_132] : memref<2x128x128xf32, #tpu.memory_space<vmem>> -> memref<1x128x128xf32, #tpu.memory_space<vmem>>
        %dma_wait3A_134 = tpu.memref_squeeze %dma_wait3A_133 : memref<1x128x128xf32, #tpu.memory_space<vmem>> -> memref<128x128xf32, #tpu.memory_space<vmem>>
        %dma_wait3A_135 = arith.constant 0 : i32
        %dma_wait3A_136 = tpu.memref_slice %arg7[%add3A_111, %dma_wait3A_135] : memref<40x128xi32, #tpu.memory_space<vmem>> -> memref<1x128xi32, #tpu.memory_space<vmem>>
        %dma_wait3A_137 = tpu.memref_squeeze %dma_wait3A_136 : memref<1x128xi32, #tpu.memory_space<vmem>> -> memref<128xi32, #tpu.memory_space<vmem>>
        %dma_wait3A_138 = arith.constant 0 : i32
        %dma_wait3A_139 = arith.constant 0 : i32
        %dma_wait3A_140 = tpu.memref_slice %arg10[%dma_wait3A_138, %dma_wait3A_139] : memref<10112x128xf32, #tpu.memory_space<vmem_shared>> -> memref<10112x128xf32, #tpu.memory_space<vmem_shared>>
        tpu.wait_indirect_dma semaphore(%run_scoped3A_120 : memref<!tpu.dma_semaphore, #tpu.memory_space<semaphore_mem>>) src(%dma_wait3A_134 : memref<128x128xf32, #tpu.memory_space<vmem>>) dst(%dma_wait3A_140 : memref<10112x128xf32, #tpu.memory_space<vmem_shared>>)
        tpu.yield
      }) : () -> ()
      %add3A_113 = arith.constant 1 : i32
      %add3A_114 = arith.addi %scan3A_74, %add3A_113 : i32
      %lt3A_115 = arith.constant 20 : i32
      %lt3A_116 = arith.cmpi slt, %add3A_114, %lt3A_115 : i32
      %convert_element_type3A_117 = arith.extui %lt3A_116 : i1 to i32
      %cond3A_118 = arith.constant 0 : i32
      %cond3A_119 = arith.cmpi ne, %convert_element_type3A_117, %cond3A_118 : i32
      scf.if %cond3A_119 {
        %mul3A_120 = arith.constant 2 : i32
        %mul3A_121 = arith.muli %mul3A_120, %scan3A_74 : i32
        %add3A_122 = arith.constant 3 : i32
        %add3A_123 = arith.addi %mul3A_121, %add3A_122 : i32
        %dma_start3A_124 = arith.constant 1 : i32
        %dma_start3A_125 = arith.constant 0 : i32
        %dma_start3A_126 = arith.constant 0 : i32
        %dma_start3A_127 = tpu.memref_slice %arg8[%dma_start3A_124, %dma_start3A_125, %dma_start3A_126] : memref<2x128x128xf32, #tpu.memory_space<vmem>> -> memref<1x128x128xf32, #tpu.memory_space<vmem>>
        %dma_start3A_128 = tpu.memref_squeeze %dma_start3A_127 : memref<1x128x128xf32, #tpu.memory_space<vmem>> -> memref<128x128xf32, #tpu.memory_space<vmem>>
        %dma_start3A_129 = arith.constant 0 : i32
        %dma_start3A_130 = tpu.memref_slice %arg6[%add3A_123, %dma_start3A_129] : memref<40x128xi32, #tpu.memory_space<vmem>> -> memref<1x128xi32, #tpu.memory_space<vmem>>
        %dma_start3A_131 = tpu.memref_squeeze %dma_start3A_130 : memref<1x128xi32, #tpu.memory_space<vmem>> -> memref<128xi32, #tpu.memory_space<vmem>>
        %dma_start3A_132 = arith.constant 0 : i32
        %dma_start3A_133 = arith.constant 0 : i32
        %dma_start3A_134 = tpu.memref_slice %arg2[%dma_start3A_132, %dma_start3A_133] : memref<40000x128xf32, #tpu.memory_space<hbm>> -> memref<40000x128xf32, #tpu.memory_space<hbm>>
        tpu.enqueue_indirect_dma source(%dma_start3A_134 : memref<40000x128xf32, #tpu.memory_space<hbm>>) target(%dma_start3A_128 : memref<128x128xf32, #tpu.memory_space<vmem>>) offsets(%dma_start3A_131 : memref<128xi32, #tpu.memory_space<vmem>>) semaphore(%arg12 : memref<!tpu.dma_semaphore, #tpu.memory_space<semaphore_mem>>)
      } else {
      }
    }
    %scan3A_72 = arith.constant 20 : i32
    %barrier3A_73 = arith.constant 0 : index
    tpu.barrier barrier_id(%barrier3A_73)
    "tpu.region"() ({
      %run_scoped3A = tpu.sem_alloc : memref<!tpu.dma_semaphore, #tpu.memory_space<semaphore_mem>>
      %dma_start3A_74 = arith.constant 0 : i32
      %dma_start3A_75 = tpu.memref_slice %arg5[%arg0, %mul3A_7, %dma_start3A_74] : memref<2x10112x128xf32, #tpu.memory_space<hbm>> -> memref<1x632x128xf32, #tpu.memory_space<hbm>>
      %dma_start3A_76 = tpu.memref_squeeze %dma_start3A_75 : memref<1x632x128xf32, #tpu.memory_space<hbm>> -> memref<632x128xf32, #tpu.memory_space<hbm>>
      %dma_start3A_77 = arith.constant 0 : i32
      %dma_start3A_78 = tpu.memref_slice %arg10[%mul3A_7, %dma_start3A_77] : memref<10112x128xf32, #tpu.memory_space<vmem_shared>> -> memref<632x128xf32, #tpu.memory_space<vmem_shared>>
      tpu.enqueue_dma source(%dma_start3A_78 : memref<632x128xf32, #tpu.memory_space<vmem_shared>>) target(%dma_start3A_76 : memref<632x128xf32, #tpu.memory_space<hbm>>) target_semaphore(%run_scoped3A : memref<!tpu.dma_semaphore, #tpu.memory_space<semaphore_mem>>)
      %dma_wait3A = arith.constant 0 : i32
      %dma_wait3A_79 = tpu.memref_slice %arg5[%arg0, %mul3A_7, %dma_wait3A] : memref<2x10112x128xf32, #tpu.memory_space<hbm>> -> memref<1x632x128xf32, #tpu.memory_space<hbm>>
      %dma_wait3A_80 = tpu.memref_squeeze %dma_wait3A_79 : memref<1x632x128xf32, #tpu.memory_space<hbm>> -> memref<632x128xf32, #tpu.memory_space<hbm>>
      %dma_wait3A_81 = arith.constant 0 : i32
      %dma_wait3A_82 = tpu.memref_slice %arg10[%mul3A_7, %dma_wait3A_81] : memref<10112x128xf32, #tpu.memory_space<vmem_shared>> -> memref<632x128xf32, #tpu.memory_space<vmem_shared>>
      tpu.wait_dma2 semaphore(%run_scoped3A : memref<!tpu.dma_semaphore, #tpu.memory_space<semaphore_mem>>) src(%dma_wait3A_82 : memref<632x128xf32, #tpu.memory_space<vmem_shared>>) dst(%dma_wait3A_80 : memref<632x128xf32, #tpu.memory_space<hbm>>)
      tpu.yield
    }) : () -> ()
    return
  }
}

#map = affine_map<(d0, d1) -> (0, 0)>
#map1 = affine_map<(d0, d1) -> (0, 0, 0)>
module attributes {stable_mosaic.version = 14 : i64} {
  func.func @_seg_body(%arg0: i32, %arg1: i32, %arg2: memref<40000x128xf32, #tpu.memory_space<hbm>>, %arg3: memref<32x80x128xi32, #tpu.memory_space<hbm>>, %arg4: memref<32x80x128xi32, #tpu.memory_space<hbm>>, %arg5: memref<2x10112x128xf32, #tpu.memory_space<hbm>>, %arg6: memref<40x128xi32, #tpu.memory_space<vmem>>, %arg7: memref<40x128xi32, #tpu.memory_space<vmem>>, %arg8: memref<2x128x128xf32, #tpu.memory_space<vmem>>, %arg9: memref<8x128xf32, #tpu.memory_space<vmem>>, %arg10: memref<10112x128xf32, #tpu.memory_space<vmem_shared>>, %arg11: memref<!tpu.dma_semaphore, #tpu.memory_space<semaphore_mem>>, %arg12: memref<!tpu.dma_semaphore, #tpu.memory_space<semaphore_mem>>) attributes {dimension_semantics = [#tpu.dimension_semantics<core_parallel>, #tpu.dimension_semantics<subcore_parallel>], iteration_bounds = array<i64: 2, 16>, scalar_prefetch = 0 : i64, scratch_operands = 7 : i64, tpu.core_type = #tpu.core_type<sc_vector_subcore>, window_params = [{transform_indices = #map}, {transform_indices = #map1}, {transform_indices = #map1}, {transform_indices = #map1}]} {
    %mul3A = arith.constant 16 : i32
    %mul3A_0 = arith.muli %arg0, %mul3A : i32
    %add3A = arith.addi %mul3A_0, %arg1 : i32
    %scan3A = arith.constant 0 : i32
    %scan3A_1 = arith.constant 0 : i32
    %scan3A_2 = arith.constant 8 : i32
    %scan3A_3 = arith.addi %scan3A_1, %scan3A_2 : i32
    %scan3A_4 = arith.constant 1 : i32
    scf.for %scan3A_74 = %scan3A_1 to %scan3A_3 step %scan3A_4  : i32 {
      %broadcast_in_dim3A = arith.constant 0.000000e+00 : f32
      %broadcast_in_dim3A_75 = vector.broadcast %broadcast_in_dim3A : f32 to vector<16xf32>
      %swap3A = arith.index_cast %scan3A_74 : i32 to index
      %swap3A_76 = arith.constant 0 : index
      %swap3A_77 = tpu.vector_load %arg9[%swap3A, %swap3A_76] {strides = array<i32>} : memref<8x128xf32, #tpu.memory_space<vmem>>, vector<1x16xf32>,
      %swap3A_78 = vector.shape_cast %swap3A_77 : vector<1x16xf32> to vector<16xf32>
      %swap3A_79 = vector.shape_cast %broadcast_in_dim3A_75 : vector<16xf32> to vector<1x16xf32>
      tpu.vector_store %arg9[%swap3A, %swap3A_76], %swap3A_79 {strides = array<i32>} : memref<8x128xf32, #tpu.memory_space<vmem>>, vector<1x16xf32>,
      %broadcast_in_dim3A_80 = arith.constant 0.000000e+00 : f32
      %broadcast_in_dim3A_81 = vector.broadcast %broadcast_in_dim3A_80 : f32 to vector<16xf32>
      %swap3A_82 = arith.index_cast %scan3A_74 : i32 to index
      %swap3A_83 = arith.constant 16 : index
      %swap3A_84 = tpu.vector_load %arg9[%swap3A_82, %swap3A_83] {strides = array<i32>} : memref<8x128xf32, #tpu.memory_space<vmem>>, vector<1x16xf32>,
      %swap3A_85 = vector.shape_cast %swap3A_84 : vector<1x16xf32> to vector<16xf32>
      %swap3A_86 = vector.shape_cast %broadcast_in_dim3A_81 : vector<16xf32> to vector<1x16xf32>
      tpu.vector_store %arg9[%swap3A_82, %swap3A_83], %swap3A_86 {strides = array<i32>} : memref<8x128xf32, #tpu.memory_space<vmem>>, vector<1x16xf32>,
      %broadcast_in_dim3A_87 = arith.constant 0.000000e+00 : f32
      %broadcast_in_dim3A_88 = vector.broadcast %broadcast_in_dim3A_87 : f32 to vector<16xf32>
      %swap3A_89 = arith.index_cast %scan3A_74 : i32 to index
      %swap3A_90 = arith.constant 32 : index
      %swap3A_91 = tpu.vector_load %arg9[%swap3A_89, %swap3A_90] {strides = array<i32>} : memref<8x128xf32, #tpu.memory_space<vmem>>, vector<1x16xf32>,
      %swap3A_92 = vector.shape_cast %swap3A_91 : vector<1x16xf32> to vector<16xf32>
      %swap3A_93 = vector.shape_cast %broadcast_in_dim3A_88 : vector<16xf32> to vector<1x16xf32>
      tpu.vector_store %arg9[%swap3A_89, %swap3A_90], %swap3A_93 {strides = array<i32>} : memref<8x128xf32, #tpu.memory_space<vmem>>, vector<1x16xf32>,
      %broadcast_in_dim3A_94 = arith.constant 0.000000e+00 : f32
      %broadcast_in_dim3A_95 = vector.broadcast %broadcast_in_dim3A_94 : f32 to vector<16xf32>
      %swap3A_96 = arith.index_cast %scan3A_74 : i32 to index
      %swap3A_97 = arith.constant 48 : index
      %swap3A_98 = tpu.vector_load %arg9[%swap3A_96, %swap3A_97] {strides = array<i32>} : memref<8x128xf32, #tpu.memory_space<vmem>>, vector<1x16xf32>,
      %swap3A_99 = vector.shape_cast %swap3A_98 : vector<1x16xf32> to vector<16xf32>
      %swap3A_100 = vector.shape_cast %broadcast_in_dim3A_95 : vector<16xf32> to vector<1x16xf32>
      tpu.vector_store %arg9[%swap3A_96, %swap3A_97], %swap3A_100 {strides = array<i32>} : memref<8x128xf32, #tpu.memory_space<vmem>>, vector<1x16xf32>,
      %broadcast_in_dim3A_101 = arith.constant 0.000000e+00 : f32
      %broadcast_in_dim3A_102 = vector.broadcast %broadcast_in_dim3A_101 : f32 to vector<16xf32>
      %swap3A_103 = arith.index_cast %scan3A_74 : i32 to index
      %swap3A_104 = arith.constant 64 : index
      %swap3A_105 = tpu.vector_load %arg9[%swap3A_103, %swap3A_104] {strides = array<i32>} : memref<8x128xf32, #tpu.memory_space<vmem>>, vector<1x16xf32>,
      %swap3A_106 = vector.shape_cast %swap3A_105 : vector<1x16xf32> to vector<16xf32>
      %swap3A_107 = vector.shape_cast %broadcast_in_dim3A_102 : vector<16xf32> to vector<1x16xf32>
      tpu.vector_store %arg9[%swap3A_103, %swap3A_104], %swap3A_107 {strides = array<i32>} : memref<8x128xf32, #tpu.memory_space<vmem>>, vector<1x16xf32>,
      %broadcast_in_dim3A_108 = arith.constant 0.000000e+00 : f32
      %broadcast_in_dim3A_109 = vector.broadcast %broadcast_in_dim3A_108 : f32 to vector<16xf32>
      %swap3A_110 = arith.index_cast %scan3A_74 : i32 to index
      %swap3A_111 = arith.constant 80 : index
      %swap3A_112 = tpu.vector_load %arg9[%swap3A_110, %swap3A_111] {strides = array<i32>} : memref<8x128xf32, #tpu.memory_space<vmem>>, vector<1x16xf32>,
      %swap3A_113 = vector.shape_cast %swap3A_112 : vector<1x16xf32> to vector<16xf32>
      %swap3A_114 = vector.shape_cast %broadcast_in_dim3A_109 : vector<16xf32> to vector<1x16xf32>
      tpu.vector_store %arg9[%swap3A_110, %swap3A_111], %swap3A_114 {strides = array<i32>} : memref<8x128xf32, #tpu.memory_space<vmem>>, vector<1x16xf32>,
      %broadcast_in_dim3A_115 = arith.constant 0.000000e+00 : f32
      %broadcast_in_dim3A_116 = vector.broadcast %broadcast_in_dim3A_115 : f32 to vector<16xf32>
      %swap3A_117 = arith.index_cast %scan3A_74 : i32 to index
      %swap3A_118 = arith.constant 96 : index
      %swap3A_119 = tpu.vector_load %arg9[%swap3A_117, %swap3A_118] {strides = array<i32>} : memref<8x128xf32, #tpu.memory_space<vmem>>, vector<1x16xf32>,
      %swap3A_120 = vector.shape_cast %swap3A_119 : vector<1x16xf32> to vector<16xf32>
      %swap3A_121 = vector.shape_cast %broadcast_in_dim3A_116 : vector<16xf32> to vector<1x16xf32>
      tpu.vector_store %arg9[%swap3A_117, %swap3A_118], %swap3A_121 {strides = array<i32>} : memref<8x128xf32, #tpu.memory_space<vmem>>, vector<1x16xf32>,
      %broadcast_in_dim3A_122 = arith.constant 0.000000e+00 : f32
      %broadcast_in_dim3A_123 = vector.broadcast %broadcast_in_dim3A_122 : f32 to vector<16xf32>
      %swap3A_124 = arith.index_cast %scan3A_74 : i32 to index
      %swap3A_125 = arith.constant 112 : index
      %swap3A_126 = tpu.vector_load %arg9[%swap3A_124, %swap3A_125] {strides = array<i32>} : memref<8x128xf32, #tpu.memory_space<vmem>>, vector<1x16xf32>,
      %swap3A_127 = vector.shape_cast %swap3A_126 : vector<1x16xf32> to vector<16xf32>
      %swap3A_128 = vector.shape_cast %broadcast_in_dim3A_123 : vector<16xf32> to vector<1x16xf32>
      tpu.vector_store %arg9[%swap3A_124, %swap3A_125], %swap3A_128 {strides = array<i32>} : memref<8x128xf32, #tpu.memory_space<vmem>>, vector<1x16xf32>,
    }
    %scan3A_5 = arith.constant 8 : i32
    %mul3A_6 = arith.constant 632 : i32
    %mul3A_7 = arith.muli %arg1, %mul3A_6 : i32
    %scan3A_8 = arith.constant 0 : i32
    %scan3A_9 = arith.constant 0 : i32
    %scan3A_10 = arith.constant 79 : i32
    %scan3A_11 = arith.addi %scan3A_9, %scan3A_10 : i32
    %scan3A_12 = arith.constant 1 : i32
    scf.for %scan3A_74 = %scan3A_9 to %scan3A_11 step %scan3A_12  : i32 {
      %mul3A_75 = arith.constant 8 : i32
      %mul3A_76 = arith.muli %scan3A_74, %mul3A_75 : i32
      %add3A_77 = arith.addi %mul3A_7, %mul3A_76 : i32
      "tpu.region"() ({
        %run_scoped3A = tpu.sem_alloc : memref<!tpu.dma_semaphore, #tpu.memory_space<semaphore_mem>>
        %dma_start3A_78 = arith.constant 0 : i32
        %dma_start3A_79 = tpu.memref_slice %arg10[%add3A_77, %dma_start3A_78] : memref<10112x128xf32, #tpu.memory_space<vmem_shared>> -> memref<8x128xf32, #tpu.memory_space<vmem_shared>>
        %dma_start3A_80 = arith.constant 0 : i32
        %dma_start3A_81 = tpu.memref_slice %arg10[%add3A_77, %dma_start3A_80] : memref<10112x128xf32, #tpu.memory_space<vmem_shared>> -> memref<8x128xf32, #tpu.memory_space<vmem_shared>>
        tpu.enqueue_dma source(%arg9 : memref<8x128xf32, #tpu.memory_space<vmem>>) target(%dma_start3A_81 : memref<8x128xf32, #tpu.memory_space<vmem_shared>>) target_semaphore(%run_scoped3A : memref<!tpu.dma_semaphore, #tpu.memory_space<semaphore_mem>>)
        %dma_wait3A = arith.constant 0 : i32
        %dma_wait3A_82 = tpu.memref_slice %arg10[%add3A_77, %dma_wait3A] : memref<10112x128xf32, #tpu.memory_space<vmem_shared>> -> memref<8x128xf32, #tpu.memory_space<vmem_shared>>
        %dma_wait3A_83 = arith.constant 0 : i32
        %dma_wait3A_84 = tpu.memref_slice %arg10[%add3A_77, %dma_wait3A_83] : memref<10112x128xf32, #tpu.memory_space<vmem_shared>> -> memref<8x128xf32, #tpu.memory_space<vmem_shared>>
        tpu.wait_dma2 semaphore(%run_scoped3A : memref<!tpu.dma_semaphore, #tpu.memory_space<semaphore_mem>>) src(%arg9 : memref<8x128xf32, #tpu.memory_space<vmem>>) dst(%dma_wait3A_84 : memref<8x128xf32, #tpu.memory_space<vmem_shared>>)
        tpu.yield
      }) : () -> ()
    }
    %scan3A_13 = arith.constant 79 : i32
    %barrier3A = arith.constant 0 : index
    tpu.barrier barrier_id(%barrier3A)
    "tpu.region"() ({
      %run_scoped3A = tpu.sem_alloc : memref<!tpu.dma_semaphore, #tpu.memory_space<semaphore_mem>>
      %dma_start3A_74 = arith.constant 0 : i32
      %dma_start3A_75 = arith.constant 0 : i32
      %dma_start3A_76 = tpu.memref_slice %arg3[%add3A, %dma_start3A_74, %dma_start3A_75] : memref<32x80x128xi32, #tpu.memory_space<hbm>> -> memref<1x40x128xi32, #tpu.memory_space<hbm>>
      %dma_start3A_77 = tpu.memref_squeeze %dma_start3A_76 : memref<1x40x128xi32, #tpu.memory_space<hbm>> -> memref<40x128xi32, #tpu.memory_space<hbm>>
      %dma_start3A_78 = arith.constant 0 : i32
      %dma_start3A_79 = arith.constant 0 : i32
      %dma_start3A_80 = tpu.memref_slice %arg3[%add3A, %dma_start3A_78, %dma_start3A_79] : memref<32x80x128xi32, #tpu.memory_space<hbm>> -> memref<1x40x128xi32, #tpu.memory_space<hbm>>
      %dma_start3A_81 = tpu.memref_squeeze %dma_start3A_80 : memref<1x40x128xi32, #tpu.memory_space<hbm>> -> memref<40x128xi32, #tpu.memory_space<hbm>>
      tpu.enqueue_dma source(%dma_start3A_81 : memref<40x128xi32, #tpu.memory_space<hbm>>) target(%arg6 : memref<40x128xi32, #tpu.memory_space<vmem>>) target_semaphore(%run_scoped3A : memref<!tpu.dma_semaphore, #tpu.memory_space<semaphore_mem>>)
      %dma_wait3A = arith.constant 0 : i32
      %dma_wait3A_82 = arith.constant 0 : i32
      %dma_wait3A_83 = tpu.memref_slice %arg3[%add3A, %dma_wait3A, %dma_wait3A_82] : memref<32x80x128xi32, #tpu.memory_space<hbm>> -> memref<1x40x128xi32, #tpu.memory_space<hbm>>
      %dma_wait3A_84 = tpu.memref_squeeze %dma_wait3A_83 : memref<1x40x128xi32, #tpu.memory_space<hbm>> -> memref<40x128xi32, #tpu.memory_space<hbm>>
      %dma_wait3A_85 = arith.constant 0 : i32
      %dma_wait3A_86 = arith.constant 0 : i32
      %dma_wait3A_87 = tpu.memref_slice %arg3[%add3A, %dma_wait3A_85, %dma_wait3A_86] : memref<32x80x128xi32, #tpu.memory_space<hbm>> -> memref<1x40x128xi32, #tpu.memory_space<hbm>>
      %dma_wait3A_88 = tpu.memref_squeeze %dma_wait3A_87 : memref<1x40x128xi32, #tpu.memory_space<hbm>> -> memref<40x128xi32, #tpu.memory_space<hbm>>
      tpu.wait_dma2 semaphore(%run_scoped3A : memref<!tpu.dma_semaphore, #tpu.memory_space<semaphore_mem>>) src(%dma_wait3A_88 : memref<40x128xi32, #tpu.memory_space<hbm>>) dst(%arg6 : memref<40x128xi32, #tpu.memory_space<vmem>>)
      tpu.yield
    }) : () -> ()
    "tpu.region"() ({
      %run_scoped3A = tpu.sem_alloc : memref<!tpu.dma_semaphore, #tpu.memory_space<semaphore_mem>>
      %dma_start3A_74 = arith.constant 0 : i32
      %dma_start3A_75 = arith.constant 0 : i32
      %dma_start3A_76 = tpu.memref_slice %arg4[%add3A, %dma_start3A_74, %dma_start3A_75] : memref<32x80x128xi32, #tpu.memory_space<hbm>> -> memref<1x40x128xi32, #tpu.memory_space<hbm>>
      %dma_start3A_77 = tpu.memref_squeeze %dma_start3A_76 : memref<1x40x128xi32, #tpu.memory_space<hbm>> -> memref<40x128xi32, #tpu.memory_space<hbm>>
      %dma_start3A_78 = arith.constant 0 : i32
      %dma_start3A_79 = arith.constant 0 : i32
      %dma_start3A_80 = tpu.memref_slice %arg4[%add3A, %dma_start3A_78, %dma_start3A_79] : memref<32x80x128xi32, #tpu.memory_space<hbm>> -> memref<1x40x128xi32, #tpu.memory_space<hbm>>
      %dma_start3A_81 = tpu.memref_squeeze %dma_start3A_80 : memref<1x40x128xi32, #tpu.memory_space<hbm>> -> memref<40x128xi32, #tpu.memory_space<hbm>>
      tpu.enqueue_dma source(%dma_start3A_81 : memref<40x128xi32, #tpu.memory_space<hbm>>) target(%arg7 : memref<40x128xi32, #tpu.memory_space<vmem>>) target_semaphore(%run_scoped3A : memref<!tpu.dma_semaphore, #tpu.memory_space<semaphore_mem>>)
      %dma_wait3A = arith.constant 0 : i32
      %dma_wait3A_82 = arith.constant 0 : i32
      %dma_wait3A_83 = tpu.memref_slice %arg4[%add3A, %dma_wait3A, %dma_wait3A_82] : memref<32x80x128xi32, #tpu.memory_space<hbm>> -> memref<1x40x128xi32, #tpu.memory_space<hbm>>
      %dma_wait3A_84 = tpu.memref_squeeze %dma_wait3A_83 : memref<1x40x128xi32, #tpu.memory_space<hbm>> -> memref<40x128xi32, #tpu.memory_space<hbm>>
      %dma_wait3A_85 = arith.constant 0 : i32
      %dma_wait3A_86 = arith.constant 0 : i32
      %dma_wait3A_87 = tpu.memref_slice %arg4[%add3A, %dma_wait3A_85, %dma_wait3A_86] : memref<32x80x128xi32, #tpu.memory_space<hbm>> -> memref<1x40x128xi32, #tpu.memory_space<hbm>>
      %dma_wait3A_88 = tpu.memref_squeeze %dma_wait3A_87 : memref<1x40x128xi32, #tpu.memory_space<hbm>> -> memref<40x128xi32, #tpu.memory_space<hbm>>
      tpu.wait_dma2 semaphore(%run_scoped3A : memref<!tpu.dma_semaphore, #tpu.memory_space<semaphore_mem>>) src(%dma_wait3A_88 : memref<40x128xi32, #tpu.memory_space<hbm>>) dst(%arg7 : memref<40x128xi32, #tpu.memory_space<vmem>>)
      tpu.yield
    }) : () -> ()
    %dma_start3A = arith.constant 0 : i32
    %dma_start3A_14 = arith.constant 0 : i32
    %dma_start3A_15 = arith.constant 0 : i32
    %dma_start3A_16 = arith.constant 0 : i32
    %dma_start3A_17 = tpu.memref_slice %arg8[%dma_start3A_14, %dma_start3A_15, %dma_start3A_16] : memref<2x128x128xf32, #tpu.memory_space<vmem>> -> memref<1x128x128xf32, #tpu.memory_space<vmem>>
    %dma_start3A_18 = tpu.memref_squeeze %dma_start3A_17 : memref<1x128x128xf32, #tpu.memory_space<vmem>> -> memref<128x128xf32, #tpu.memory_space<vmem>>
    %dma_start3A_19 = arith.constant 0 : i32
    %dma_start3A_20 = tpu.memref_slice %arg6[%dma_start3A, %dma_start3A_19] : memref<40x128xi32, #tpu.memory_space<vmem>> -> memref<1x128xi32, #tpu.memory_space<vmem>>
    %dma_start3A_21 = tpu.memref_squeeze %dma_start3A_20 : memref<1x128xi32, #tpu.memory_space<vmem>> -> memref<128xi32, #tpu.memory_space<vmem>>
    %dma_start3A_22 = arith.constant 0 : i32
    %dma_start3A_23 = arith.constant 0 : i32
    %dma_start3A_24 = tpu.memref_slice %arg2[%dma_start3A_22, %dma_start3A_23] : memref<40000x128xf32, #tpu.memory_space<hbm>> -> memref<40000x128xf32, #tpu.memory_space<hbm>>
    tpu.enqueue_indirect_dma source(%dma_start3A_24 : memref<40000x128xf32, #tpu.memory_space<hbm>>) target(%dma_start3A_18 : memref<128x128xf32, #tpu.memory_space<vmem>>) offsets(%dma_start3A_21 : memref<128xi32, #tpu.memory_space<vmem>>) semaphore(%arg11 : memref<!tpu.dma_semaphore, #tpu.memory_space<semaphore_mem>>)
    %dma_start3A_25 = arith.constant 1 : i32
    %dma_start3A_26 = arith.constant 1 : i32
    %dma_start3A_27 = arith.constant 0 : i32
    %dma_start3A_28 = arith.constant 0 : i32
    %dma_start3A_29 = tpu.memref_slice %arg8[%dma_start3A_26, %dma_start3A_27, %dma_start3A_28] : memref<2x128x128xf32, #tpu.memory_space<vmem>> -> memref<1x128x128xf32, #tpu.memory_space<vmem>>
    %dma_start3A_30 = tpu.memref_squeeze %dma_start3A_29 : memref<1x128x128xf32, #tpu.memory_space<vmem>> -> memref<128x128xf32, #tpu.memory_space<vmem>>
    %dma_start3A_31 = arith.constant 0 : i32
    %dma_start3A_32 = tpu.memref_slice %arg6[%dma_start3A_25, %dma_start3A_31] : memref<40x128xi32, #tpu.memory_space<vmem>> -> memref<1x128xi32, #tpu.memory_space<vmem>>
    %dma_start3A_33 = tpu.memref_squeeze %dma_start3A_32 : memref<1x128xi32, #tpu.memory_space<vmem>> -> memref<128xi32, #tpu.memory_space<vmem>>
    %dma_start3A_34 = arith.constant 0 : i32
    %dma_start3A_35 = arith.constant 0 : i32
    %dma_start3A_36 = tpu.memref_slice %arg2[%dma_start3A_34, %dma_start3A_35] : memref<40000x128xf32, #tpu.memory_space<hbm>> -> memref<40000x128xf32, #tpu.memory_space<hbm>>
    tpu.enqueue_indirect_dma source(%dma_start3A_36 : memref<40000x128xf32, #tpu.memory_space<hbm>>) target(%dma_start3A_30 : memref<128x128xf32, #tpu.memory_space<vmem>>) offsets(%dma_start3A_33 : memref<128xi32, #tpu.memory_space<vmem>>) semaphore(%arg12 : memref<!tpu.dma_semaphore, #tpu.memory_space<semaphore_mem>>)
    %scan3A_37 = arith.constant 0 : i32
    %scan3A_38 = arith.constant 0 : i32
    %scan3A_39 = arith.constant 20 : i32
    %scan3A_40 = arith.addi %scan3A_38, %scan3A_39 : i32
    %scan3A_41 = arith.constant 1 : i32
    scf.for %scan3A_74 = %scan3A_38 to %scan3A_40 step %scan3A_41  : i32 {
      %mul3A_75 = arith.constant 2 : i32
      %mul3A_76 = arith.muli %mul3A_75, %scan3A_74 : i32
      %dma_wait3A = arith.constant 0 : i32
      %dma_wait3A_77 = arith.constant 0 : i32
      %dma_wait3A_78 = arith.constant 0 : i32
      %dma_wait3A_79 = tpu.memref_slice %arg8[%dma_wait3A, %dma_wait3A_77, %dma_wait3A_78] : memref<2x128x128xf32, #tpu.memory_space<vmem>> -> memref<1x128x128xf32, #tpu.memory_space<vmem>>
      %dma_wait3A_80 = tpu.memref_squeeze %dma_wait3A_79 : memref<1x128x128xf32, #tpu.memory_space<vmem>> -> memref<128x128xf32, #tpu.memory_space<vmem>>
      %dma_wait3A_81 = arith.constant 0 : i32
      %dma_wait3A_82 = tpu.memref_slice %arg6[%mul3A_76, %dma_wait3A_81] : memref<40x128xi32, #tpu.memory_space<vmem>> -> memref<1x128xi32, #tpu.memory_space<vmem>>
      %dma_wait3A_83 = tpu.memref_squeeze %dma_wait3A_82 : memref<1x128xi32, #tpu.memory_space<vmem>> -> memref<128xi32, #tpu.memory_space<vmem>>
      %dma_wait3A_84 = arith.constant 0 : i32
      %dma_wait3A_85 = arith.constant 0 : i32
      %dma_wait3A_86 = tpu.memref_slice %arg2[%dma_wait3A_84, %dma_wait3A_85] : memref<40000x128xf32, #tpu.memory_space<hbm>> -> memref<40000x128xf32, #tpu.memory_space<hbm>>
      tpu.wait_indirect_dma semaphore(%arg11 : memref<!tpu.dma_semaphore, #tpu.memory_space<semaphore_mem>>) src(%dma_wait3A_86 : memref<40000x128xf32, #tpu.memory_space<hbm>>) dst(%dma_wait3A_80 : memref<128x128xf32, #tpu.memory_space<vmem>>)
      %mul3A_87 = arith.constant 2 : i32
      %mul3A_88 = arith.muli %mul3A_87, %scan3A_74 : i32
      %run_scoped3A = arith.constant 0 : i32
      "tpu.region"() ({
        %run_scoped3A_120 = tpu.sem_alloc : memref<!tpu.dma_semaphore, #tpu.memory_space<semaphore_mem>>
        %dma_start3A_121 = arith.constant 0 : i32
        %dma_start3A_122 = arith.constant 0 : i32
        %dma_start3A_123 = tpu.memref_slice %arg8[%run_scoped3A, %dma_start3A_121, %dma_start3A_122] : memref<2x128x128xf32, #tpu.memory_space<vmem>> -> memref<1x128x128xf32, #tpu.memory_space<vmem>>
        %dma_start3A_124 = tpu.memref_squeeze %dma_start3A_123 : memref<1x128x128xf32, #tpu.memory_space<vmem>> -> memref<128x128xf32, #tpu.memory_space<vmem>>
        %dma_start3A_125 = arith.constant 0 : i32
        %dma_start3A_126 = tpu.memref_slice %arg7[%mul3A_88, %dma_start3A_125] : memref<40x128xi32, #tpu.memory_space<vmem>> -> memref<1x128xi32, #tpu.memory_space<vmem>>
        %dma_start3A_127 = tpu.memref_squeeze %dma_start3A_126 : memref<1x128xi32, #tpu.memory_space<vmem>> -> memref<128xi32, #tpu.memory_space<vmem>>
        %dma_start3A_128 = arith.constant 0 : i32
        %dma_start3A_129 = arith.constant 0 : i32
        %dma_start3A_130 = tpu.memref_slice %arg10[%dma_start3A_128, %dma_start3A_129] : memref<10112x128xf32, #tpu.memory_space<vmem_shared>> -> memref<10112x128xf32, #tpu.memory_space<vmem_shared>>
        tpu.enqueue_indirect_dma source(%dma_start3A_124 : memref<128x128xf32, #tpu.memory_space<vmem>>) target(%dma_start3A_130 : memref<10112x128xf32, #tpu.memory_space<vmem_shared>>) offsets(%dma_start3A_127 : memref<128xi32, #tpu.memory_space<vmem>>) semaphore(%run_scoped3A_120 : memref<!tpu.dma_semaphore, #tpu.memory_space<semaphore_mem>>) {add = true}
        %dma_wait3A_131 = arith.constant 0 : i32
        %dma_wait3A_132 = arith.constant 0 : i32
        %dma_wait3A_133 = tpu.memref_slice %arg8[%run_scoped3A, %dma_wait3A_131, %dma_wait3A_132] : memref<2x128x128xf32, #tpu.memory_space<vmem>> -> memref<1x128x128xf32, #tpu.memory_space<vmem>>
        %dma_wait3A_134 = tpu.memref_squeeze %dma_wait3A_133 : memref<1x128x128xf32, #tpu.memory_space<vmem>> -> memref<128x128xf32, #tpu.memory_space<vmem>>
        %dma_wait3A_135 = arith.constant 0 : i32
        %dma_wait3A_136 = tpu.memref_slice %arg7[%mul3A_88, %dma_wait3A_135] : memref<40x128xi32, #tpu.memory_space<vmem>> -> memref<1x128xi32, #tpu.memory_space<vmem>>
        %dma_wait3A_137 = tpu.memref_squeeze %dma_wait3A_136 : memref<1x128xi32, #tpu.memory_space<vmem>> -> memref<128xi32, #tpu.memory_space<vmem>>
        %dma_wait3A_138 = arith.constant 0 : i32
        %dma_wait3A_139 = arith.constant 0 : i32
        %dma_wait3A_140 = tpu.memref_slice %arg10[%dma_wait3A_138, %dma_wait3A_139] : memref<10112x128xf32, #tpu.memory_space<vmem_shared>> -> memref<10112x128xf32, #tpu.memory_space<vmem_shared>>
        tpu.wait_indirect_dma semaphore(%run_scoped3A_120 : memref<!tpu.dma_semaphore, #tpu.memory_space<semaphore_mem>>) src(%dma_wait3A_134 : memref<128x128xf32, #tpu.memory_space<vmem>>) dst(%dma_wait3A_140 : memref<10112x128xf32, #tpu.memory_space<vmem_shared>>)
        tpu.yield
      }) : () -> ()
      %add3A_89 = arith.constant 1 : i32
      %add3A_90 = arith.addi %scan3A_74, %add3A_89 : i32
      %lt3A = arith.constant 20 : i32
      %lt3A_91 = arith.cmpi slt, %add3A_90, %lt3A : i32
      %convert_element_type3A = arith.extui %lt3A_91 : i1 to i32
      %cond3A = arith.constant 0 : i32
      %cond3A_92 = arith.cmpi ne, %convert_element_type3A, %cond3A : i32
      scf.if %cond3A_92 {
        %mul3A_120 = arith.constant 2 : i32
        %mul3A_121 = arith.muli %mul3A_120, %scan3A_74 : i32
        %add3A_122 = arith.constant 2 : i32
        %add3A_123 = arith.addi %mul3A_121, %add3A_122 : i32
        %dma_start3A_124 = arith.constant 0 : i32
        %dma_start3A_125 = arith.constant 0 : i32
        %dma_start3A_126 = arith.constant 0 : i32
        %dma_start3A_127 = tpu.memref_slice %arg8[%dma_start3A_124, %dma_start3A_125, %dma_start3A_126] : memref<2x128x128xf32, #tpu.memory_space<vmem>> -> memref<1x128x128xf32, #tpu.memory_space<vmem>>
        %dma_start3A_128 = tpu.memref_squeeze %dma_start3A_127 : memref<1x128x128xf32, #tpu.memory_space<vmem>> -> memref<128x128xf32, #tpu.memory_space<vmem>>
        %dma_start3A_129 = arith.constant 0 : i32
        %dma_start3A_130 = tpu.memref_slice %arg6[%add3A_123, %dma_start3A_129] : memref<40x128xi32, #tpu.memory_space<vmem>> -> memref<1x128xi32, #tpu.memory_space<vmem>>
        %dma_start3A_131 = tpu.memref_squeeze %dma_start3A_130 : memref<1x128xi32, #tpu.memory_space<vmem>> -> memref<128xi32, #tpu.memory_space<vmem>>
        %dma_start3A_132 = arith.constant 0 : i32
        %dma_start3A_133 = arith.constant 0 : i32
        %dma_start3A_134 = tpu.memref_slice %arg2[%dma_start3A_132, %dma_start3A_133] : memref<40000x128xf32, #tpu.memory_space<hbm>> -> memref<40000x128xf32, #tpu.memory_space<hbm>>
        tpu.enqueue_indirect_dma source(%dma_start3A_134 : memref<40000x128xf32, #tpu.memory_space<hbm>>) target(%dma_start3A_128 : memref<128x128xf32, #tpu.memory_space<vmem>>) offsets(%dma_start3A_131 : memref<128xi32, #tpu.memory_space<vmem>>) semaphore(%arg11 : memref<!tpu.dma_semaphore, #tpu.memory_space<semaphore_mem>>)
      } else {
      }
      %mul3A_93 = arith.constant 2 : i32
      %mul3A_94 = arith.muli %mul3A_93, %scan3A_74 : i32
      %add3A_95 = arith.constant 1 : i32
      %add3A_96 = arith.addi %mul3A_94, %add3A_95 : i32
      %dma_wait3A_97 = arith.constant 1 : i32
      %dma_wait3A_98 = arith.constant 0 : i32
      %dma_wait3A_99 = arith.constant 0 : i32
      %dma_wait3A_100 = tpu.memref_slice %arg8[%dma_wait3A_97, %dma_wait3A_98, %dma_wait3A_99] : memref<2x128x128xf32, #tpu.memory_space<vmem>> -> memref<1x128x128xf32, #tpu.memory_space<vmem>>
      %dma_wait3A_101 = tpu.memref_squeeze %dma_wait3A_100 : memref<1x128x128xf32, #tpu.memory_space<vmem>> -> memref<128x128xf32, #tpu.memory_space<vmem>>
      %dma_wait3A_102 = arith.constant 0 : i32
      %dma_wait3A_103 = tpu.memref_slice %arg6[%add3A_96, %dma_wait3A_102] : memref<40x128xi32, #tpu.memory_space<vmem>> -> memref<1x128xi32, #tpu.memory_space<vmem>>
      %dma_wait3A_104 = tpu.memref_squeeze %dma_wait3A_103 : memref<1x128xi32, #tpu.memory_space<vmem>> -> memref<128xi32, #tpu.memory_space<vmem>>
      %dma_wait3A_105 = arith.constant 0 : i32
      %dma_wait3A_106 = arith.constant 0 : i32
      %dma_wait3A_107 = tpu.memref_slice %arg2[%dma_wait3A_105, %dma_wait3A_106] : memref<40000x128xf32, #tpu.memory_space<hbm>> -> memref<40000x128xf32, #tpu.memory_space<hbm>>
      tpu.wait_indirect_dma semaphore(%arg12 : memref<!tpu.dma_semaphore, #tpu.memory_space<semaphore_mem>>) src(%dma_wait3A_107 : memref<40000x128xf32, #tpu.memory_space<hbm>>) dst(%dma_wait3A_101 : memref<128x128xf32, #tpu.memory_space<vmem>>)
      %mul3A_108 = arith.constant 2 : i32
      %mul3A_109 = arith.muli %mul3A_108, %scan3A_74 : i32
      %add3A_110 = arith.constant 1 : i32
      %add3A_111 = arith.addi %mul3A_109, %add3A_110 : i32
      %run_scoped3A_112 = arith.constant 1 : i32
      "tpu.region"() ({
        %run_scoped3A_120 = tpu.sem_alloc : memref<!tpu.dma_semaphore, #tpu.memory_space<semaphore_mem>>
        %dma_start3A_121 = arith.constant 0 : i32
        %dma_start3A_122 = arith.constant 0 : i32
        %dma_start3A_123 = tpu.memref_slice %arg8[%run_scoped3A_112, %dma_start3A_121, %dma_start3A_122] : memref<2x128x128xf32, #tpu.memory_space<vmem>> -> memref<1x128x128xf32, #tpu.memory_space<vmem>>
        %dma_start3A_124 = tpu.memref_squeeze %dma_start3A_123 : memref<1x128x128xf32, #tpu.memory_space<vmem>> -> memref<128x128xf32, #tpu.memory_space<vmem>>
        %dma_start3A_125 = arith.constant 0 : i32
        %dma_start3A_126 = tpu.memref_slice %arg7[%add3A_111, %dma_start3A_125] : memref<40x128xi32, #tpu.memory_space<vmem>> -> memref<1x128xi32, #tpu.memory_space<vmem>>
        %dma_start3A_127 = tpu.memref_squeeze %dma_start3A_126 : memref<1x128xi32, #tpu.memory_space<vmem>> -> memref<128xi32, #tpu.memory_space<vmem>>
        %dma_start3A_128 = arith.constant 0 : i32
        %dma_start3A_129 = arith.constant 0 : i32
        %dma_start3A_130 = tpu.memref_slice %arg10[%dma_start3A_128, %dma_start3A_129] : memref<10112x128xf32, #tpu.memory_space<vmem_shared>> -> memref<10112x128xf32, #tpu.memory_space<vmem_shared>>
        tpu.enqueue_indirect_dma source(%dma_start3A_124 : memref<128x128xf32, #tpu.memory_space<vmem>>) target(%dma_start3A_130 : memref<10112x128xf32, #tpu.memory_space<vmem_shared>>) offsets(%dma_start3A_127 : memref<128xi32, #tpu.memory_space<vmem>>) semaphore(%run_scoped3A_120 : memref<!tpu.dma_semaphore, #tpu.memory_space<semaphore_mem>>) {add = true}
        %dma_wait3A_131 = arith.constant 0 : i32
        %dma_wait3A_132 = arith.constant 0 : i32
        %dma_wait3A_133 = tpu.memref_slice %arg8[%run_scoped3A_112, %dma_wait3A_131, %dma_wait3A_132] : memref<2x128x128xf32, #tpu.memory_space<vmem>> -> memref<1x128x128xf32, #tpu.memory_space<vmem>>
        %dma_wait3A_134 = tpu.memref_squeeze %dma_wait3A_133 : memref<1x128x128xf32, #tpu.memory_space<vmem>> -> memref<128x128xf32, #tpu.memory_space<vmem>>
        %dma_wait3A_135 = arith.constant 0 : i32
        %dma_wait3A_136 = tpu.memref_slice %arg7[%add3A_111, %dma_wait3A_135] : memref<40x128xi32, #tpu.memory_space<vmem>> -> memref<1x128xi32, #tpu.memory_space<vmem>>
        %dma_wait3A_137 = tpu.memref_squeeze %dma_wait3A_136 : memref<1x128xi32, #tpu.memory_space<vmem>> -> memref<128xi32, #tpu.memory_space<vmem>>
        %dma_wait3A_138 = arith.constant 0 : i32
        %dma_wait3A_139 = arith.constant 0 : i32
        %dma_wait3A_140 = tpu.memref_slice %arg10[%dma_wait3A_138, %dma_wait3A_139] : memref<10112x128xf32, #tpu.memory_space<vmem_shared>> -> memref<10112x128xf32, #tpu.memory_space<vmem_shared>>
        tpu.wait_indirect_dma semaphore(%run_scoped3A_120 : memref<!tpu.dma_semaphore, #tpu.memory_space<semaphore_mem>>) src(%dma_wait3A_134 : memref<128x128xf32, #tpu.memory_space<vmem>>) dst(%dma_wait3A_140 : memref<10112x128xf32, #tpu.memory_space<vmem_shared>>)
        tpu.yield
      }) : () -> ()
      %add3A_113 = arith.constant 1 : i32
      %add3A_114 = arith.addi %scan3A_74, %add3A_113 : i32
      %lt3A_115 = arith.constant 20 : i32
      %lt3A_116 = arith.cmpi slt, %add3A_114, %lt3A_115 : i32
      %convert_element_type3A_117 = arith.extui %lt3A_116 : i1 to i32
      %cond3A_118 = arith.constant 0 : i32
      %cond3A_119 = arith.cmpi ne, %convert_element_type3A_117, %cond3A_118 : i32
      scf.if %cond3A_119 {
        %mul3A_120 = arith.constant 2 : i32
        %mul3A_121 = arith.muli %mul3A_120, %scan3A_74 : i32
        %add3A_122 = arith.constant 3 : i32
        %add3A_123 = arith.addi %mul3A_121, %add3A_122 : i32
        %dma_start3A_124 = arith.constant 1 : i32
        %dma_start3A_125 = arith.constant 0 : i32
        %dma_start3A_126 = arith.constant 0 : i32
        %dma_start3A_127 = tpu.memref_slice %arg8[%dma_start3A_124, %dma_start3A_125, %dma_start3A_126] : memref<2x128x128xf32, #tpu.memory_space<vmem>> -> memref<1x128x128xf32, #tpu.memory_space<vmem>>
        %dma_start3A_128 = tpu.memref_squeeze %dma_start3A_127 : memref<1x128x128xf32, #tpu.memory_space<vmem>> -> memref<128x128xf32, #tpu.memory_space<vmem>>
        %dma_start3A_129 = arith.constant 0 : i32
        %dma_start3A_130 = tpu.memref_slice %arg6[%add3A_123, %dma_start3A_129] : memref<40x128xi32, #tpu.memory_space<vmem>> -> memref<1x128xi32, #tpu.memory_space<vmem>>
        %dma_start3A_131 = tpu.memref_squeeze %dma_start3A_130 : memref<1x128xi32, #tpu.memory_space<vmem>> -> memref<128xi32, #tpu.memory_space<vmem>>
        %dma_start3A_132 = arith.constant 0 : i32
        %dma_start3A_133 = arith.constant 0 : i32
        %dma_start3A_134 = tpu.memref_slice %arg2[%dma_start3A_132, %dma_start3A_133] : memref<40000x128xf32, #tpu.memory_space<hbm>> -> memref<40000x128xf32, #tpu.memory_space<hbm>>
        tpu.enqueue_indirect_dma source(%dma_start3A_134 : memref<40000x128xf32, #tpu.memory_space<hbm>>) target(%dma_start3A_128 : memref<128x128xf32, #tpu.memory_space<vmem>>) offsets(%dma_start3A_131 : memref<128xi32, #tpu.memory_space<vmem>>) semaphore(%arg12 : memref<!tpu.dma_semaphore, #tpu.memory_space<semaphore_mem>>)
      } else {
      }
    }
    %scan3A_42 = arith.constant 20 : i32
    "tpu.region"() ({
      %run_scoped3A = tpu.sem_alloc : memref<!tpu.dma_semaphore, #tpu.memory_space<semaphore_mem>>
      %dma_start3A_74 = arith.constant 40 : i32
      %dma_start3A_75 = arith.constant 0 : i32
      %dma_start3A_76 = tpu.memref_slice %arg3[%add3A, %dma_start3A_74, %dma_start3A_75] : memref<32x80x128xi32, #tpu.memory_space<hbm>> -> memref<1x40x128xi32, #tpu.memory_space<hbm>>
      %dma_start3A_77 = tpu.memref_squeeze %dma_start3A_76 : memref<1x40x128xi32, #tpu.memory_space<hbm>> -> memref<40x128xi32, #tpu.memory_space<hbm>>
      %dma_start3A_78 = arith.constant 40 : i32
      %dma_start3A_79 = arith.constant 0 : i32
      %dma_start3A_80 = tpu.memref_slice %arg3[%add3A, %dma_start3A_78, %dma_start3A_79] : memref<32x80x128xi32, #tpu.memory_space<hbm>> -> memref<1x40x128xi32, #tpu.memory_space<hbm>>
      %dma_start3A_81 = tpu.memref_squeeze %dma_start3A_80 : memref<1x40x128xi32, #tpu.memory_space<hbm>> -> memref<40x128xi32, #tpu.memory_space<hbm>>
      tpu.enqueue_dma source(%dma_start3A_81 : memref<40x128xi32, #tpu.memory_space<hbm>>) target(%arg6 : memref<40x128xi32, #tpu.memory_space<vmem>>) target_semaphore(%run_scoped3A : memref<!tpu.dma_semaphore, #tpu.memory_space<semaphore_mem>>)
      %dma_wait3A = arith.constant 40 : i32
      %dma_wait3A_82 = arith.constant 0 : i32
      %dma_wait3A_83 = tpu.memref_slice %arg3[%add3A, %dma_wait3A, %dma_wait3A_82] : memref<32x80x128xi32, #tpu.memory_space<hbm>> -> memref<1x40x128xi32, #tpu.memory_space<hbm>>
      %dma_wait3A_84 = tpu.memref_squeeze %dma_wait3A_83 : memref<1x40x128xi32, #tpu.memory_space<hbm>> -> memref<40x128xi32, #tpu.memory_space<hbm>>
      %dma_wait3A_85 = arith.constant 40 : i32
      %dma_wait3A_86 = arith.constant 0 : i32
      %dma_wait3A_87 = tpu.memref_slice %arg3[%add3A, %dma_wait3A_85, %dma_wait3A_86] : memref<32x80x128xi32, #tpu.memory_space<hbm>> -> memref<1x40x128xi32, #tpu.memory_space<hbm>>
      %dma_wait3A_88 = tpu.memref_squeeze %dma_wait3A_87 : memref<1x40x128xi32, #tpu.memory_space<hbm>> -> memref<40x128xi32, #tpu.memory_space<hbm>>
      tpu.wait_dma2 semaphore(%run_scoped3A : memref<!tpu.dma_semaphore, #tpu.memory_space<semaphore_mem>>) src(%dma_wait3A_88 : memref<40x128xi32, #tpu.memory_space<hbm>>) dst(%arg6 : memref<40x128xi32, #tpu.memory_space<vmem>>)
      tpu.yield
    }) : () -> ()
    "tpu.region"() ({
      %run_scoped3A = tpu.sem_alloc : memref<!tpu.dma_semaphore, #tpu.memory_space<semaphore_mem>>
      %dma_start3A_74 = arith.constant 40 : i32
      %dma_start3A_75 = arith.constant 0 : i32
      %dma_start3A_76 = tpu.memref_slice %arg4[%add3A, %dma_start3A_74, %dma_start3A_75] : memref<32x80x128xi32, #tpu.memory_space<hbm>> -> memref<1x40x128xi32, #tpu.memory_space<hbm>>
      %dma_start3A_77 = tpu.memref_squeeze %dma_start3A_76 : memref<1x40x128xi32, #tpu.memory_space<hbm>> -> memref<40x128xi32, #tpu.memory_space<hbm>>
      %dma_start3A_78 = arith.constant 40 : i32
      %dma_start3A_79 = arith.constant 0 : i32
      %dma_start3A_80 = tpu.memref_slice %arg4[%add3A, %dma_start3A_78, %dma_start3A_79] : memref<32x80x128xi32, #tpu.memory_space<hbm>> -> memref<1x40x128xi32, #tpu.memory_space<hbm>>
      %dma_start3A_81 = tpu.memref_squeeze %dma_start3A_80 : memref<1x40x128xi32, #tpu.memory_space<hbm>> -> memref<40x128xi32, #tpu.memory_space<hbm>>
      tpu.enqueue_dma source(%dma_start3A_81 : memref<40x128xi32, #tpu.memory_space<hbm>>) target(%arg7 : memref<40x128xi32, #tpu.memory_space<vmem>>) target_semaphore(%run_scoped3A : memref<!tpu.dma_semaphore, #tpu.memory_space<semaphore_mem>>)
      %dma_wait3A = arith.constant 40 : i32
      %dma_wait3A_82 = arith.constant 0 : i32
      %dma_wait3A_83 = tpu.memref_slice %arg4[%add3A, %dma_wait3A, %dma_wait3A_82] : memref<32x80x128xi32, #tpu.memory_space<hbm>> -> memref<1x40x128xi32, #tpu.memory_space<hbm>>
      %dma_wait3A_84 = tpu.memref_squeeze %dma_wait3A_83 : memref<1x40x128xi32, #tpu.memory_space<hbm>> -> memref<40x128xi32, #tpu.memory_space<hbm>>
      %dma_wait3A_85 = arith.constant 40 : i32
      %dma_wait3A_86 = arith.constant 0 : i32
      %dma_wait3A_87 = tpu.memref_slice %arg4[%add3A, %dma_wait3A_85, %dma_wait3A_86] : memref<32x80x128xi32, #tpu.memory_space<hbm>> -> memref<1x40x128xi32, #tpu.memory_space<hbm>>
      %dma_wait3A_88 = tpu.memref_squeeze %dma_wait3A_87 : memref<1x40x128xi32, #tpu.memory_space<hbm>> -> memref<40x128xi32, #tpu.memory_space<hbm>>
      tpu.wait_dma2 semaphore(%run_scoped3A : memref<!tpu.dma_semaphore, #tpu.memory_space<semaphore_mem>>) src(%dma_wait3A_88 : memref<40x128xi32, #tpu.memory_space<hbm>>) dst(%arg7 : memref<40x128xi32, #tpu.memory_space<vmem>>)
      tpu.yield
    }) : () -> ()
    %dma_start3A_43 = arith.constant 0 : i32
    %dma_start3A_44 = arith.constant 0 : i32
    %dma_start3A_45 = arith.constant 0 : i32
    %dma_start3A_46 = arith.constant 0 : i32
    %dma_start3A_47 = tpu.memref_slice %arg8[%dma_start3A_44, %dma_start3A_45, %dma_start3A_46] : memref<2x128x128xf32, #tpu.memory_space<vmem>> -> memref<1x128x128xf32, #tpu.memory_space<vmem>>
    %dma_start3A_48 = tpu.memref_squeeze %dma_start3A_47 : memref<1x128x128xf32, #tpu.memory_space<vmem>> -> memref<128x128xf32, #tpu.memory_space<vmem>>
    %dma_start3A_49 = arith.constant 0 : i32
    %dma_start3A_50 = tpu.memref_slice %arg6[%dma_start3A_43, %dma_start3A_49] : memref<40x128xi32, #tpu.memory_space<vmem>> -> memref<1x128xi32, #tpu.memory_space<vmem>>
    %dma_start3A_51 = tpu.memref_squeeze %dma_start3A_50 : memref<1x128xi32, #tpu.memory_space<vmem>> -> memref<128xi32, #tpu.memory_space<vmem>>
    %dma_start3A_52 = arith.constant 0 : i32
    %dma_start3A_53 = arith.constant 0 : i32
    %dma_start3A_54 = tpu.memref_slice %arg2[%dma_start3A_52, %dma_start3A_53] : memref<40000x128xf32, #tpu.memory_space<hbm>> -> memref<40000x128xf32, #tpu.memory_space<hbm>>
    tpu.enqueue_indirect_dma source(%dma_start3A_54 : memref<40000x128xf32, #tpu.memory_space<hbm>>) target(%dma_start3A_48 : memref<128x128xf32, #tpu.memory_space<vmem>>) offsets(%dma_start3A_51 : memref<128xi32, #tpu.memory_space<vmem>>) semaphore(%arg11 : memref<!tpu.dma_semaphore, #tpu.memory_space<semaphore_mem>>)
    %dma_start3A_55 = arith.constant 1 : i32
    %dma_start3A_56 = arith.constant 1 : i32
    %dma_start3A_57 = arith.constant 0 : i32
    %dma_start3A_58 = arith.constant 0 : i32
    %dma_start3A_59 = tpu.memref_slice %arg8[%dma_start3A_56, %dma_start3A_57, %dma_start3A_58] : memref<2x128x128xf32, #tpu.memory_space<vmem>> -> memref<1x128x128xf32, #tpu.memory_space<vmem>>
    %dma_start3A_60 = tpu.memref_squeeze %dma_start3A_59 : memref<1x128x128xf32, #tpu.memory_space<vmem>> -> memref<128x128xf32, #tpu.memory_space<vmem>>
    %dma_start3A_61 = arith.constant 0 : i32
    %dma_start3A_62 = tpu.memref_slice %arg6[%dma_start3A_55, %dma_start3A_61] : memref<40x128xi32, #tpu.memory_space<vmem>> -> memref<1x128xi32, #tpu.memory_space<vmem>>
    %dma_start3A_63 = tpu.memref_squeeze %dma_start3A_62 : memref<1x128xi32, #tpu.memory_space<vmem>> -> memref<128xi32, #tpu.memory_space<vmem>>
    %dma_start3A_64 = arith.constant 0 : i32
    %dma_start3A_65 = arith.constant 0 : i32
    %dma_start3A_66 = tpu.memref_slice %arg2[%dma_start3A_64, %dma_start3A_65] : memref<40000x128xf32, #tpu.memory_space<hbm>> -> memref<40000x128xf32, #tpu.memory_space<hbm>>
    tpu.enqueue_indirect_dma source(%dma_start3A_66 : memref<40000x128xf32, #tpu.memory_space<hbm>>) target(%dma_start3A_60 : memref<128x128xf32, #tpu.memory_space<vmem>>) offsets(%dma_start3A_63 : memref<128xi32, #tpu.memory_space<vmem>>) semaphore(%arg12 : memref<!tpu.dma_semaphore, #tpu.memory_space<semaphore_mem>>)
    %scan3A_67 = arith.constant 0 : i32
    %scan3A_68 = arith.constant 0 : i32
    %scan3A_69 = arith.constant 20 : i32
    %scan3A_70 = arith.addi %scan3A_68, %scan3A_69 : i32
    %scan3A_71 = arith.constant 1 : i32
    scf.for %scan3A_74 = %scan3A_68 to %scan3A_70 step %scan3A_71  : i32 {
      %mul3A_75 = arith.constant 2 : i32
      %mul3A_76 = arith.muli %mul3A_75, %scan3A_74 : i32
      %dma_wait3A = arith.constant 0 : i32
      %dma_wait3A_77 = arith.constant 0 : i32
      %dma_wait3A_78 = arith.constant 0 : i32
      %dma_wait3A_79 = tpu.memref_slice %arg8[%dma_wait3A, %dma_wait3A_77, %dma_wait3A_78] : memref<2x128x128xf32, #tpu.memory_space<vmem>> -> memref<1x128x128xf32, #tpu.memory_space<vmem>>
      %dma_wait3A_80 = tpu.memref_squeeze %dma_wait3A_79 : memref<1x128x128xf32, #tpu.memory_space<vmem>> -> memref<128x128xf32, #tpu.memory_space<vmem>>
      %dma_wait3A_81 = arith.constant 0 : i32
      %dma_wait3A_82 = tpu.memref_slice %arg6[%mul3A_76, %dma_wait3A_81] : memref<40x128xi32, #tpu.memory_space<vmem>> -> memref<1x128xi32, #tpu.memory_space<vmem>>
      %dma_wait3A_83 = tpu.memref_squeeze %dma_wait3A_82 : memref<1x128xi32, #tpu.memory_space<vmem>> -> memref<128xi32, #tpu.memory_space<vmem>>
      %dma_wait3A_84 = arith.constant 0 : i32
      %dma_wait3A_85 = arith.constant 0 : i32
      %dma_wait3A_86 = tpu.memref_slice %arg2[%dma_wait3A_84, %dma_wait3A_85] : memref<40000x128xf32, #tpu.memory_space<hbm>> -> memref<40000x128xf32, #tpu.memory_space<hbm>>
      tpu.wait_indirect_dma semaphore(%arg11 : memref<!tpu.dma_semaphore, #tpu.memory_space<semaphore_mem>>) src(%dma_wait3A_86 : memref<40000x128xf32, #tpu.memory_space<hbm>>) dst(%dma_wait3A_80 : memref<128x128xf32, #tpu.memory_space<vmem>>)
      %mul3A_87 = arith.constant 2 : i32
      %mul3A_88 = arith.muli %mul3A_87, %scan3A_74 : i32
      %run_scoped3A = arith.constant 0 : i32
      "tpu.region"() ({
        %run_scoped3A_120 = tpu.sem_alloc : memref<!tpu.dma_semaphore, #tpu.memory_space<semaphore_mem>>
        %dma_start3A_121 = arith.constant 0 : i32
        %dma_start3A_122 = arith.constant 0 : i32
        %dma_start3A_123 = tpu.memref_slice %arg8[%run_scoped3A, %dma_start3A_121, %dma_start3A_122] : memref<2x128x128xf32, #tpu.memory_space<vmem>> -> memref<1x128x128xf32, #tpu.memory_space<vmem>>
        %dma_start3A_124 = tpu.memref_squeeze %dma_start3A_123 : memref<1x128x128xf32, #tpu.memory_space<vmem>> -> memref<128x128xf32, #tpu.memory_space<vmem>>
        %dma_start3A_125 = arith.constant 0 : i32
        %dma_start3A_126 = tpu.memref_slice %arg7[%mul3A_88, %dma_start3A_125] : memref<40x128xi32, #tpu.memory_space<vmem>> -> memref<1x128xi32, #tpu.memory_space<vmem>>
        %dma_start3A_127 = tpu.memref_squeeze %dma_start3A_126 : memref<1x128xi32, #tpu.memory_space<vmem>> -> memref<128xi32, #tpu.memory_space<vmem>>
        %dma_start3A_128 = arith.constant 0 : i32
        %dma_start3A_129 = arith.constant 0 : i32
        %dma_start3A_130 = tpu.memref_slice %arg10[%dma_start3A_128, %dma_start3A_129] : memref<10112x128xf32, #tpu.memory_space<vmem_shared>> -> memref<10112x128xf32, #tpu.memory_space<vmem_shared>>
        tpu.enqueue_indirect_dma source(%dma_start3A_124 : memref<128x128xf32, #tpu.memory_space<vmem>>) target(%dma_start3A_130 : memref<10112x128xf32, #tpu.memory_space<vmem_shared>>) offsets(%dma_start3A_127 : memref<128xi32, #tpu.memory_space<vmem>>) semaphore(%run_scoped3A_120 : memref<!tpu.dma_semaphore, #tpu.memory_space<semaphore_mem>>) {add = true}
        %dma_wait3A_131 = arith.constant 0 : i32
        %dma_wait3A_132 = arith.constant 0 : i32
        %dma_wait3A_133 = tpu.memref_slice %arg8[%run_scoped3A, %dma_wait3A_131, %dma_wait3A_132] : memref<2x128x128xf32, #tpu.memory_space<vmem>> -> memref<1x128x128xf32, #tpu.memory_space<vmem>>
        %dma_wait3A_134 = tpu.memref_squeeze %dma_wait3A_133 : memref<1x128x128xf32, #tpu.memory_space<vmem>> -> memref<128x128xf32, #tpu.memory_space<vmem>>
        %dma_wait3A_135 = arith.constant 0 : i32
        %dma_wait3A_136 = tpu.memref_slice %arg7[%mul3A_88, %dma_wait3A_135] : memref<40x128xi32, #tpu.memory_space<vmem>> -> memref<1x128xi32, #tpu.memory_space<vmem>>
        %dma_wait3A_137 = tpu.memref_squeeze %dma_wait3A_136 : memref<1x128xi32, #tpu.memory_space<vmem>> -> memref<128xi32, #tpu.memory_space<vmem>>
        %dma_wait3A_138 = arith.constant 0 : i32
        %dma_wait3A_139 = arith.constant 0 : i32
        %dma_wait3A_140 = tpu.memref_slice %arg10[%dma_wait3A_138, %dma_wait3A_139] : memref<10112x128xf32, #tpu.memory_space<vmem_shared>> -> memref<10112x128xf32, #tpu.memory_space<vmem_shared>>
        tpu.wait_indirect_dma semaphore(%run_scoped3A_120 : memref<!tpu.dma_semaphore, #tpu.memory_space<semaphore_mem>>) src(%dma_wait3A_134 : memref<128x128xf32, #tpu.memory_space<vmem>>) dst(%dma_wait3A_140 : memref<10112x128xf32, #tpu.memory_space<vmem_shared>>)
        tpu.yield
      }) : () -> ()
      %add3A_89 = arith.constant 1 : i32
      %add3A_90 = arith.addi %scan3A_74, %add3A_89 : i32
      %lt3A = arith.constant 20 : i32
      %lt3A_91 = arith.cmpi slt, %add3A_90, %lt3A : i32
      %convert_element_type3A = arith.extui %lt3A_91 : i1 to i32
      %cond3A = arith.constant 0 : i32
      %cond3A_92 = arith.cmpi ne, %convert_element_type3A, %cond3A : i32
      scf.if %cond3A_92 {
        %mul3A_120 = arith.constant 2 : i32
        %mul3A_121 = arith.muli %mul3A_120, %scan3A_74 : i32
        %add3A_122 = arith.constant 2 : i32
        %add3A_123 = arith.addi %mul3A_121, %add3A_122 : i32
        %dma_start3A_124 = arith.constant 0 : i32
        %dma_start3A_125 = arith.constant 0 : i32
        %dma_start3A_126 = arith.constant 0 : i32
        %dma_start3A_127 = tpu.memref_slice %arg8[%dma_start3A_124, %dma_start3A_125, %dma_start3A_126] : memref<2x128x128xf32, #tpu.memory_space<vmem>> -> memref<1x128x128xf32, #tpu.memory_space<vmem>>
        %dma_start3A_128 = tpu.memref_squeeze %dma_start3A_127 : memref<1x128x128xf32, #tpu.memory_space<vmem>> -> memref<128x128xf32, #tpu.memory_space<vmem>>
        %dma_start3A_129 = arith.constant 0 : i32
        %dma_start3A_130 = tpu.memref_slice %arg6[%add3A_123, %dma_start3A_129] : memref<40x128xi32, #tpu.memory_space<vmem>> -> memref<1x128xi32, #tpu.memory_space<vmem>>
        %dma_start3A_131 = tpu.memref_squeeze %dma_start3A_130 : memref<1x128xi32, #tpu.memory_space<vmem>> -> memref<128xi32, #tpu.memory_space<vmem>>
        %dma_start3A_132 = arith.constant 0 : i32
        %dma_start3A_133 = arith.constant 0 : i32
        %dma_start3A_134 = tpu.memref_slice %arg2[%dma_start3A_132, %dma_start3A_133] : memref<40000x128xf32, #tpu.memory_space<hbm>> -> memref<40000x128xf32, #tpu.memory_space<hbm>>
        tpu.enqueue_indirect_dma source(%dma_start3A_134 : memref<40000x128xf32, #tpu.memory_space<hbm>>) target(%dma_start3A_128 : memref<128x128xf32, #tpu.memory_space<vmem>>) offsets(%dma_start3A_131 : memref<128xi32, #tpu.memory_space<vmem>>) semaphore(%arg11 : memref<!tpu.dma_semaphore, #tpu.memory_space<semaphore_mem>>)
      } else {
      }
      %mul3A_93 = arith.constant 2 : i32
      %mul3A_94 = arith.muli %mul3A_93, %scan3A_74 : i32
      %add3A_95 = arith.constant 1 : i32
      %add3A_96 = arith.addi %mul3A_94, %add3A_95 : i32
      %dma_wait3A_97 = arith.constant 1 : i32
      %dma_wait3A_98 = arith.constant 0 : i32
      %dma_wait3A_99 = arith.constant 0 : i32
      %dma_wait3A_100 = tpu.memref_slice %arg8[%dma_wait3A_97, %dma_wait3A_98, %dma_wait3A_99] : memref<2x128x128xf32, #tpu.memory_space<vmem>> -> memref<1x128x128xf32, #tpu.memory_space<vmem>>
      %dma_wait3A_101 = tpu.memref_squeeze %dma_wait3A_100 : memref<1x128x128xf32, #tpu.memory_space<vmem>> -> memref<128x128xf32, #tpu.memory_space<vmem>>
      %dma_wait3A_102 = arith.constant 0 : i32
      %dma_wait3A_103 = tpu.memref_slice %arg6[%add3A_96, %dma_wait3A_102] : memref<40x128xi32, #tpu.memory_space<vmem>> -> memref<1x128xi32, #tpu.memory_space<vmem>>
      %dma_wait3A_104 = tpu.memref_squeeze %dma_wait3A_103 : memref<1x128xi32, #tpu.memory_space<vmem>> -> memref<128xi32, #tpu.memory_space<vmem>>
      %dma_wait3A_105 = arith.constant 0 : i32
      %dma_wait3A_106 = arith.constant 0 : i32
      %dma_wait3A_107 = tpu.memref_slice %arg2[%dma_wait3A_105, %dma_wait3A_106] : memref<40000x128xf32, #tpu.memory_space<hbm>> -> memref<40000x128xf32, #tpu.memory_space<hbm>>
      tpu.wait_indirect_dma semaphore(%arg12 : memref<!tpu.dma_semaphore, #tpu.memory_space<semaphore_mem>>) src(%dma_wait3A_107 : memref<40000x128xf32, #tpu.memory_space<hbm>>) dst(%dma_wait3A_101 : memref<128x128xf32, #tpu.memory_space<vmem>>)
      %mul3A_108 = arith.constant 2 : i32
      %mul3A_109 = arith.muli %mul3A_108, %scan3A_74 : i32
      %add3A_110 = arith.constant 1 : i32
      %add3A_111 = arith.addi %mul3A_109, %add3A_110 : i32
      %run_scoped3A_112 = arith.constant 1 : i32
      "tpu.region"() ({
        %run_scoped3A_120 = tpu.sem_alloc : memref<!tpu.dma_semaphore, #tpu.memory_space<semaphore_mem>>
        %dma_start3A_121 = arith.constant 0 : i32
        %dma_start3A_122 = arith.constant 0 : i32
        %dma_start3A_123 = tpu.memref_slice %arg8[%run_scoped3A_112, %dma_start3A_121, %dma_start3A_122] : memref<2x128x128xf32, #tpu.memory_space<vmem>> -> memref<1x128x128xf32, #tpu.memory_space<vmem>>
        %dma_start3A_124 = tpu.memref_squeeze %dma_start3A_123 : memref<1x128x128xf32, #tpu.memory_space<vmem>> -> memref<128x128xf32, #tpu.memory_space<vmem>>
        %dma_start3A_125 = arith.constant 0 : i32
        %dma_start3A_126 = tpu.memref_slice %arg7[%add3A_111, %dma_start3A_125] : memref<40x128xi32, #tpu.memory_space<vmem>> -> memref<1x128xi32, #tpu.memory_space<vmem>>
        %dma_start3A_127 = tpu.memref_squeeze %dma_start3A_126 : memref<1x128xi32, #tpu.memory_space<vmem>> -> memref<128xi32, #tpu.memory_space<vmem>>
        %dma_start3A_128 = arith.constant 0 : i32
        %dma_start3A_129 = arith.constant 0 : i32
        %dma_start3A_130 = tpu.memref_slice %arg10[%dma_start3A_128, %dma_start3A_129] : memref<10112x128xf32, #tpu.memory_space<vmem_shared>> -> memref<10112x128xf32, #tpu.memory_space<vmem_shared>>
        tpu.enqueue_indirect_dma source(%dma_start3A_124 : memref<128x128xf32, #tpu.memory_space<vmem>>) target(%dma_start3A_130 : memref<10112x128xf32, #tpu.memory_space<vmem_shared>>) offsets(%dma_start3A_127 : memref<128xi32, #tpu.memory_space<vmem>>) semaphore(%run_scoped3A_120 : memref<!tpu.dma_semaphore, #tpu.memory_space<semaphore_mem>>) {add = true}
        %dma_wait3A_131 = arith.constant 0 : i32
        %dma_wait3A_132 = arith.constant 0 : i32
        %dma_wait3A_133 = tpu.memref_slice %arg8[%run_scoped3A_112, %dma_wait3A_131, %dma_wait3A_132] : memref<2x128x128xf32, #tpu.memory_space<vmem>> -> memref<1x128x128xf32, #tpu.memory_space<vmem>>
        %dma_wait3A_134 = tpu.memref_squeeze %dma_wait3A_133 : memref<1x128x128xf32, #tpu.memory_space<vmem>> -> memref<128x128xf32, #tpu.memory_space<vmem>>
        %dma_wait3A_135 = arith.constant 0 : i32
        %dma_wait3A_136 = tpu.memref_slice %arg7[%add3A_111, %dma_wait3A_135] : memref<40x128xi32, #tpu.memory_space<vmem>> -> memref<1x128xi32, #tpu.memory_space<vmem>>
        %dma_wait3A_137 = tpu.memref_squeeze %dma_wait3A_136 : memref<1x128xi32, #tpu.memory_space<vmem>> -> memref<128xi32, #tpu.memory_space<vmem>>
        %dma_wait3A_138 = arith.constant 0 : i32
        %dma_wait3A_139 = arith.constant 0 : i32
        %dma_wait3A_140 = tpu.memref_slice %arg10[%dma_wait3A_138, %dma_wait3A_139] : memref<10112x128xf32, #tpu.memory_space<vmem_shared>> -> memref<10112x128xf32, #tpu.memory_space<vmem_shared>>
        tpu.wait_indirect_dma semaphore(%run_scoped3A_120 : memref<!tpu.dma_semaphore, #tpu.memory_space<semaphore_mem>>) src(%dma_wait3A_134 : memref<128x128xf32, #tpu.memory_space<vmem>>) dst(%dma_wait3A_140 : memref<10112x128xf32, #tpu.memory_space<vmem_shared>>)
        tpu.yield
      }) : () -> ()
      %add3A_113 = arith.constant 1 : i32
      %add3A_114 = arith.addi %scan3A_74, %add3A_113 : i32
      %lt3A_115 = arith.constant 20 : i32
      %lt3A_116 = arith.cmpi slt, %add3A_114, %lt3A_115 : i32
      %convert_element_type3A_117 = arith.extui %lt3A_116 : i1 to i32
      %cond3A_118 = arith.constant 0 : i32
      %cond3A_119 = arith.cmpi ne, %convert_element_type3A_117, %cond3A_118 : i32
      scf.if %cond3A_119 {
        %mul3A_120 = arith.constant 2 : i32
        %mul3A_121 = arith.muli %mul3A_120, %scan3A_74 : i32
        %add3A_122 = arith.constant 3 : i32
        %add3A_123 = arith.addi %mul3A_121, %add3A_122 : i32
        %dma_start3A_124 = arith.constant 1 : i32
        %dma_start3A_125 = arith.constant 0 : i32
        %dma_start3A_126 = arith.constant 0 : i32
        %dma_start3A_127 = tpu.memref_slice %arg8[%dma_start3A_124, %dma_start3A_125, %dma_start3A_126] : memref<2x128x128xf32, #tpu.memory_space<vmem>> -> memref<1x128x128xf32, #tpu.memory_space<vmem>>
        %dma_start3A_128 = tpu.memref_squeeze %dma_start3A_127 : memref<1x128x128xf32, #tpu.memory_space<vmem>> -> memref<128x128xf32, #tpu.memory_space<vmem>>
        %dma_start3A_129 = arith.constant 0 : i32
        %dma_start3A_130 = tpu.memref_slice %arg6[%add3A_123, %dma_start3A_129] : memref<40x128xi32, #tpu.memory_space<vmem>> -> memref<1x128xi32, #tpu.memory_space<vmem>>
        %dma_start3A_131 = tpu.memref_squeeze %dma_start3A_130 : memref<1x128xi32, #tpu.memory_space<vmem>> -> memref<128xi32, #tpu.memory_space<vmem>>
        %dma_start3A_132 = arith.constant 0 : i32
        %dma_start3A_133 = arith.constant 0 : i32
        %dma_start3A_134 = tpu.memref_slice %arg2[%dma_start3A_132, %dma_start3A_133] : memref<40000x128xf32, #tpu.memory_space<hbm>> -> memref<40000x128xf32, #tpu.memory_space<hbm>>
        tpu.enqueue_indirect_dma source(%dma_start3A_134 : memref<40000x128xf32, #tpu.memory_space<hbm>>) target(%dma_start3A_128 : memref<128x128xf32, #tpu.memory_space<vmem>>) offsets(%dma_start3A_131 : memref<128xi32, #tpu.memory_space<vmem>>) semaphore(%arg12 : memref<!tpu.dma_semaphore, #tpu.memory_space<semaphore_mem>>)
      } else {
      }
    }
    %scan3A_72 = arith.constant 20 : i32
    %barrier3A_73 = arith.constant 0 : index
    tpu.barrier barrier_id(%barrier3A_73)
    "tpu.region"() ({
      %run_scoped3A = tpu.sem_alloc : memref<!tpu.dma_semaphore, #tpu.memory_space<semaphore_mem>>
      %dma_start3A_74 = arith.constant 0 : i32
      %dma_start3A_75 = tpu.memref_slice %arg5[%arg0, %mul3A_7, %dma_start3A_74] : memref<2x10112x128xf32, #tpu.memory_space<hbm>> -> memref<1x632x128xf32, #tpu.memory_space<hbm>>
      %dma_start3A_76 = tpu.memref_squeeze %dma_start3A_75 : memref<1x632x128xf32, #tpu.memory_space<hbm>> -> memref<632x128xf32, #tpu.memory_space<hbm>>
      %dma_start3A_77 = arith.constant 0 : i32
      %dma_start3A_78 = tpu.memref_slice %arg10[%mul3A_7, %dma_start3A_77] : memref<10112x128xf32, #tpu.memory_space<vmem_shared>> -> memref<632x128xf32, #tpu.memory_space<vmem_shared>>
      tpu.enqueue_dma source(%dma_start3A_78 : memref<632x128xf32, #tpu.memory_space<vmem_shared>>) target(%dma_start3A_76 : memref<632x128xf32, #tpu.memory_space<hbm>>) target_semaphore(%run_scoped3A : memref<!tpu.dma_semaphore, #tpu.memory_space<semaphore_mem>>)
      %dma_wait3A = arith.constant 0 : i32
      %dma_wait3A_79 = tpu.memref_slice %arg5[%arg0, %mul3A_7, %dma_wait3A] : memref<2x10112x128xf32, #tpu.memory_space<hbm>> -> memref<1x632x128xf32, #tpu.memory_space<hbm>>
      %dma_wait3A_80 = tpu.memref_squeeze %dma_wait3A_79 : memref<1x632x128xf32, #tpu.memory_space<hbm>> -> memref<632x128xf32, #tpu.memory_space<hbm>>
      %dma_wait3A_81 = arith.constant 0 : i32
      %dma_wait3A_82 = tpu.memref_slice %arg10[%mul3A_7, %dma_wait3A_81] : memref<10112x128xf32, #tpu.memory_space<vmem_shared>> -> memref<632x128xf32, #tpu.memory_space<vmem_shared>>
      tpu.wait_dma2 semaphore(%run_scoped3A : memref<!tpu.dma_semaphore, #tpu.memory_space<semaphore_mem>>) src(%dma_wait3A_82 : memref<632x128xf32, #tpu.memory_space<vmem_shared>>) dst(%dma_wait3A_80 : memref<632x128xf32, #tpu.memory_space<hbm>>)
      tpu.yield
    }) : () -> ()
    return
  }
}

#map = affine_map<(d0, d1) -> (0, 0)>
#map1 = affine_map<(d0, d1) -> (0, 0, 0)>
module attributes {stable_mosaic.version = 14 : i64} {
  func.func @_seg_body(%arg0: i32, %arg1: i32, %arg2: memref<10000x128xf32, #tpu.memory_space<hbm>>, %arg3: memref<32x2x128xi32, #tpu.memory_space<hbm>>, %arg4: memref<32x2x128xi32, #tpu.memory_space<hbm>>, %arg5: memref<2x128x128xf32, #tpu.memory_space<hbm>>, %arg6: memref<2x128xi32, #tpu.memory_space<vmem>>, %arg7: memref<2x128xi32, #tpu.memory_space<vmem>>, %arg8: memref<2x128x128xf32, #tpu.memory_space<vmem>>, %arg9: memref<8x128xf32, #tpu.memory_space<vmem>>, %arg10: memref<128x128xf32, #tpu.memory_space<vmem_shared>>, %arg11: memref<!tpu.dma_semaphore, #tpu.memory_space<semaphore_mem>>, %arg12: memref<!tpu.dma_semaphore, #tpu.memory_space<semaphore_mem>>) attributes {dimension_semantics = [#tpu.dimension_semantics<core_parallel>, #tpu.dimension_semantics<subcore_parallel>], iteration_bounds = array<i64: 2, 16>, scalar_prefetch = 0 : i64, scratch_operands = 7 : i64, tpu.core_type = #tpu.core_type<sc_vector_subcore>, window_params = [{transform_indices = #map}, {transform_indices = #map1}, {transform_indices = #map1}, {transform_indices = #map1}]} {
    %mul3A = arith.constant 16 : i32
    %mul3A_0 = arith.muli %arg0, %mul3A : i32
    %add3A = arith.addi %mul3A_0, %arg1 : i32
    %scan3A = arith.constant 0 : i32
    %scan3A_1 = arith.constant 0 : i32
    %scan3A_2 = arith.constant 8 : i32
    %scan3A_3 = arith.addi %scan3A_1, %scan3A_2 : i32
    %scan3A_4 = arith.constant 1 : i32
    scf.for %scan3A_86 = %scan3A_1 to %scan3A_3 step %scan3A_4  : i32 {
      %broadcast_in_dim3A = arith.constant 0.000000e+00 : f32
      %broadcast_in_dim3A_87 = vector.broadcast %broadcast_in_dim3A : f32 to vector<16xf32>
      %swap3A = arith.index_cast %scan3A_86 : i32 to index
      %swap3A_88 = arith.constant 0 : index
      %swap3A_89 = tpu.vector_load %arg9[%swap3A, %swap3A_88] {strides = array<i32>} : memref<8x128xf32, #tpu.memory_space<vmem>>, vector<1x16xf32>,
      %swap3A_90 = vector.shape_cast %swap3A_89 : vector<1x16xf32> to vector<16xf32>
      %swap3A_91 = vector.shape_cast %broadcast_in_dim3A_87 : vector<16xf32> to vector<1x16xf32>
      tpu.vector_store %arg9[%swap3A, %swap3A_88], %swap3A_91 {strides = array<i32>} : memref<8x128xf32, #tpu.memory_space<vmem>>, vector<1x16xf32>,
      %broadcast_in_dim3A_92 = arith.constant 0.000000e+00 : f32
      %broadcast_in_dim3A_93 = vector.broadcast %broadcast_in_dim3A_92 : f32 to vector<16xf32>
      %swap3A_94 = arith.index_cast %scan3A_86 : i32 to index
      %swap3A_95 = arith.constant 16 : index
      %swap3A_96 = tpu.vector_load %arg9[%swap3A_94, %swap3A_95] {strides = array<i32>} : memref<8x128xf32, #tpu.memory_space<vmem>>, vector<1x16xf32>,
      %swap3A_97 = vector.shape_cast %swap3A_96 : vector<1x16xf32> to vector<16xf32>
      %swap3A_98 = vector.shape_cast %broadcast_in_dim3A_93 : vector<16xf32> to vector<1x16xf32>
      tpu.vector_store %arg9[%swap3A_94, %swap3A_95], %swap3A_98 {strides = array<i32>} : memref<8x128xf32, #tpu.memory_space<vmem>>, vector<1x16xf32>,
      %broadcast_in_dim3A_99 = arith.constant 0.000000e+00 : f32
      %broadcast_in_dim3A_100 = vector.broadcast %broadcast_in_dim3A_99 : f32 to vector<16xf32>
      %swap3A_101 = arith.index_cast %scan3A_86 : i32 to index
      %swap3A_102 = arith.constant 32 : index
      %swap3A_103 = tpu.vector_load %arg9[%swap3A_101, %swap3A_102] {strides = array<i32>} : memref<8x128xf32, #tpu.memory_space<vmem>>, vector<1x16xf32>,
      %swap3A_104 = vector.shape_cast %swap3A_103 : vector<1x16xf32> to vector<16xf32>
      %swap3A_105 = vector.shape_cast %broadcast_in_dim3A_100 : vector<16xf32> to vector<1x16xf32>
      tpu.vector_store %arg9[%swap3A_101, %swap3A_102], %swap3A_105 {strides = array<i32>} : memref<8x128xf32, #tpu.memory_space<vmem>>, vector<1x16xf32>,
      %broadcast_in_dim3A_106 = arith.constant 0.000000e+00 : f32
      %broadcast_in_dim3A_107 = vector.broadcast %broadcast_in_dim3A_106 : f32 to vector<16xf32>
      %swap3A_108 = arith.index_cast %scan3A_86 : i32 to index
      %swap3A_109 = arith.constant 48 : index
      %swap3A_110 = tpu.vector_load %arg9[%swap3A_108, %swap3A_109] {strides = array<i32>} : memref<8x128xf32, #tpu.memory_space<vmem>>, vector<1x16xf32>,
      %swap3A_111 = vector.shape_cast %swap3A_110 : vector<1x16xf32> to vector<16xf32>
      %swap3A_112 = vector.shape_cast %broadcast_in_dim3A_107 : vector<16xf32> to vector<1x16xf32>
      tpu.vector_store %arg9[%swap3A_108, %swap3A_109], %swap3A_112 {strides = array<i32>} : memref<8x128xf32, #tpu.memory_space<vmem>>, vector<1x16xf32>,
      %broadcast_in_dim3A_113 = arith.constant 0.000000e+00 : f32
      %broadcast_in_dim3A_114 = vector.broadcast %broadcast_in_dim3A_113 : f32 to vector<16xf32>
      %swap3A_115 = arith.index_cast %scan3A_86 : i32 to index
      %swap3A_116 = arith.constant 64 : index
      %swap3A_117 = tpu.vector_load %arg9[%swap3A_115, %swap3A_116] {strides = array<i32>} : memref<8x128xf32, #tpu.memory_space<vmem>>, vector<1x16xf32>,
      %swap3A_118 = vector.shape_cast %swap3A_117 : vector<1x16xf32> to vector<16xf32>
      %swap3A_119 = vector.shape_cast %broadcast_in_dim3A_114 : vector<16xf32> to vector<1x16xf32>
      tpu.vector_store %arg9[%swap3A_115, %swap3A_116], %swap3A_119 {strides = array<i32>} : memref<8x128xf32, #tpu.memory_space<vmem>>, vector<1x16xf32>,
      %broadcast_in_dim3A_120 = arith.constant 0.000000e+00 : f32
      %broadcast_in_dim3A_121 = vector.broadcast %broadcast_in_dim3A_120 : f32 to vector<16xf32>
      %swap3A_122 = arith.index_cast %scan3A_86 : i32 to index
      %swap3A_123 = arith.constant 80 : index
      %swap3A_124 = tpu.vector_load %arg9[%swap3A_122, %swap3A_123] {strides = array<i32>} : memref<8x128xf32, #tpu.memory_space<vmem>>, vector<1x16xf32>,
      %swap3A_125 = vector.shape_cast %swap3A_124 : vector<1x16xf32> to vector<16xf32>
      %swap3A_126 = vector.shape_cast %broadcast_in_dim3A_121 : vector<16xf32> to vector<1x16xf32>
      tpu.vector_store %arg9[%swap3A_122, %swap3A_123], %swap3A_126 {strides = array<i32>} : memref<8x128xf32, #tpu.memory_space<vmem>>, vector<1x16xf32>,
      %broadcast_in_dim3A_127 = arith.constant 0.000000e+00 : f32
      %broadcast_in_dim3A_128 = vector.broadcast %broadcast_in_dim3A_127 : f32 to vector<16xf32>
      %swap3A_129 = arith.index_cast %scan3A_86 : i32 to index
      %swap3A_130 = arith.constant 96 : index
      %swap3A_131 = tpu.vector_load %arg9[%swap3A_129, %swap3A_130] {strides = array<i32>} : memref<8x128xf32, #tpu.memory_space<vmem>>, vector<1x16xf32>,
      %swap3A_132 = vector.shape_cast %swap3A_131 : vector<1x16xf32> to vector<16xf32>
      %swap3A_133 = vector.shape_cast %broadcast_in_dim3A_128 : vector<16xf32> to vector<1x16xf32>
      tpu.vector_store %arg9[%swap3A_129, %swap3A_130], %swap3A_133 {strides = array<i32>} : memref<8x128xf32, #tpu.memory_space<vmem>>, vector<1x16xf32>,
      %broadcast_in_dim3A_134 = arith.constant 0.000000e+00 : f32
      %broadcast_in_dim3A_135 = vector.broadcast %broadcast_in_dim3A_134 : f32 to vector<16xf32>
      %swap3A_136 = arith.index_cast %scan3A_86 : i32 to index
      %swap3A_137 = arith.constant 112 : index
      %swap3A_138 = tpu.vector_load %arg9[%swap3A_136, %swap3A_137] {strides = array<i32>} : memref<8x128xf32, #tpu.memory_space<vmem>>, vector<1x16xf32>,
      %swap3A_139 = vector.shape_cast %swap3A_138 : vector<1x16xf32> to vector<16xf32>
      %swap3A_140 = vector.shape_cast %broadcast_in_dim3A_135 : vector<16xf32> to vector<1x16xf32>
      tpu.vector_store %arg9[%swap3A_136, %swap3A_137], %swap3A_140 {strides = array<i32>} : memref<8x128xf32, #tpu.memory_space<vmem>>, vector<1x16xf32>,
    }
    %scan3A_5 = arith.constant 8 : i32
    %mul3A_6 = arith.constant 8 : i32
    %mul3A_7 = arith.muli %arg1, %mul3A_6 : i32
    %scan3A_8 = arith.constant 0 : i32
    %scan3A_9 = arith.constant 0 : i32
    %mul3A_10 = arith.constant 8 : i32
    %mul3A_11 = arith.muli %scan3A_9, %mul3A_10 : i32
    %add3A_12 = arith.addi %mul3A_7, %mul3A_11 : i32
    "tpu.region"() ({
      %run_scoped3A_86 = tpu.sem_alloc : memref<!tpu.dma_semaphore, #tpu.memory_space<semaphore_mem>>
      %dma_start3A_87 = arith.constant 0 : i32
      %dma_start3A_88 = tpu.memref_slice %arg10[%add3A_12, %dma_start3A_87] : memref<128x128xf32, #tpu.memory_space<vmem_shared>> -> memref<8x128xf32, #tpu.memory_space<vmem_shared>>
      %dma_start3A_89 = arith.constant 0 : i32
      %dma_start3A_90 = tpu.memref_slice %arg10[%add3A_12, %dma_start3A_89] : memref<128x128xf32, #tpu.memory_space<vmem_shared>> -> memref<8x128xf32, #tpu.memory_space<vmem_shared>>
      tpu.enqueue_dma source(%arg9 : memref<8x128xf32, #tpu.memory_space<vmem>>) target(%dma_start3A_90 : memref<8x128xf32, #tpu.memory_space<vmem_shared>>) target_semaphore(%run_scoped3A_86 : memref<!tpu.dma_semaphore, #tpu.memory_space<semaphore_mem>>)
      %dma_wait3A_91 = arith.constant 0 : i32
      %dma_wait3A_92 = tpu.memref_slice %arg10[%add3A_12, %dma_wait3A_91] : memref<128x128xf32, #tpu.memory_space<vmem_shared>> -> memref<8x128xf32, #tpu.memory_space<vmem_shared>>
      %dma_wait3A_93 = arith.constant 0 : i32
      %dma_wait3A_94 = tpu.memref_slice %arg10[%add3A_12, %dma_wait3A_93] : memref<128x128xf32, #tpu.memory_space<vmem_shared>> -> memref<8x128xf32, #tpu.memory_space<vmem_shared>>
      tpu.wait_dma2 semaphore(%run_scoped3A_86 : memref<!tpu.dma_semaphore, #tpu.memory_space<semaphore_mem>>) src(%arg9 : memref<8x128xf32, #tpu.memory_space<vmem>>) dst(%dma_wait3A_94 : memref<8x128xf32, #tpu.memory_space<vmem_shared>>)
      tpu.yield
    }) : () -> ()
    %scan3A_13 = arith.constant 1 : i32
    %barrier3A = arith.constant 0 : index
    tpu.barrier barrier_id(%barrier3A)
    "tpu.region"() ({
      %run_scoped3A_86 = tpu.sem_alloc : memref<!tpu.dma_semaphore, #tpu.memory_space<semaphore_mem>>
      %dma_start3A_87 = arith.constant 0 : i32
      %dma_start3A_88 = arith.constant 0 : i32
      %dma_start3A_89 = tpu.memref_slice %arg3[%add3A, %dma_start3A_87, %dma_start3A_88] : memref<32x2x128xi32, #tpu.memory_space<hbm>> -> memref<1x2x128xi32, #tpu.memory_space<hbm>>
      %dma_start3A_90 = tpu.memref_squeeze %dma_start3A_89 : memref<1x2x128xi32, #tpu.memory_space<hbm>> -> memref<2x128xi32, #tpu.memory_space<hbm>>
      %dma_start3A_91 = arith.constant 0 : i32
      %dma_start3A_92 = arith.constant 0 : i32
      %dma_start3A_93 = tpu.memref_slice %arg3[%add3A, %dma_start3A_91, %dma_start3A_92] : memref<32x2x128xi32, #tpu.memory_space<hbm>> -> memref<1x2x128xi32, #tpu.memory_space<hbm>>
      %dma_start3A_94 = tpu.memref_squeeze %dma_start3A_93 : memref<1x2x128xi32, #tpu.memory_space<hbm>> -> memref<2x128xi32, #tpu.memory_space<hbm>>
      tpu.enqueue_dma source(%dma_start3A_94 : memref<2x128xi32, #tpu.memory_space<hbm>>) target(%arg6 : memref<2x128xi32, #tpu.memory_space<vmem>>) target_semaphore(%run_scoped3A_86 : memref<!tpu.dma_semaphore, #tpu.memory_space<semaphore_mem>>)
      %dma_wait3A_95 = arith.constant 0 : i32
      %dma_wait3A_96 = arith.constant 0 : i32
      %dma_wait3A_97 = tpu.memref_slice %arg3[%add3A, %dma_wait3A_95, %dma_wait3A_96] : memref<32x2x128xi32, #tpu.memory_space<hbm>> -> memref<1x2x128xi32, #tpu.memory_space<hbm>>
      %dma_wait3A_98 = tpu.memref_squeeze %dma_wait3A_97 : memref<1x2x128xi32, #tpu.memory_space<hbm>> -> memref<2x128xi32, #tpu.memory_space<hbm>>
      %dma_wait3A_99 = arith.constant 0 : i32
      %dma_wait3A_100 = arith.constant 0 : i32
      %dma_wait3A_101 = tpu.memref_slice %arg3[%add3A, %dma_wait3A_99, %dma_wait3A_100] : memref<32x2x128xi32, #tpu.memory_space<hbm>> -> memref<1x2x128xi32, #tpu.memory_space<hbm>>
      %dma_wait3A_102 = tpu.memref_squeeze %dma_wait3A_101 : memref<1x2x128xi32, #tpu.memory_space<hbm>> -> memref<2x128xi32, #tpu.memory_space<hbm>>
      tpu.wait_dma2 semaphore(%run_scoped3A_86 : memref<!tpu.dma_semaphore, #tpu.memory_space<semaphore_mem>>) src(%dma_wait3A_102 : memref<2x128xi32, #tpu.memory_space<hbm>>) dst(%arg6 : memref<2x128xi32, #tpu.memory_space<vmem>>)
      tpu.yield
    }) : () -> ()
    "tpu.region"() ({
      %run_scoped3A_86 = tpu.sem_alloc : memref<!tpu.dma_semaphore, #tpu.memory_space<semaphore_mem>>
      %dma_start3A_87 = arith.constant 0 : i32
      %dma_start3A_88 = arith.constant 0 : i32
      %dma_start3A_89 = tpu.memref_slice %arg4[%add3A, %dma_start3A_87, %dma_start3A_88] : memref<32x2x128xi32, #tpu.memory_space<hbm>> -> memref<1x2x128xi32, #tpu.memory_space<hbm>>
      %dma_start3A_90 = tpu.memref_squeeze %dma_start3A_89 : memref<1x2x128xi32, #tpu.memory_space<hbm>> -> memref<2x128xi32, #tpu.memory_space<hbm>>
      %dma_start3A_91 = arith.constant 0 : i32
      %dma_start3A_92 = arith.constant 0 : i32
      %dma_start3A_93 = tpu.memref_slice %arg4[%add3A, %dma_start3A_91, %dma_start3A_92] : memref<32x2x128xi32, #tpu.memory_space<hbm>> -> memref<1x2x128xi32, #tpu.memory_space<hbm>>
      %dma_start3A_94 = tpu.memref_squeeze %dma_start3A_93 : memref<1x2x128xi32, #tpu.memory_space<hbm>> -> memref<2x128xi32, #tpu.memory_space<hbm>>
      tpu.enqueue_dma source(%dma_start3A_94 : memref<2x128xi32, #tpu.memory_space<hbm>>) target(%arg7 : memref<2x128xi32, #tpu.memory_space<vmem>>) target_semaphore(%run_scoped3A_86 : memref<!tpu.dma_semaphore, #tpu.memory_space<semaphore_mem>>)
      %dma_wait3A_95 = arith.constant 0 : i32
      %dma_wait3A_96 = arith.constant 0 : i32
      %dma_wait3A_97 = tpu.memref_slice %arg4[%add3A, %dma_wait3A_95, %dma_wait3A_96] : memref<32x2x128xi32, #tpu.memory_space<hbm>> -> memref<1x2x128xi32, #tpu.memory_space<hbm>>
      %dma_wait3A_98 = tpu.memref_squeeze %dma_wait3A_97 : memref<1x2x128xi32, #tpu.memory_space<hbm>> -> memref<2x128xi32, #tpu.memory_space<hbm>>
      %dma_wait3A_99 = arith.constant 0 : i32
      %dma_wait3A_100 = arith.constant 0 : i32
      %dma_wait3A_101 = tpu.memref_slice %arg4[%add3A, %dma_wait3A_99, %dma_wait3A_100] : memref<32x2x128xi32, #tpu.memory_space<hbm>> -> memref<1x2x128xi32, #tpu.memory_space<hbm>>
      %dma_wait3A_102 = tpu.memref_squeeze %dma_wait3A_101 : memref<1x2x128xi32, #tpu.memory_space<hbm>> -> memref<2x128xi32, #tpu.memory_space<hbm>>
      tpu.wait_dma2 semaphore(%run_scoped3A_86 : memref<!tpu.dma_semaphore, #tpu.memory_space<semaphore_mem>>) src(%dma_wait3A_102 : memref<2x128xi32, #tpu.memory_space<hbm>>) dst(%arg7 : memref<2x128xi32, #tpu.memory_space<vmem>>)
      tpu.yield
    }) : () -> ()
    %dma_start3A = arith.constant 0 : i32
    %dma_start3A_14 = arith.constant 0 : i32
    %dma_start3A_15 = arith.constant 0 : i32
    %dma_start3A_16 = arith.constant 0 : i32
    %dma_start3A_17 = tpu.memref_slice %arg8[%dma_start3A_14, %dma_start3A_15, %dma_start3A_16] : memref<2x128x128xf32, #tpu.memory_space<vmem>> -> memref<1x128x128xf32, #tpu.memory_space<vmem>>
    %dma_start3A_18 = tpu.memref_squeeze %dma_start3A_17 : memref<1x128x128xf32, #tpu.memory_space<vmem>> -> memref<128x128xf32, #tpu.memory_space<vmem>>
    %dma_start3A_19 = arith.constant 0 : i32
    %dma_start3A_20 = tpu.memref_slice %arg6[%dma_start3A, %dma_start3A_19] : memref<2x128xi32, #tpu.memory_space<vmem>> -> memref<1x128xi32, #tpu.memory_space<vmem>>
    %dma_start3A_21 = tpu.memref_squeeze %dma_start3A_20 : memref<1x128xi32, #tpu.memory_space<vmem>> -> memref<128xi32, #tpu.memory_space<vmem>>
    %dma_start3A_22 = arith.constant 0 : i32
    %dma_start3A_23 = arith.constant 0 : i32
    %dma_start3A_24 = tpu.memref_slice %arg2[%dma_start3A_22, %dma_start3A_23] : memref<10000x128xf32, #tpu.memory_space<hbm>> -> memref<10000x128xf32, #tpu.memory_space<hbm>>
    tpu.enqueue_indirect_dma source(%dma_start3A_24 : memref<10000x128xf32, #tpu.memory_space<hbm>>) target(%dma_start3A_18 : memref<128x128xf32, #tpu.memory_space<vmem>>) offsets(%dma_start3A_21 : memref<128xi32, #tpu.memory_space<vmem>>) semaphore(%arg11 : memref<!tpu.dma_semaphore, #tpu.memory_space<semaphore_mem>>)
    %dma_start3A_25 = arith.constant 1 : i32
    %dma_start3A_26 = arith.constant 1 : i32
    %dma_start3A_27 = arith.constant 0 : i32
    %dma_start3A_28 = arith.constant 0 : i32
    %dma_start3A_29 = tpu.memref_slice %arg8[%dma_start3A_26, %dma_start3A_27, %dma_start3A_28] : memref<2x128x128xf32, #tpu.memory_space<vmem>> -> memref<1x128x128xf32, #tpu.memory_space<vmem>>
    %dma_start3A_30 = tpu.memref_squeeze %dma_start3A_29 : memref<1x128x128xf32, #tpu.memory_space<vmem>> -> memref<128x128xf32, #tpu.memory_space<vmem>>
    %dma_start3A_31 = arith.constant 0 : i32
    %dma_start3A_32 = tpu.memref_slice %arg6[%dma_start3A_25, %dma_start3A_31] : memref<2x128xi32, #tpu.memory_space<vmem>> -> memref<1x128xi32, #tpu.memory_space<vmem>>
    %dma_start3A_33 = tpu.memref_squeeze %dma_start3A_32 : memref<1x128xi32, #tpu.memory_space<vmem>> -> memref<128xi32, #tpu.memory_space<vmem>>
    %dma_start3A_34 = arith.constant 0 : i32
    %dma_start3A_35 = arith.constant 0 : i32
    %dma_start3A_36 = tpu.memref_slice %arg2[%dma_start3A_34, %dma_start3A_35] : memref<10000x128xf32, #tpu.memory_space<hbm>> -> memref<10000x128xf32, #tpu.memory_space<hbm>>
    tpu.enqueue_indirect_dma source(%dma_start3A_36 : memref<10000x128xf32, #tpu.memory_space<hbm>>) target(%dma_start3A_30 : memref<128x128xf32, #tpu.memory_space<vmem>>) offsets(%dma_start3A_33 : memref<128xi32, #tpu.memory_space<vmem>>) semaphore(%arg12 : memref<!tpu.dma_semaphore, #tpu.memory_space<semaphore_mem>>)
    %scan3A_37 = arith.constant 0 : i32
    %scan3A_38 = arith.constant 0 : i32
    %mul3A_39 = arith.constant 2 : i32
    %mul3A_40 = arith.muli %mul3A_39, %scan3A_38 : i32
    %dma_wait3A = arith.constant 0 : i32
    %dma_wait3A_41 = arith.constant 0 : i32
    %dma_wait3A_42 = arith.constant 0 : i32
    %dma_wait3A_43 = tpu.memref_slice %arg8[%dma_wait3A, %dma_wait3A_41, %dma_wait3A_42] : memref<2x128x128xf32, #tpu.memory_space<vmem>> -> memref<1x128x128xf32, #tpu.memory_space<vmem>>
    %dma_wait3A_44 = tpu.memref_squeeze %dma_wait3A_43 : memref<1x128x128xf32, #tpu.memory_space<vmem>> -> memref<128x128xf32, #tpu.memory_space<vmem>>
    %dma_wait3A_45 = arith.constant 0 : i32
    %dma_wait3A_46 = tpu.memref_slice %arg6[%mul3A_40, %dma_wait3A_45] : memref<2x128xi32, #tpu.memory_space<vmem>> -> memref<1x128xi32, #tpu.memory_space<vmem>>
    %dma_wait3A_47 = tpu.memref_squeeze %dma_wait3A_46 : memref<1x128xi32, #tpu.memory_space<vmem>> -> memref<128xi32, #tpu.memory_space<vmem>>
    %dma_wait3A_48 = arith.constant 0 : i32
    %dma_wait3A_49 = arith.constant 0 : i32
    %dma_wait3A_50 = tpu.memref_slice %arg2[%dma_wait3A_48, %dma_wait3A_49] : memref<10000x128xf32, #tpu.memory_space<hbm>> -> memref<10000x128xf32, #tpu.memory_space<hbm>>
    tpu.wait_indirect_dma semaphore(%arg11 : memref<!tpu.dma_semaphore, #tpu.memory_space<semaphore_mem>>) src(%dma_wait3A_50 : memref<10000x128xf32, #tpu.memory_space<hbm>>) dst(%dma_wait3A_44 : memref<128x128xf32, #tpu.memory_space<vmem>>)
    %mul3A_51 = arith.constant 2 : i32
    %mul3A_52 = arith.muli %mul3A_51, %scan3A_38 : i32
    %run_scoped3A = arith.constant 0 : i32
    "tpu.region"() ({
      %run_scoped3A_86 = tpu.sem_alloc : memref<!tpu.dma_semaphore, #tpu.memory_space<semaphore_mem>>
      %dma_start3A_87 = arith.constant 0 : i32
      %dma_start3A_88 = arith.constant 0 : i32
      %dma_start3A_89 = tpu.memref_slice %arg8[%run_scoped3A, %dma_start3A_87, %dma_start3A_88] : memref<2x128x128xf32, #tpu.memory_space<vmem>> -> memref<1x128x128xf32, #tpu.memory_space<vmem>>
      %dma_start3A_90 = tpu.memref_squeeze %dma_start3A_89 : memref<1x128x128xf32, #tpu.memory_space<vmem>> -> memref<128x128xf32, #tpu.memory_space<vmem>>
      %dma_start3A_91 = arith.constant 0 : i32
      %dma_start3A_92 = tpu.memref_slice %arg7[%mul3A_52, %dma_start3A_91] : memref<2x128xi32, #tpu.memory_space<vmem>> -> memref<1x128xi32, #tpu.memory_space<vmem>>
      %dma_start3A_93 = tpu.memref_squeeze %dma_start3A_92 : memref<1x128xi32, #tpu.memory_space<vmem>> -> memref<128xi32, #tpu.memory_space<vmem>>
      %dma_start3A_94 = arith.constant 0 : i32
      %dma_start3A_95 = arith.constant 0 : i32
      %dma_start3A_96 = tpu.memref_slice %arg10[%dma_start3A_94, %dma_start3A_95] : memref<128x128xf32, #tpu.memory_space<vmem_shared>> -> memref<128x128xf32, #tpu.memory_space<vmem_shared>>
      tpu.enqueue_indirect_dma source(%dma_start3A_90 : memref<128x128xf32, #tpu.memory_space<vmem>>) target(%dma_start3A_96 : memref<128x128xf32, #tpu.memory_space<vmem_shared>>) offsets(%dma_start3A_93 : memref<128xi32, #tpu.memory_space<vmem>>) semaphore(%run_scoped3A_86 : memref<!tpu.dma_semaphore, #tpu.memory_space<semaphore_mem>>) {add = true}
      %dma_wait3A_97 = arith.constant 0 : i32
      %dma_wait3A_98 = arith.constant 0 : i32
      %dma_wait3A_99 = tpu.memref_slice %arg8[%run_scoped3A, %dma_wait3A_97, %dma_wait3A_98] : memref<2x128x128xf32, #tpu.memory_space<vmem>> -> memref<1x128x128xf32, #tpu.memory_space<vmem>>
      %dma_wait3A_100 = tpu.memref_squeeze %dma_wait3A_99 : memref<1x128x128xf32, #tpu.memory_space<vmem>> -> memref<128x128xf32, #tpu.memory_space<vmem>>
      %dma_wait3A_101 = arith.constant 0 : i32
      %dma_wait3A_102 = tpu.memref_slice %arg7[%mul3A_52, %dma_wait3A_101] : memref<2x128xi32, #tpu.memory_space<vmem>> -> memref<1x128xi32, #tpu.memory_space<vmem>>
      %dma_wait3A_103 = tpu.memref_squeeze %dma_wait3A_102 : memref<1x128xi32, #tpu.memory_space<vmem>> -> memref<128xi32, #tpu.memory_space<vmem>>
      %dma_wait3A_104 = arith.constant 0 : i32
      %dma_wait3A_105 = arith.constant 0 : i32
      %dma_wait3A_106 = tpu.memref_slice %arg10[%dma_wait3A_104, %dma_wait3A_105] : memref<128x128xf32, #tpu.memory_space<vmem_shared>> -> memref<128x128xf32, #tpu.memory_space<vmem_shared>>
      tpu.wait_indirect_dma semaphore(%run_scoped3A_86 : memref<!tpu.dma_semaphore, #tpu.memory_space<semaphore_mem>>) src(%dma_wait3A_100 : memref<128x128xf32, #tpu.memory_space<vmem>>) dst(%dma_wait3A_106 : memref<128x128xf32, #tpu.memory_space<vmem_shared>>)
      tpu.yield
    }) : () -> ()
    %add3A_53 = arith.constant 1 : i32
    %add3A_54 = arith.addi %scan3A_38, %add3A_53 : i32
    %lt3A = arith.constant 1 : i32
    %lt3A_55 = arith.cmpi slt, %add3A_54, %lt3A : i32
    %convert_element_type3A = arith.extui %lt3A_55 : i1 to i32
    %cond3A = arith.constant 0 : i32
    %cond3A_56 = arith.cmpi ne, %convert_element_type3A, %cond3A : i32
    scf.if %cond3A_56 {
      %mul3A_86 = arith.constant 2 : i32
      %mul3A_87 = arith.muli %mul3A_86, %scan3A_38 : i32
      %add3A_88 = arith.constant 2 : i32
      %add3A_89 = arith.addi %mul3A_87, %add3A_88 : i32
      %dma_start3A_90 = arith.constant 0 : i32
      %dma_start3A_91 = arith.constant 0 : i32
      %dma_start3A_92 = arith.constant 0 : i32
      %dma_start3A_93 = tpu.memref_slice %arg8[%dma_start3A_90, %dma_start3A_91, %dma_start3A_92] : memref<2x128x128xf32, #tpu.memory_space<vmem>> -> memref<1x128x128xf32, #tpu.memory_space<vmem>>
      %dma_start3A_94 = tpu.memref_squeeze %dma_start3A_93 : memref<1x128x128xf32, #tpu.memory_space<vmem>> -> memref<128x128xf32, #tpu.memory_space<vmem>>
      %dma_start3A_95 = arith.constant 0 : i32
      %dma_start3A_96 = tpu.memref_slice %arg6[%add3A_89, %dma_start3A_95] : memref<2x128xi32, #tpu.memory_space<vmem>> -> memref<1x128xi32, #tpu.memory_space<vmem>>
      %dma_start3A_97 = tpu.memref_squeeze %dma_start3A_96 : memref<1x128xi32, #tpu.memory_space<vmem>> -> memref<128xi32, #tpu.memory_space<vmem>>
      %dma_start3A_98 = arith.constant 0 : i32
      %dma_start3A_99 = arith.constant 0 : i32
      %dma_start3A_100 = tpu.memref_slice %arg2[%dma_start3A_98, %dma_start3A_99] : memref<10000x128xf32, #tpu.memory_space<hbm>> -> memref<10000x128xf32, #tpu.memory_space<hbm>>
      tpu.enqueue_indirect_dma source(%dma_start3A_100 : memref<10000x128xf32, #tpu.memory_space<hbm>>) target(%dma_start3A_94 : memref<128x128xf32, #tpu.memory_space<vmem>>) offsets(%dma_start3A_97 : memref<128xi32, #tpu.memory_space<vmem>>) semaphore(%arg11 : memref<!tpu.dma_semaphore, #tpu.memory_space<semaphore_mem>>)
    } else {
    }
    %mul3A_57 = arith.constant 2 : i32
    %mul3A_58 = arith.muli %mul3A_57, %scan3A_38 : i32
    %add3A_59 = arith.constant 1 : i32
    %add3A_60 = arith.addi %mul3A_58, %add3A_59 : i32
    %dma_wait3A_61 = arith.constant 1 : i32
    %dma_wait3A_62 = arith.constant 0 : i32
    %dma_wait3A_63 = arith.constant 0 : i32
    %dma_wait3A_64 = tpu.memref_slice %arg8[%dma_wait3A_61, %dma_wait3A_62, %dma_wait3A_63] : memref<2x128x128xf32, #tpu.memory_space<vmem>> -> memref<1x128x128xf32, #tpu.memory_space<vmem>>
    %dma_wait3A_65 = tpu.memref_squeeze %dma_wait3A_64 : memref<1x128x128xf32, #tpu.memory_space<vmem>> -> memref<128x128xf32, #tpu.memory_space<vmem>>
    %dma_wait3A_66 = arith.constant 0 : i32
    %dma_wait3A_67 = tpu.memref_slice %arg6[%add3A_60, %dma_wait3A_66] : memref<2x128xi32, #tpu.memory_space<vmem>> -> memref<1x128xi32, #tpu.memory_space<vmem>>
    %dma_wait3A_68 = tpu.memref_squeeze %dma_wait3A_67 : memref<1x128xi32, #tpu.memory_space<vmem>> -> memref<128xi32, #tpu.memory_space<vmem>>
    %dma_wait3A_69 = arith.constant 0 : i32
    %dma_wait3A_70 = arith.constant 0 : i32
    %dma_wait3A_71 = tpu.memref_slice %arg2[%dma_wait3A_69, %dma_wait3A_70] : memref<10000x128xf32, #tpu.memory_space<hbm>> -> memref<10000x128xf32, #tpu.memory_space<hbm>>
    tpu.wait_indirect_dma semaphore(%arg12 : memref<!tpu.dma_semaphore, #tpu.memory_space<semaphore_mem>>) src(%dma_wait3A_71 : memref<10000x128xf32, #tpu.memory_space<hbm>>) dst(%dma_wait3A_65 : memref<128x128xf32, #tpu.memory_space<vmem>>)
    %mul3A_72 = arith.constant 2 : i32
    %mul3A_73 = arith.muli %mul3A_72, %scan3A_38 : i32
    %add3A_74 = arith.constant 1 : i32
    %add3A_75 = arith.addi %mul3A_73, %add3A_74 : i32
    %run_scoped3A_76 = arith.constant 1 : i32
    "tpu.region"() ({
      %run_scoped3A_86 = tpu.sem_alloc : memref<!tpu.dma_semaphore, #tpu.memory_space<semaphore_mem>>
      %dma_start3A_87 = arith.constant 0 : i32
      %dma_start3A_88 = arith.constant 0 : i32
      %dma_start3A_89 = tpu.memref_slice %arg8[%run_scoped3A_76, %dma_start3A_87, %dma_start3A_88] : memref<2x128x128xf32, #tpu.memory_space<vmem>> -> memref<1x128x128xf32, #tpu.memory_space<vmem>>
      %dma_start3A_90 = tpu.memref_squeeze %dma_start3A_89 : memref<1x128x128xf32, #tpu.memory_space<vmem>> -> memref<128x128xf32, #tpu.memory_space<vmem>>
      %dma_start3A_91 = arith.constant 0 : i32
      %dma_start3A_92 = tpu.memref_slice %arg7[%add3A_75, %dma_start3A_91] : memref<2x128xi32, #tpu.memory_space<vmem>> -> memref<1x128xi32, #tpu.memory_space<vmem>>
      %dma_start3A_93 = tpu.memref_squeeze %dma_start3A_92 : memref<1x128xi32, #tpu.memory_space<vmem>> -> memref<128xi32, #tpu.memory_space<vmem>>
      %dma_start3A_94 = arith.constant 0 : i32
      %dma_start3A_95 = arith.constant 0 : i32
      %dma_start3A_96 = tpu.memref_slice %arg10[%dma_start3A_94, %dma_start3A_95] : memref<128x128xf32, #tpu.memory_space<vmem_shared>> -> memref<128x128xf32, #tpu.memory_space<vmem_shared>>
      tpu.enqueue_indirect_dma source(%dma_start3A_90 : memref<128x128xf32, #tpu.memory_space<vmem>>) target(%dma_start3A_96 : memref<128x128xf32, #tpu.memory_space<vmem_shared>>) offsets(%dma_start3A_93 : memref<128xi32, #tpu.memory_space<vmem>>) semaphore(%run_scoped3A_86 : memref<!tpu.dma_semaphore, #tpu.memory_space<semaphore_mem>>) {add = true}
      %dma_wait3A_97 = arith.constant 0 : i32
      %dma_wait3A_98 = arith.constant 0 : i32
      %dma_wait3A_99 = tpu.memref_slice %arg8[%run_scoped3A_76, %dma_wait3A_97, %dma_wait3A_98] : memref<2x128x128xf32, #tpu.memory_space<vmem>> -> memref<1x128x128xf32, #tpu.memory_space<vmem>>
      %dma_wait3A_100 = tpu.memref_squeeze %dma_wait3A_99 : memref<1x128x128xf32, #tpu.memory_space<vmem>> -> memref<128x128xf32, #tpu.memory_space<vmem>>
      %dma_wait3A_101 = arith.constant 0 : i32
      %dma_wait3A_102 = tpu.memref_slice %arg7[%add3A_75, %dma_wait3A_101] : memref<2x128xi32, #tpu.memory_space<vmem>> -> memref<1x128xi32, #tpu.memory_space<vmem>>
      %dma_wait3A_103 = tpu.memref_squeeze %dma_wait3A_102 : memref<1x128xi32, #tpu.memory_space<vmem>> -> memref<128xi32, #tpu.memory_space<vmem>>
      %dma_wait3A_104 = arith.constant 0 : i32
      %dma_wait3A_105 = arith.constant 0 : i32
      %dma_wait3A_106 = tpu.memref_slice %arg10[%dma_wait3A_104, %dma_wait3A_105] : memref<128x128xf32, #tpu.memory_space<vmem_shared>> -> memref<128x128xf32, #tpu.memory_space<vmem_shared>>
      tpu.wait_indirect_dma semaphore(%run_scoped3A_86 : memref<!tpu.dma_semaphore, #tpu.memory_space<semaphore_mem>>) src(%dma_wait3A_100 : memref<128x128xf32, #tpu.memory_space<vmem>>) dst(%dma_wait3A_106 : memref<128x128xf32, #tpu.memory_space<vmem_shared>>)
      tpu.yield
    }) : () -> ()
    %add3A_77 = arith.constant 1 : i32
    %add3A_78 = arith.addi %scan3A_38, %add3A_77 : i32
    %lt3A_79 = arith.constant 1 : i32
    %lt3A_80 = arith.cmpi slt, %add3A_78, %lt3A_79 : i32
    %convert_element_type3A_81 = arith.extui %lt3A_80 : i1 to i32
    %cond3A_82 = arith.constant 0 : i32
    %cond3A_83 = arith.cmpi ne, %convert_element_type3A_81, %cond3A_82 : i32
    scf.if %cond3A_83 {
      %mul3A_86 = arith.constant 2 : i32
      %mul3A_87 = arith.muli %mul3A_86, %scan3A_38 : i32
      %add3A_88 = arith.constant 3 : i32
      %add3A_89 = arith.addi %mul3A_87, %add3A_88 : i32
      %dma_start3A_90 = arith.constant 1 : i32
      %dma_start3A_91 = arith.constant 0 : i32
      %dma_start3A_92 = arith.constant 0 : i32
      %dma_start3A_93 = tpu.memref_slice %arg8[%dma_start3A_90, %dma_start3A_91, %dma_start3A_92] : memref<2x128x128xf32, #tpu.memory_space<vmem>> -> memref<1x128x128xf32, #tpu.memory_space<vmem>>
      %dma_start3A_94 = tpu.memref_squeeze %dma_start3A_93 : memref<1x128x128xf32, #tpu.memory_space<vmem>> -> memref<128x128xf32, #tpu.memory_space<vmem>>
      %dma_start3A_95 = arith.constant 0 : i32
      %dma_start3A_96 = tpu.memref_slice %arg6[%add3A_89, %dma_start3A_95] : memref<2x128xi32, #tpu.memory_space<vmem>> -> memref<1x128xi32, #tpu.memory_space<vmem>>
      %dma_start3A_97 = tpu.memref_squeeze %dma_start3A_96 : memref<1x128xi32, #tpu.memory_space<vmem>> -> memref<128xi32, #tpu.memory_space<vmem>>
      %dma_start3A_98 = arith.constant 0 : i32
      %dma_start3A_99 = arith.constant 0 : i32
      %dma_start3A_100 = tpu.memref_slice %arg2[%dma_start3A_98, %dma_start3A_99] : memref<10000x128xf32, #tpu.memory_space<hbm>> -> memref<10000x128xf32, #tpu.memory_space<hbm>>
      tpu.enqueue_indirect_dma source(%dma_start3A_100 : memref<10000x128xf32, #tpu.memory_space<hbm>>) target(%dma_start3A_94 : memref<128x128xf32, #tpu.memory_space<vmem>>) offsets(%dma_start3A_97 : memref<128xi32, #tpu.memory_space<vmem>>) semaphore(%arg12 : memref<!tpu.dma_semaphore, #tpu.memory_space<semaphore_mem>>)
    } else {
    }
    %scan3A_84 = arith.constant 1 : i32
    %barrier3A_85 = arith.constant 0 : index
    tpu.barrier barrier_id(%barrier3A_85)
    "tpu.region"() ({
      %run_scoped3A_86 = tpu.sem_alloc : memref<!tpu.dma_semaphore, #tpu.memory_space<semaphore_mem>>
      %dma_start3A_87 = arith.constant 0 : i32
      %dma_start3A_88 = tpu.memref_slice %arg5[%arg0, %mul3A_7, %dma_start3A_87] : memref<2x128x128xf32, #tpu.memory_space<hbm>> -> memref<1x8x128xf32, #tpu.memory_space<hbm>>
      %dma_start3A_89 = tpu.memref_squeeze %dma_start3A_88 : memref<1x8x128xf32, #tpu.memory_space<hbm>> -> memref<8x128xf32, #tpu.memory_space<hbm>>
      %dma_start3A_90 = arith.constant 0 : i32
      %dma_start3A_91 = tpu.memref_slice %arg10[%mul3A_7, %dma_start3A_90] : memref<128x128xf32, #tpu.memory_space<vmem_shared>> -> memref<8x128xf32, #tpu.memory_space<vmem_shared>>
      tpu.enqueue_dma source(%dma_start3A_91 : memref<8x128xf32, #tpu.memory_space<vmem_shared>>) target(%dma_start3A_89 : memref<8x128xf32, #tpu.memory_space<hbm>>) target_semaphore(%run_scoped3A_86 : memref<!tpu.dma_semaphore, #tpu.memory_space<semaphore_mem>>)
      %dma_wait3A_92 = arith.constant 0 : i32
      %dma_wait3A_93 = tpu.memref_slice %arg5[%arg0, %mul3A_7, %dma_wait3A_92] : memref<2x128x128xf32, #tpu.memory_space<hbm>> -> memref<1x8x128xf32, #tpu.memory_space<hbm>>
      %dma_wait3A_94 = tpu.memref_squeeze %dma_wait3A_93 : memref<1x8x128xf32, #tpu.memory_space<hbm>> -> memref<8x128xf32, #tpu.memory_space<hbm>>
      %dma_wait3A_95 = arith.constant 0 : i32
      %dma_wait3A_96 = tpu.memref_slice %arg10[%mul3A_7, %dma_wait3A_95] : memref<128x128xf32, #tpu.memory_space<vmem_shared>> -> memref<8x128xf32, #tpu.memory_space<vmem_shared>>
      tpu.wait_dma2 semaphore(%run_scoped3A_86 : memref<!tpu.dma_semaphore, #tpu.memory_space<semaphore_mem>>) src(%dma_wait3A_96 : memref<8x128xf32, #tpu.memory_space<vmem_shared>>) dst(%dma_wait3A_94 : memref<8x128xf32, #tpu.memory_space<hbm>>)
      tpu.yield
    }) : () -> ()
    return
  }
}

module attributes {stable_mosaic.version = 14 : i64} {
  func.func @_trans_body(%arg0: i32, %arg1: i32, %arg2: memref<1000x128xf32, #tpu.memory_space<vmem>>, %arg3: memref<1x128x128xf32, #tpu.memory_space<vmem>>, %arg4: memref<1x1000x128xf32, #tpu.memory_space<vmem>>) attributes {dimension_semantics = [#tpu.dimension_semantics<arbitrary>, #tpu.dimension_semantics<arbitrary>], iteration_bounds = array<i64: 10, 4>, scalar_prefetch = 0 : i64, scratch_operands = 0 : i64, tpu.core_type = #tpu.core_type<tc>, window_params = [{transform_indices = @transform_0, window_bounds = array<i64: 1000, 128>}, {transform_indices = @transform_1, window_bounds = array<i64: 1, 128, 128>}, {transform_indices = @transform_2, window_bounds = array<i64: 1, 1000, 128>}]} {
    %get3A = arith.constant 0 : index
    %get3A_0 = arith.constant 0 : index
    %get3A_1 = vector.load %arg2[%get3A, %get3A_0] : memref<1000x128xf32, #tpu.memory_space<vmem>>, vector<1000x128xf32>
    %get3A_2 = arith.constant 0 : index
    %get3A_3 = arith.constant 0 : index
    %get3A_4 = arith.constant 0 : index
    %get3A_5 = vector.load %arg3[%get3A_2, %get3A_3, %get3A_4] : memref<1x128x128xf32, #tpu.memory_space<vmem>>, vector<1x128x128xf32>
    %get3A_6 = vector.shape_cast %get3A_5 : vector<1x128x128xf32> to vector<128x128xf32>
    %dot_general3A = arith.constant dense<0.000000e+00> : vector<1000x128xf32>
    %dot_general3A_7 = tpu.matmul %get3A_1, %get3A_6, %dot_general3A {dimension_numbers = #tpu.dot_dimension_numbers<[1], [0], [0], [1], [0, 0, 1, 1], [], []>, transpose_lhs_hint = false} : vector<1000x128xf32>, vector<128x128xf32>, vector<1000x128xf32> -> vector<1000x128xf32>
    %swap3A = arith.constant 0 : index
    %swap3A_8 = arith.constant 0 : index
    %swap3A_9 = arith.constant 0 : index
    %swap3A_10 = vector.load %arg4[%swap3A, %swap3A_8, %swap3A_9] : memref<1x1000x128xf32, #tpu.memory_space<vmem>>, vector<1x1000x128xf32>
    %swap3A_11 = vector.shape_cast %swap3A_10 : vector<1x1000x128xf32> to vector<1000x128xf32>
    %swap3A_12 = vector.shape_cast %dot_general3A_7 : vector<1000x128xf32> to vector<1x1000x128xf32>
    tpu.vector_store %arg4[%swap3A, %swap3A_8, %swap3A_9], %swap3A_12 {strides = array<i32>} : memref<1x1000x128xf32, #tpu.memory_space<vmem>>, vector<1x1000x128xf32>,
    return
  }
  func.func @transform_0(%arg0: i32, %arg1: i32) -> (i32, i32) {
    %c0_i32 = arith.constant 0 : i32
    %c0_i32_0 = arith.constant 0 : i32
    return %arg0, %c0_i32 : i32, i32
  }
  func.func @transform_1(%arg0: i32, %arg1: i32) -> (i32, i32, i32) {
    %c0_i32 = arith.constant 0 : i32
    %c0_i32_0 = arith.constant 0 : i32
    %c0_i32_1 = arith.constant 0 : i32
    return %arg1, %c0_i32, %c0_i32_0 : i32, i32, i32
  }
  func.func @transform_2(%arg0: i32, %arg1: i32) -> (i32, i32, i32) {
    %c0_i32 = arith.constant 0 : i32
    %c0_i32_0 = arith.constant 0 : i32
    return %arg1, %arg0, %c0_i32 : i32, i32, i32
  }
}

module attributes {stable_mosaic.version = 14 : i64} {
  func.func @_gru_body(%arg0: i32, %arg1: memref<2x1000x128xf32, #tpu.memory_space<vmem>>, %arg2: memref<1000x128xf32, #tpu.memory_space<vmem>>, %arg3: memref<128x128xf32, #tpu.memory_space<vmem>>, %arg4: memref<128x128xf32, #tpu.memory_space<vmem>>, %arg5: memref<1x128xf32, #tpu.memory_space<vmem>>, %arg6: memref<128x128xf32, #tpu.memory_space<vmem>>, %arg7: memref<128x128xf32, #tpu.memory_space<vmem>>, %arg8: memref<1x128xf32, #tpu.memory_space<vmem>>, %arg9: memref<128x128xf32, #tpu.memory_space<vmem>>, %arg10: memref<128x128xf32, #tpu.memory_space<vmem>>, %arg11: memref<1x128xf32, #tpu.memory_space<vmem>>, %arg12: memref<1000x128xf32, #tpu.memory_space<vmem>>) attributes {dimension_semantics = [#tpu.dimension_semantics<arbitrary>], iteration_bounds = array<i64: 10>, scalar_prefetch = 0 : i64, scratch_operands = 0 : i64, tpu.core_type = #tpu.core_type<tc>, window_params = [{transform_indices = @transform_0, window_bounds = array<i64: 2, 1000, 128>}, {transform_indices = @transform_1, window_bounds = array<i64: 1000, 128>}, {pipeline_mode = #tpu.pipeline_mode<synchronous>, transform_indices = @transform_2, window_bounds = array<i64: 128, 128>}, {pipeline_mode = #tpu.pipeline_mode<synchronous>, transform_indices = @transform_3, window_bounds = array<i64: 128, 128>}, {pipeline_mode = #tpu.pipeline_mode<synchronous>, transform_indices = @transform_4, window_bounds = array<i64: 1, 128>}, {pipeline_mode = #tpu.pipeline_mode<synchronous>, transform_indices = @transform_5, window_bounds = array<i64: 128, 128>}, {pipeline_mode = #tpu.pipeline_mode<synchronous>, transform_indices = @transform_6, window_bounds = array<i64: 128, 128>}, {pipeline_mode = #tpu.pipeline_mode<synchronous>, transform_indices = @transform_7, window_bounds = array<i64: 1, 128>}, {pipeline_mode = #tpu.pipeline_mode<synchronous>, transform_indices = @transform_8, window_bounds = array<i64: 128, 128>}, {pipeline_mode = #tpu.pipeline_mode<synchronous>, transform_indices = @transform_9, window_bounds = array<i64: 128, 128>}, {pipeline_mode = #tpu.pipeline_mode<synchronous>, transform_indices = @transform_10, window_bounds = array<i64: 1, 128>}, {transform_indices = @transform_11, window_bounds = array<i64: 1000, 128>}]} {
    %get3A = arith.constant 0 : index
    %get3A_0 = arith.constant 0 : index
    %get3A_1 = arith.constant 0 : index
    %get3A_2 = vector.load %arg1[%get3A, %get3A_0, %get3A_1] : memref<2x1000x128xf32, #tpu.memory_space<vmem>>, vector<1x1000x128xf32>
    %get3A_3 = vector.shape_cast %get3A_2 : vector<1x1000x128xf32> to vector<1000x128xf32>
    %get3A_4 = arith.constant 1 : index
    %get3A_5 = arith.constant 0 : index
    %get3A_6 = arith.constant 0 : index
    %get3A_7 = vector.load %arg1[%get3A_4, %get3A_5, %get3A_6] : memref<2x1000x128xf32, #tpu.memory_space<vmem>>, vector<1x1000x128xf32>
    %get3A_8 = vector.shape_cast %get3A_7 : vector<1x1000x128xf32> to vector<1000x128xf32>
    %add3A = arith.addf %get3A_3, %get3A_8 : vector<1000x128xf32>
    %get3A_9 = arith.constant 0 : index
    %get3A_10 = arith.constant 0 : index
    %get3A_11 = vector.load %arg2[%get3A_9, %get3A_10] : memref<1000x128xf32, #tpu.memory_space<vmem>>, vector<1000x128xf32>
    %get3A_12 = arith.constant 0 : index
    %get3A_13 = arith.constant 0 : index
    %get3A_14 = vector.load %arg3[%get3A_12, %get3A_13] : memref<128x128xf32, #tpu.memory_space<vmem>>, vector<128x128xf32>
    %dot_general3A = arith.constant dense<0.000000e+00> : vector<1000x128xf32>
    %dot_general3A_15 = tpu.matmul %add3A, %get3A_14, %dot_general3A {dimension_numbers = #tpu.dot_dimension_numbers<[1], [0], [0], [1], [0, 0, 1, 1], [], []>, transpose_lhs_hint = false} : vector<1000x128xf32>, vector<128x128xf32>, vector<1000x128xf32> -> vector<1000x128xf32>
    %get3A_16 = arith.constant 0 : index
    %get3A_17 = arith.constant 0 : index
    %get3A_18 = vector.load %arg4[%get3A_16, %get3A_17] : memref<128x128xf32, #tpu.memory_space<vmem>>, vector<128x128xf32>
    %dot_general3A_19 = arith.constant dense<0.000000e+00> : vector<1000x128xf32>
    %dot_general3A_20 = tpu.matmul %get3A_11, %get3A_18, %dot_general3A_19 {dimension_numbers = #tpu.dot_dimension_numbers<[1], [0], [0], [1], [0, 0, 1, 1], [], []>, transpose_lhs_hint = false} : vector<1000x128xf32>, vector<128x128xf32>, vector<1000x128xf32> -> vector<1000x128xf32>
    %add3A_21 = arith.addf %dot_general3A_15, %dot_general3A_20 : vector<1000x128xf32>
    %get3A_22 = arith.constant 0 : index
    %get3A_23 = arith.constant 0 : index
    %get3A_24 = vector.load %arg5[%get3A_22, %get3A_23] : memref<1x128xf32, #tpu.memory_space<vmem>>, vector<1x128xf32>
    %add3A_25 = vector.broadcast %get3A_24 : vector<1x128xf32> to vector<1000x128xf32>
    %add3A_26 = arith.addf %add3A_21, %add3A_25 : vector<1000x128xf32>
    %logistic3A = arith.negf %add3A_26 : vector<1000x128xf32>
    %logistic3A_27 = math.exp %logistic3A : vector<1000x128xf32>
    %logistic3A_28 = arith.constant 1.000000e+00 : f32
    %logistic3A_29 = vector.broadcast %logistic3A_28 : f32 to vector<1000x128xf32>
    %logistic3A_30 = arith.addf %logistic3A_29, %logistic3A_27 : vector<1000x128xf32>
    %logistic3A_31 = arith.divf %logistic3A_29, %logistic3A_30 : vector<1000x128xf32>
    %get3A_32 = arith.constant 0 : index
    %get3A_33 = arith.constant 0 : index
    %get3A_34 = vector.load %arg6[%get3A_32, %get3A_33] : memref<128x128xf32, #tpu.memory_space<vmem>>, vector<128x128xf32>
    %dot_general3A_35 = arith.constant dense<0.000000e+00> : vector<1000x128xf32>
    %dot_general3A_36 = tpu.matmul %add3A, %get3A_34, %dot_general3A_35 {dimension_numbers = #tpu.dot_dimension_numbers<[1], [0], [0], [1], [0, 0, 1, 1], [], []>, transpose_lhs_hint = false} : vector<1000x128xf32>, vector<128x128xf32>, vector<1000x128xf32> -> vector<1000x128xf32>
    %get3A_37 = arith.constant 0 : index
    %get3A_38 = arith.constant 0 : index
    %get3A_39 = vector.load %arg7[%get3A_37, %get3A_38] : memref<128x128xf32, #tpu.memory_space<vmem>>, vector<128x128xf32>
    %dot_general3A_40 = arith.constant dense<0.000000e+00> : vector<1000x128xf32>
    %dot_general3A_41 = tpu.matmul %get3A_11, %get3A_39, %dot_general3A_40 {dimension_numbers = #tpu.dot_dimension_numbers<[1], [0], [0], [1], [0, 0, 1, 1], [], []>, transpose_lhs_hint = false} : vector<1000x128xf32>, vector<128x128xf32>, vector<1000x128xf32> -> vector<1000x128xf32>
    %add3A_42 = arith.addf %dot_general3A_36, %dot_general3A_41 : vector<1000x128xf32>
    %get3A_43 = arith.constant 0 : index
    %get3A_44 = arith.constant 0 : index
    %get3A_45 = vector.load %arg8[%get3A_43, %get3A_44] : memref<1x128xf32, #tpu.memory_space<vmem>>, vector<1x128xf32>
    %add3A_46 = vector.broadcast %get3A_45 : vector<1x128xf32> to vector<1000x128xf32>
    %add3A_47 = arith.addf %add3A_42, %add3A_46 : vector<1000x128xf32>
    %logistic3A_48 = arith.negf %add3A_47 : vector<1000x128xf32>
    %logistic3A_49 = math.exp %logistic3A_48 : vector<1000x128xf32>
    %logistic3A_50 = arith.constant 1.000000e+00 : f32
    %logistic3A_51 = vector.broadcast %logistic3A_50 : f32 to vector<1000x128xf32>
    %logistic3A_52 = arith.addf %logistic3A_51, %logistic3A_49 : vector<1000x128xf32>
    %logistic3A_53 = arith.divf %logistic3A_51, %logistic3A_52 : vector<1000x128xf32>
    %get3A_54 = arith.constant 0 : index
    %get3A_55 = arith.constant 0 : index
    %get3A_56 = vector.load %arg9[%get3A_54, %get3A_55] : memref<128x128xf32, #tpu.memory_space<vmem>>, vector<128x128xf32>
    %dot_general3A_57 = arith.constant dense<0.000000e+00> : vector<1000x128xf32>
    %dot_general3A_58 = tpu.matmul %add3A, %get3A_56, %dot_general3A_57 {dimension_numbers = #tpu.dot_dimension_numbers<[1], [0], [0], [1], [0, 0, 1, 1], [], []>, transpose_lhs_hint = false} : vector<1000x128xf32>, vector<128x128xf32>, vector<1000x128xf32> -> vector<1000x128xf32>
    %mul3A = arith.mulf %logistic3A_53, %get3A_11 : vector<1000x128xf32>
    %get3A_59 = arith.constant 0 : index
    %get3A_60 = arith.constant 0 : index
    %get3A_61 = vector.load %arg10[%get3A_59, %get3A_60] : memref<128x128xf32, #tpu.memory_space<vmem>>, vector<128x128xf32>
    %dot_general3A_62 = arith.constant dense<0.000000e+00> : vector<1000x128xf32>
    %dot_general3A_63 = tpu.matmul %mul3A, %get3A_61, %dot_general3A_62 {dimension_numbers = #tpu.dot_dimension_numbers<[1], [0], [0], [1], [0, 0, 1, 1], [], []>, transpose_lhs_hint = false} : vector<1000x128xf32>, vector<128x128xf32>, vector<1000x128xf32> -> vector<1000x128xf32>
    %add3A_64 = arith.addf %dot_general3A_58, %dot_general3A_63 : vector<1000x128xf32>
    %get3A_65 = arith.constant 0 : index
    %get3A_66 = arith.constant 0 : index
    %get3A_67 = vector.load %arg11[%get3A_65, %get3A_66] : memref<1x128xf32, #tpu.memory_space<vmem>>, vector<1x128xf32>
    %add3A_68 = vector.broadcast %get3A_67 : vector<1x128xf32> to vector<1000x128xf32>
    %add3A_69 = arith.addf %add3A_64, %add3A_68 : vector<1000x128xf32>
    %tanh3A = math.tanh %add3A_69 : vector<1000x128xf32>
    %sub3A = arith.constant 1.000000e+00 : f32
    %sub3A_70 = vector.broadcast %sub3A : f32 to vector<1000x128xf32>
    %sub3A_71 = arith.subf %sub3A_70, %logistic3A_31 : vector<1000x128xf32>
    %mul3A_72 = arith.mulf %sub3A_71, %get3A_11 : vector<1000x128xf32>
    %mul3A_73 = arith.mulf %logistic3A_31, %tanh3A : vector<1000x128xf32>
    %add3A_74 = arith.addf %mul3A_72, %mul3A_73 : vector<1000x128xf32>
    %swap3A = arith.constant 0 : index
    %swap3A_75 = arith.constant 0 : index
    %swap3A_76 = vector.load %arg12[%swap3A, %swap3A_75] : memref<1000x128xf32, #tpu.memory_space<vmem>>, vector<1000x128xf32>
    tpu.vector_store %arg12[%swap3A, %swap3A_75], %add3A_74 {strides = array<i32>} : memref<1000x128xf32, #tpu.memory_space<vmem>>, vector<1000x128xf32>,
    return
  }
  func.func @transform_0(%arg0: i32) -> (i32, i32, i32) {
    %c0_i32 = arith.constant 0 : i32
    %c0_i32_0 = arith.constant 0 : i32
    %c0_i32_1 = arith.constant 0 : i32
    return %c0_i32, %arg0, %c0_i32_0 : i32, i32, i32
  }
  func.func @transform_1(%arg0: i32) -> (i32, i32) {
    %c0_i32 = arith.constant 0 : i32
    %c0_i32_0 = arith.constant 0 : i32
    return %arg0, %c0_i32 : i32, i32
  }
  func.func @transform_2(%arg0: i32) -> (i32, i32) {
    %c0_i32 = arith.constant 0 : i32
    %c0_i32_0 = arith.constant 0 : i32
    %c0_i32_1 = arith.constant 0 : i32
    return %c0_i32, %c0_i32_0 : i32, i32
  }
  func.func @transform_3(%arg0: i32) -> (i32, i32) {
    %c0_i32 = arith.constant 0 : i32
    %c0_i32_0 = arith.constant 0 : i32
    %c0_i32_1 = arith.constant 0 : i32
    return %c0_i32, %c0_i32_0 : i32, i32
  }
  func.func @transform_4(%arg0: i32) -> (i32, i32) {
    %c0_i32 = arith.constant 0 : i32
    %c0_i32_0 = arith.constant 0 : i32
    %c0_i32_1 = arith.constant 0 : i32
    return %c0_i32, %c0_i32_0 : i32, i32
  }
  func.func @transform_5(%arg0: i32) -> (i32, i32) {
    %c0_i32 = arith.constant 0 : i32
    %c0_i32_0 = arith.constant 0 : i32
    %c0_i32_1 = arith.constant 0 : i32
    return %c0_i32, %c0_i32_0 : i32, i32
  }
  func.func @transform_6(%arg0: i32) -> (i32, i32) {
    %c0_i32 = arith.constant 0 : i32
    %c0_i32_0 = arith.constant 0 : i32
    %c0_i32_1 = arith.constant 0 : i32
    return %c0_i32, %c0_i32_0 : i32, i32
  }
  func.func @transform_7(%arg0: i32) -> (i32, i32) {
    %c0_i32 = arith.constant 0 : i32
    %c0_i32_0 = arith.constant 0 : i32
    %c0_i32_1 = arith.constant 0 : i32
    return %c0_i32, %c0_i32_0 : i32, i32
  }
  func.func @transform_8(%arg0: i32) -> (i32, i32) {
    %c0_i32 = arith.constant 0 : i32
    %c0_i32_0 = arith.constant 0 : i32
    %c0_i32_1 = arith.constant 0 : i32
    return %c0_i32, %c0_i32_0 : i32, i32
  }
  func.func @transform_9(%arg0: i32) -> (i32, i32) {
    %c0_i32 = arith.constant 0 : i32
    %c0_i32_0 = arith.constant 0 : i32
    %c0_i32_1 = arith.constant 0 : i32
    return %c0_i32, %c0_i32_0 : i32, i32
  }
  func.func @transform_10(%arg0: i32) -> (i32, i32) {
    %c0_i32 = arith.constant 0 : i32
    %c0_i32_0 = arith.constant 0 : i32
    %c0_i32_1 = arith.constant 0 : i32
    return %c0_i32, %c0_i32_0 : i32, i32
  }
  func.func @transform_11(%arg0: i32) -> (i32, i32) {
    %c0_i32 = arith.constant 0 : i32
    %c0_i32_0 = arith.constant 0 : i32
    return %arg0, %c0_i32 : i32, i32
  }
}

module attributes {stable_mosaic.version = 14 : i64} {
  func.func @_head_body(%arg0: memref<2x128x128xf32, #tpu.memory_space<vmem>>, %arg1: memref<1x5000xi32, #tpu.memory_space<vmem>>, %arg2: memref<128x128xf32, #tpu.memory_space<vmem>>, %arg3: memref<128x1xf32, #tpu.memory_space<vmem>>, %arg4: memref<1x128xf32, #tpu.memory_space<vmem>>, %arg5: memref<1x1xf32, #tpu.memory_space<vmem>>, %arg6: memref<64x1xf32, #tpu.memory_space<vmem>>) attributes {dimension_semantics = [], scalar_prefetch = 0 : i64, scratch_operands = 0 : i64, tpu.core_type = #tpu.core_type<tc>} {
    %get3A = arith.constant 0 : index
    %get3A_0 = arith.constant 0 : index
    %get3A_1 = arith.constant 0 : index
    %get3A_2 = vector.load %arg0[%get3A, %get3A_0, %get3A_1] : memref<2x128x128xf32, #tpu.memory_space<vmem>>, vector<1x64x128xf32>
    %get3A_3 = vector.shape_cast %get3A_2 : vector<1x64x128xf32> to vector<64x128xf32>
    %get3A_4 = arith.constant 1 : index
    %get3A_5 = arith.constant 0 : index
    %get3A_6 = arith.constant 0 : index
    %get3A_7 = vector.load %arg0[%get3A_4, %get3A_5, %get3A_6] : memref<2x128x128xf32, #tpu.memory_space<vmem>>, vector<1x64x128xf32>
    %get3A_8 = vector.shape_cast %get3A_7 : vector<1x64x128xf32> to vector<64x128xf32>
    %add3A = arith.addf %get3A_3, %get3A_8 : vector<64x128xf32>
    %get3A_9 = arith.constant 0 : index
    %get3A_10 = arith.constant 0 : index
    %get3A_11 = vector.load %arg2[%get3A_9, %get3A_10] : memref<128x128xf32, #tpu.memory_space<vmem>>, vector<128x128xf32>
    %get3A_12 = arith.constant 0 : index
    %get3A_13 = arith.constant 0 : index
    %get3A_14 = vector.load %arg3[%get3A_12, %get3A_13] : memref<128x1xf32, #tpu.memory_space<vmem>>, vector<128x1xf32>
    %dot_general3A = arith.constant dense<0.000000e+00> : vector<128x1xf32>
    %dot_general3A_15 = tpu.matmul %get3A_11, %get3A_14, %dot_general3A {dimension_numbers = #tpu.dot_dimension_numbers<[1], [0], [0], [1], [0, 0, 1, 1], [], []>, transpose_lhs_hint = false} : vector<128x128xf32>, vector<128x1xf32>, vector<128x1xf32> -> vector<128x1xf32>
    %dot_general3A_16 = arith.constant dense<0.000000e+00> : vector<64x1xf32>
    %dot_general3A_17 = tpu.matmul %add3A, %dot_general3A_15, %dot_general3A_16 {dimension_numbers = #tpu.dot_dimension_numbers<[1], [0], [0], [1], [0, 0, 1, 1], [], []>, transpose_lhs_hint = false} : vector<64x128xf32>, vector<128x1xf32>, vector<64x1xf32> -> vector<64x1xf32>
    %get3A_18 = arith.constant 0 : index
    %get3A_19 = arith.constant 0 : index
    %get3A_20 = vector.load %arg4[%get3A_18, %get3A_19] : memref<1x128xf32, #tpu.memory_space<vmem>>, vector<1x128xf32>
    %get3A_21 = arith.constant 0 : index
    %get3A_22 = arith.constant 0 : index
    %get3A_23 = vector.load %arg3[%get3A_21, %get3A_22] : memref<128x1xf32, #tpu.memory_space<vmem>>, vector<128x1xf32>
    %dot_general3A_24 = arith.constant dense<0.000000e+00> : vector<1x1xf32>
    %dot_general3A_25 = tpu.matmul %get3A_20, %get3A_23, %dot_general3A_24 {dimension_numbers = #tpu.dot_dimension_numbers<[1], [0], [0], [1], [0, 0, 1, 1], [], []>, transpose_lhs_hint = false} : vector<1x128xf32>, vector<128x1xf32>, vector<1x1xf32> -> vector<1x1xf32>
    %get3A_26 = arith.constant 0 : index
    %get3A_27 = arith.constant 0 : index
    %get3A_28 = vector.load %arg5[%get3A_26, %get3A_27] : memref<1x1xf32, #tpu.memory_space<vmem>>, vector<1x1xf32>
    %add3A_29 = arith.addf %dot_general3A_25, %get3A_28 : vector<1x1xf32>
    %get3A_30 = arith.constant 0 : index
    %get3A_31 = arith.constant 0 : index
    %get3A_32 = vector.load %arg1[%get3A_30, %get3A_31] : memref<1x5000xi32, #tpu.memory_space<vmem>>, vector<1x5000xi32>
    %iota3A = tpu.iota {dimensions = array<i32: 0>} : vector<64x5000xi32>
    %eq3A = vector.broadcast %get3A_32 : vector<1x5000xi32> to vector<64x5000xi32>
    %eq3A_33 = arith.cmpi eq, %eq3A, %iota3A : vector<64x5000xi32>
    %jit3A = arith.constant 1.000000e+00 : f32
    %jit3A_34 = arith.constant 0.000000e+00 : f32
    %broadcast_in_dim3A = vector.broadcast %jit3A : f32 to vector<64x5000xf32>
    %broadcast_in_dim3A_35 = vector.broadcast %jit3A_34 : f32 to vector<64x5000xf32>
    %select_n3A = arith.select %eq3A_33, %broadcast_in_dim3A, %broadcast_in_dim3A_35 : vector<64x5000xi1>, vector<64x5000xf32>
    %reduce_sum3A = arith.constant dense<0.000000e+00> : vector<64xf32>
    %reduce_sum3A_36 = vector.multi_reduction <add>, %select_n3A, %reduce_sum3A [1] : vector<64x5000xf32> to vector<64xf32>
    %broadcast_in_dim3A_37 = vector.shape_cast %reduce_sum3A_36 : vector<64xf32> to vector<64x1xf32>
    %mul3A = vector.broadcast %add3A_29 : vector<1x1xf32> to vector<64x1xf32>
    %mul3A_38 = arith.mulf %broadcast_in_dim3A_37, %mul3A : vector<64x1xf32>
    %add3A_39 = arith.addf %dot_general3A_17, %mul3A_38 : vector<64x1xf32>
    %max3A = arith.constant 1.000000e+00 : f32
    %max3A_40 = vector.broadcast %max3A : f32 to vector<64x1xf32>
    %max3A_41 = arith.maximumf %broadcast_in_dim3A_37, %max3A_40 : vector<64x1xf32>
    %div3A = arith.divf %add3A_39, %max3A_41 : vector<64x1xf32>
    %logistic3A = arith.negf %div3A : vector<64x1xf32>
    %logistic3A_42 = math.exp %logistic3A : vector<64x1xf32>
    %logistic3A_43 = arith.constant 1.000000e+00 : f32
    %logistic3A_44 = vector.broadcast %logistic3A_43 : f32 to vector<64x1xf32>
    %logistic3A_45 = arith.addf %logistic3A_44, %logistic3A_42 : vector<64x1xf32>
    %logistic3A_46 = arith.divf %logistic3A_44, %logistic3A_45 : vector<64x1xf32>
    %swap3A = arith.constant 0 : index
    %swap3A_47 = arith.constant 0 : index
    %swap3A_48 = vector.load %arg6[%swap3A, %swap3A_47] : memref<64x1xf32, #tpu.memory_space<vmem>>, vector<64x1xf32>
    tpu.vector_store %arg6[%swap3A, %swap3A_47], %logistic3A_46 {strides = array<i32>} : memref<64x1xf32, #tpu.memory_space<vmem>>, vector<64x1xf32>,
    return
  }
}

</mosaic_0001>

<sc_bundles>
// kernel: kernel.10.cloned.1.call-start
scs
__scs_entry_jumppad:
0x0: {  	(pc) =	sbr.rel $0x88, $3  }
0x1: {  	(tag) =	ssettag $0x0;
	lr =	simm.s32 $0x1  }
0x2: {  	[smem:$0x3F8E] =	sst lr;
	_ =	strace $0xD0000000  }
0x3: {  	_ = 	snop  }
0x4: {  	_ = 	snop  }
0x5: {  	_ = 	snop  }
0x6: {  	_ = 	snop  }
0x7: {  	_ = 	snop  }
__scs_overlays_trampoline_lowered:
0x8: {  	[smem:$0x3F9D] =	sst s0  }
0x9: {  	[smem:$0x3F9E] =	sst s1  }
0xa: {  	[smem:$0x3F9F] =	sst s2  }
0xb: {  	[smem:$0x3FA0] =	sst s3  }
0xc: {  	[smem:$0x3FA1] =	sst s4  }
0xd: {  	[smem:$0x3FA2] =	sst s5  }
0xe: {  	[smem:$0x3FA3] =	sst s6  }
0xf: {  	[smem:$0x3FA4] =	sst s7  }
0x10: {  	[smem:$0x3FA5] =	sst s8  }
0x11: {  	[smem:$0x3FA6] =	sst s9;
	s0 =	simm.s32 @!p0 $0x0  }
0x12: {  	s1 =	sld [smem:$0x3F8C];
	s0 =	simm.s32 @p0 $0x1  }
0x13: {  	[smem:$0x3FA7] =	sst s0;
	s0 =	simm.s32 @!p1 $0x0  }
0x14: {  	s2 =	sld [smem:$0x3F8B];
	s0 =	simm.s32 @p1 $0x1  }
0x15: {  	[smem:$0x3FA8] =	sst s0;
	s0 =	simm.s32 @!p2 $0x0  }
0x16: {  	s3 =	sld [smem:$0x3FDB];
	s0 =	simm.s32 @p2 $0x1  }
0x17: {  	s4 =	simm.s32 $0x1BF5;
	[smem:$0x3FAA] =	sst s0  }
0x18: {  	s0 =	sld [smem:$0x3F8D];
	_ =	swait.ge [sflag:s4], $0x0  }
0x19: {  	s7 =	sld [smem:$0x3F8E]  }
0x1a: {  	s8 =	sadd.s32 $0xFFFFE003, lr  }
0x1b: {  	s9 =	sadd.s32 $0xFFFFFEF7, lr;
	s5 =	simm.s32 $0xFFFFFFFF;
	p2 =	slt.u32 s8, $0xFFFFF086  }
0x1c: {  	p1 =	slt.u32 s9, $0xF7A;
	s5 =	simm.s32 @!p2 $0x0  }
0x1d: {  	s5 =	simm.s32 @p1 $0x1;
	p0 =	seq.s32 s7, s2  }
0x1e: {  	s7 =	smul.u32 @!p0 $0xF7A, s2;
	p2 =	seq.s32 @!p0 s5, $0x0  }
0x1f: {  	s9 =	smul.u32 $0xF7A, s1;
	s8 =	simm.s32 @!p0 $0x1BF5;
	p2 =	por !p2, p0  }
0x20: {  	[sflag:s8] =	ssyncset.s32 @!p0 $0xFFFFF086;
	s6 =	sadd.s32 @!p0 s3, s7;
	s7 =	simm.s32 @!p0 $0x108  }
0x21: {  	s3 =	sadd.s32 s3, s9;
	s6 =	sadd.s32 @!p0 $0x88, s6;
	s7 =	simm.s32 @p2 $0x1082  }
0x22: {  	[simem:s7], [sflag:s8] =	dma.local @!p0 [hbm:s6], $0xF7A  }
0x23: {  	s9 =	sor.u32 $0xD0000000, s2;
	s6 =	simm.s32 $0x108;
	_ =	swait.ge @!p0 [sflag:s8], $0x0  }
0x24: {  	s3 =	sadd.s32 $0x88, s3;
	s6 =	simm.s32 @!p1 $0x1082;
	[sflag:s4] =	ssyncset.s32 $0xFFFFF086  }
0x25: {  	[simem:s6], [sflag:s4] =	dma.local [hbm:s3], $0xF7A  }
0x26: {  	[smem:$0x3F8E] =	sst s1;
	(tag) =	ssettag s2;
	_ =	strace s9  }
0x27: {  	s1 =	sld [smem:$0x3F9E]  }
0x28: {  	s2 =	sld [smem:$0x3F9F]  }
0x29: {  	s4 =	sld [smem:$0x3FA1]  }
0x2a: {  	p0 =	seq.s32 s5, $0x0;
	s5 =	sld [smem:$0x3FA2]  }
0x2b: {  	s6 =	sld [smem:$0x3FA3]  }
0x2c: {  	s7 =	sld [smem:$0x3FA4]  }
0x2d: {  	s3 =	simm.s32 $0x108;
	s8 =	sld [smem:$0x3FA5]  }
0x2e: {  	s3 =	simm.s32 @!p0 $0x1082;
	s9 =	sld [smem:$0x3FA6]  }
0x2f: {  	lr =	sadd.s32 s0, s3;
	s0 =	sld [smem:$0x3F9D]  }
0x30: {  	s3 =	sld [smem:$0x3FA0]  }
0x31: {  	[smem:$0x3FA9] =	sst s10  }
0x32: {  	s10 =	sld [smem:$0x3FA7];
	_ =	sdelay $0x3  }
0x33: {  	p0 =	seq.s32 s10, $0x1;
	s10 =	sld [smem:$0x3FA9];
	_ =	sdelay $0x3  }
0x34: {  	[smem:$0x3FA9] =	sst s10  }
0x35: {  	s10 =	sld [smem:$0x3FA8];
	_ =	sdelay $0x3  }
0x36: {  	p1 =	seq.s32 s10, $0x1;
	s10 =	sld [smem:$0x3FA9];
	_ =	sdelay $0x3  }
0x37: {  	[smem:$0x3FA9] =	sst s10  }
0x38: {  	s10 =	sld [smem:$0x3FAA]  }
0x39: {  	_ = 	snop;
	(pc) =	sbr.ind lr, $3  }
0x3a: {  	_ = 	snop  }
0x3b: {  	_ = 	snop  }
0x3c: {  	p2 =	seq.s32 s10, $0x1;
	s10 =	sld [smem:$0x3FA9]  }
0x3d: {  	_ =	shalt  }
0x3e: {  	_ =	shalt  }
0x3f: {  	_ =	shalt  }
0x40: {  	_ =	shalt  }
0x41: {  	_ =	shalt  }
0x42: {  	_ =	shalt  }
0x43: {  	_ =	shalt  }
0x44: {  	_ =	shalt  }
0x45: {  	_ =	shalt  }
0x46: {  	_ =	shalt  }
0x47: {  	_ =	shalt  }
0x48: {  	_ =	shalt  }
0x49: {  	_ =	shalt  }
0x4a: {  	_ =	shalt  }
0x4b: {  	_ =	shalt  }
0x4c: {  	_ =	shalt  }
0x4d: {  	_ =	shalt  }
0x4e: {  	_ =	shalt  }
0x4f: {  	_ =	shalt  }
0x50: {  	_ =	shalt  }
0x51: {  	_ =	shalt  }
0x52: {  	_ =	shalt  }
0x53: {  	_ =	shalt  }
0x54: {  	_ =	shalt  }
0x55: {  	_ =	shalt  }
0x56: {  	_ =	shalt  }
0x57: {  	_ =	shalt  }
0x58: {  	_ =	shalt  }
0x59: {  	_ =	shalt  }
0x5a: {  	_ =	shalt  }
0x5b: {  	_ =	shalt  }
0x5c: {  	_ =	shalt  }
0x5d: {  	_ =	shalt  }
0x5e: {  	_ =	shalt  }
0x5f: {  	_ =	shalt  }
0x60: {  	_ =	shalt  }
0x61: {  	_ =	shalt  }
0x62: {  	_ =	shalt  }
0x63: {  	_ =	shalt  }
0x64: {  	_ =	shalt  }
0x65: {  	_ =	shalt  }
0x66: {  	_ =	shalt  }
0x67: {  	_ =	shalt  }
0x68: {  	_ =	shalt  }
0x69: {  	_ =	shalt  }
0x6a: {  	_ =	shalt  }
0x6b: {  	_ =	shalt  }
0x6c: {  	_ =	shalt  }
0x6d: {  	_ =	shalt  }
0x6e: {  	_ =	shalt  }
0x6f: {  	_ =	shalt  }
0x70: {  	_ =	shalt  }
0x71: {  	_ =	shalt  }
0x72: {  	_ =	shalt  }
0x73: {  	_ =	shalt  }
0x74: {  	_ =	shalt  }
0x75: {  	_ =	shalt  }
0x76: {  	_ =	shalt  }
0x77: {  	_ =	shalt  }
0x78: {  	_ =	shalt  }
0x79: {  	_ =	shalt  }
0x7a: {  	_ =	shalt  }
0x7b: {  	_ =	shalt  }
0x7c: {  	_ =	shalt  }
0x7d: {  	_ =	shalt  }
0x7e: {  	_ =	shalt  }
0x7f: {  	_ =	shalt  }
0x80: {  	_ =	shalt  }
0x81: {  	_ =	shalt  }
0x82: {  	_ =	shalt  }
0x83: {  	_ =	shalt  }
0x84: {  	_ =	shalt  }
0x85: {  	_ =	shalt  }
0x86: {  	_ =	shalt  }
0x87: {  	_ =	shalt  }
.Lfunc_end0:
.L_simem_size_0:
called_computation_lowered:
.L_overlay_start_0:
0x88: {  	s2 =	sld [smem:$0x3FD9]  }
0x89: {  	s3 =	sld [smem:$0x3FFE];
	_ =	sdelay $0x1  }
0x8a: {  	s1 =	srdreg.scid  }
0x8b: {  	s0 =	sand.u32 $0x1, s1  }
0x8c: {  	s16 =	sshll.u32 s0, $0xA;
	s2 =	sadd.s32 s3, s2  }
0x8d: {  	s2 =	sadd.s32 s2, s16  }
0x8e: {  	[smem:$0x3FB5] =	sst s2  }
0x8f: {  	_ = 	snop  }
0x90: {  	(tm) =	ssettm $0x1  }
0x91: {  	s17 =	sld [smem:$0x3FFB];
	_ =	sdelay $0x3  }
0x92: {  	_ =	strace s17  }
0x93: {  	s2 =	sld [smem:$0x3FFC];
	_ =	sdelay $0x3  }
0x94: {  	_ =	strace s2  }
0x95: {  	s2 =	sld [smem:$0x3FFD];
	_ =	sdelay $0x3  }
0x96: {  	_ =	strace s2  }
0x97: {  	_ =	strace $0x8FFFFFFF  }
0x98: {  	s18 =	sld [smem:$0x3FDB];
	_ =	sdelay $0x1  }
0x99: {  	s19 =	simm.s32 $_scs_section_size  }
0x9a: {  	s4 =	simm.s32 $_size__tile_overlayer_lowered;
	s5 =	simm.s32 $_tile_overlayer_lowered  }
0x9b: {  	s22 =	simm.s32 $0x1BFF;
	s21 =	sshll.u32 s5, $0x1;
	s2 =	sadd.s32 s19, s18  }
0x9c: {  	s6 =	simm.s32 $0x0;
	s20 =	sshll.u32 s4, $0x1;
	s4 =	sadd.s32 s21, s2  }
0x9d: {  	[timem:s6], [sflag:s22] =	dma.local [hbm:s4], s20  }
0x9e: {  	_ =	swait.ge [sflag:s22], s20  }
0x9f: {  	s3 =	ssub.s32 $0x0, s20;
	[sflag:s22] =	ssyncset.done $0x0  }
0xa0: {  	[sflag:s22] =	ssyncadd.s32 s3;
	_ =	sdelay $0x1  }
0xa1: {  	s23 =	simm.s32 $0x1B8B  }
0xa2: {  	_ =	swait.ge [sflag:s23], $0x1  }
0xa3: {  	[sflag:s23] =	ssyncset.done $0x0  }
0xa4: {  	s25 =	simm.s32 $0x1B8E;
	s24 =	sld [smem:$0x3FFE];
	[sflag:s23] =	ssyncadd.s32 $0xFFFFFFFF  }
0xa5: {  	s26 =	simm.s32 $execute0_lowered;
	[smem:$0x3FD2] =	sst s25  }
0xa6: {  	s4 =	sshll.u32 s26, $0x1;
	_ =	strace $0x80000046;
	[dreg:$0x1] =	wrdreg $0xFFFFFFFF  }
0xa7: {  	s28 =	simm.s32 $_size_execute0_lowered;
	s2 =	sadd.s32 s2, s4;
	[dreg:$0x0] =	wrdreg $0x0  }
0xa8: {  	s4 =	sshll.u32 s28, $0x1;
	[dreg:$0x2] =	wrdreg s2  }
0xa9: {  	[dreg:$0x3] =	wrdreg s4  }
0xaa: {  	[dreg:$0x4] =	wrdreg $0xC0  }
0xab: {  	_ =	task [dreg:s6], $0x5FFFF  }
0xac: {  	[dreg:$0x1] =	wrdreg $0xFFFFFFFF  }
0xad: {  	[dreg:$0x0] =	wrdreg $0x60  }
0xae: {  	[dreg:$0x2] =	wrdreg s24  }
0xaf: {  	[dreg:$0x3] =	wrdreg $0xAC000  }
0xb0: {  	[dreg:$0x4] =	wrdreg $0x9  }
0xb1: {  	_ =	task.clear_ibuf [dreg:s6], $0x5FFFF;
	_ =	strace $0x90000046  }
0xb2: {  	s29 =	simm.s32 $0x9;
	_ =	strace $0x80000048  }
0xb3: {  	_ =	swait.ge [sflag:s29], $0x1  }
0xb4: {  	[sflag:s29] =	ssyncadd.s32 $0xFFFFFFFF  }
0xb5: {  	_ =	strace $0x90000048  }
0xb6: {  	_ =	sfence  }
0xb7: {  	s30 =	sld [smem:$0x0];
	_ =	sdelay $0x2  }
0xb8: {  	s31 =	sshll.u32 s1, $0xD;
	s1 =	sshrl.u32 s1, $0x2  }
0xb9: {  	s3 =	sand.u32 $0x4000, s31;
	s1 =	sadd.s32 s1, s30  }
0xba: {  	s0 =	sor.u32 s3, s0;
	s1 =	sshll.u32 s1, $0x11  }
0xbb: {  	s0 =	sor.u32 s1, s0  }
0xbc: {  	s0 =	sadd.s32 $0x8F2B, s0  }
0xbd: {  	[sflag:s0] =	ssyncadd.remote.s32 $0x1  }
0xbe: {  	_ =	sfence.sel $0xFFFF  }
0xbf: {  	[dreg:$0x0] =	wrdreg $0xFFFFFFFF;
	(pc) =	sbr.abs _section_cstart, $3  }
0xc0: {  	[dreg:$0x1] =	wrdreg $0xFFFFFFFF  }
0xc1: {  	_ =	task.clear_ibuf [dreg:s6], $0x2FFFF;
	_ =	strace $0x9FFFFFFF  }
0xc2: {  	(tm) =	ssettm $0x7FFFFFFF  }
0xc3: {  	_ =	shalt  }
tec
execute0_lowered:
.L_overlay_start_1:
0x0: {  	(tag) =	ssettag $0x1  }
0x1: {  	s5 =	rddreg [dreg:$0x0]  }
0x2: {  	s1 =	rddreg [dreg:$0x1]  }
0x3: {  	s0 =	rddreg [dreg:$0x2];
	s3 =	simm.s32 $0x0;
	s2 =	srdreg.scid  }
0x4: {  	s14 =	simm.s32 $0x1400;
	s15 =	simm.s32 $0x80;
	s16 =	simm.s32 $0x2800  }
0x5: {  	s17 =	simm.s32 $0x6800;
	s18 =	simm.s32 $0x1;
	s19 =	simm.s32 $0x2  }
0x6: {  	s20 =	simm.s32 $0x2700;
	s21 =	simm.s32 $0x2780;
	[smem:$0x7FF] =	sst s3  }
0x7: {  	s6 =	sand.u32 $0x1, s2;
	s2 =	stileid.u32;
	s4 =	sadd.s32 $0x16C00, s5  }
0x8: {  	s9 =	sadd.s32 $0x2C00, s5;
	s11 =	sadd.s32 $0xCC00, s5;
	s7 =	smul.u32 $0x13C000, s6  }
0x9: {  	_ =	strace $0x80000047;
	s8 =	smul.u32 $0x13C00, s2;
	s10 =	sshll.u32 s6, $0x4  }
0xa: {  	s26 =	smul.u32 $0x4F000, s2;
	s6 =	ssub.s32 $0x2, s6;
	s25 =	sor.u32 s2, s10  }
0xb: {  	s28 =	sshrl.u32 s6, $0x1;
	s7 =	sadd.s32 s8, s7;
	s8 =	smul.u32 $0x2800, s25  }
0xc: {  	s13 =	ssub.s32 s6, s28;
	s29 =	sshrl.u32 s26, $0x2;
	s7 =	sshrl.u32 s7, $0x3  }
0xd: {  	s12 =	sadd.s32 s7, s5;
	s30 =	sshrl.u32 s8, $0x3;
	s5 =	sadd.s32 s29, s1  }
0xe: {  	s6 =	sadd.s32 s9, s30;
	s31 =	sadd.s32 $0x280, s30;
	s7 =	sadd.s32 s11, s30  }
0xf: {  	s10 =	sadd.s32 $0xB3000, s12;
	s12 =	simm.s32 $0xA800;
	s8 =	sadd.s32 s9, s31  }
0x10: {  	v0 =	vimm.f32 $0.0e+00;
	s9 =	sadd.s32 s11, s31;
	s11 =	smax.u32 s13, $0x1;
	s13 =	simm.s32 $0x3  }
.LBB2_1:
0x11: {  	[tilespmem:$0xA800] =	vst v0  }
0x12: {  	[tilespmem:$0xA810] =	vst v0  }
0x13: {  	[tilespmem:$0xA820] =	vst v0  }
0x14: {  	[tilespmem:$0xA830] =	vst v0  }
0x15: {  	[tilespmem:$0xA840] =	vst v0  }
0x16: {  	[tilespmem:$0xA850] =	vst v0  }
0x17: {  	[tilespmem:$0xA860] =	vst v0  }
0x18: {  	[tilespmem:$0xA870] =	vst v0  }
0x19: {  	[tilespmem:$0xA880] =	vst v0  }
0x1a: {  	[tilespmem:$0xA890] =	vst v0  }
0x1b: {  	[tilespmem:$0xA8A0] =	vst v0  }
0x1c: {  	[tilespmem:$0xA8B0] =	vst v0  }
0x1d: {  	[tilespmem:$0xA8C0] =	vst v0  }
0x1e: {  	[tilespmem:$0xA8D0] =	vst v0  }
0x1f: {  	[tilespmem:$0xA8E0] =	vst v0  }
0x20: {  	[tilespmem:$0xA8F0] =	vst v0  }
0x21: {  	[tilespmem:$0xA900] =	vst v0  }
0x22: {  	[tilespmem:$0xA910] =	vst v0  }
0x23: {  	[tilespmem:$0xA920] =	vst v0  }
0x24: {  	[tilespmem:$0xA930] =	vst v0  }
0x25: {  	[tilespmem:$0xA940] =	vst v0  }
0x26: {  	[tilespmem:$0xA950] =	vst v0  }
0x27: {  	[tilespmem:$0xA960] =	vst v0  }
0x28: {  	[tilespmem:$0xA970] =	vst v0  }
0x29: {  	[tilespmem:$0xA980] =	vst v0  }
0x2a: {  	[tilespmem:$0xA990] =	vst v0  }
0x2b: {  	[tilespmem:$0xA9A0] =	vst v0  }
0x2c: {  	[tilespmem:$0xA9B0] =	vst v0  }
0x2d: {  	[tilespmem:$0xA9C0] =	vst v0  }
0x2e: {  	[tilespmem:$0xA9D0] =	vst v0  }
0x2f: {  	[tilespmem:$0xA9E0] =	vst v0  }
0x30: {  	[tilespmem:$0xA9F0] =	vst v0  }
0x31: {  	[tilespmem:$0xAA00] =	vst v0  }
0x32: {  	[tilespmem:$0xAA10] =	vst v0  }
0x33: {  	[tilespmem:$0xAA20] =	vst v0  }
0x34: {  	[tilespmem:$0xAA30] =	vst v0  }
0x35: {  	[tilespmem:$0xAA40] =	vst v0  }
0x36: {  	[tilespmem:$0xAA50] =	vst v0  }
0x37: {  	[tilespmem:$0xAA60] =	vst v0  }
0x38: {  	[tilespmem:$0xAA70] =	vst v0  }
0x39: {  	[tilespmem:$0xAA80] =	vst v0  }
0x3a: {  	[tilespmem:$0xAA90] =	vst v0  }
0x3b: {  	[tilespmem:$0xAAA0] =	vst v0  }
0x3c: {  	[tilespmem:$0xAAB0] =	vst v0  }
0x3d: {  	[tilespmem:$0xAAC0] =	vst v0  }
0x3e: {  	[tilespmem:$0xAAD0] =	vst v0  }
0x3f: {  	[tilespmem:$0xAAE0] =	vst v0  }
0x40: {  	[tilespmem:$0xAAF0] =	vst v0  }
0x41: {  	[tilespmem:$0xAB00] =	vst v0  }
0x42: {  	[tilespmem:$0xAB10] =	vst v0  }
0x43: {  	[tilespmem:$0xAB20] =	vst v0  }
0x44: {  	[tilespmem:$0xAB30] =	vst v0  }
0x45: {  	[tilespmem:$0xAB40] =	vst v0  }
0x46: {  	[tilespmem:$0xAB50] =	vst v0  }
0x47: {  	[tilespmem:$0xAB60] =	vst v0  }
0x48: {  	[tilespmem:$0xAB70] =	vst v0  }
0x49: {  	[tilespmem:$0xAB80] =	vst v0  }
0x4a: {  	[tilespmem:$0xAB90] =	vst v0  }
0x4b: {  	[tilespmem:$0xABA0] =	vst v0  }
0x4c: {  	[tilespmem:$0xABB0] =	vst v0  }
0x4d: {  	[tilespmem:$0xABC0] =	vst v0  }
0x4e: {  	[tilespmem:$0xABD0] =	vst v0  }
0x4f: {  	[tilespmem:$0xABE0] =	vst v0  }
0x50: {  	[tilespmem:$0xABF0] =	vst v0;
	s22 =	sadd.s32 $0x0, s5  }
0x51: {  	[spmem:s22] =	stream.linear.scatter [tilespmem:s12], [sflag:$0x3], $0x400, $0x38;
	[tilespmem:$0x1E800] =	vst v63  }
0x52: {  	s22 =	simm.s32 $0x1000;
	_ =	swait.ge [sflag:s13], $0x400  }
.LBB2_2:
0x53: {  	s23 =	sshra.s32 s22, $0x2;
	[sflag:s13] =	ssyncset.done $0x0;
	p0 =	sne.s32 s22, $0x4E000  }
.Ltmp0:
0x54: {  	s23 =	sadd.s32 s23, s5;
	[sflag:s13] =	ssyncadd.s32 $0xFFFFFC00;
	(pc) =	sbr.rel @p0 .LBB2_2-.Ltmp0, $3  }
0x55: {  	[spmem:s23] =	stream.linear.scatter [tilespmem:s12], [sflag:$0x3], $0x400, $0x38;
	[tilespmem:$0x1E800] =	vst v63  }
0x56: {  	s22 =	sadd.s32 $0x1000, s22;
	_ =	sdelay $0x1  }
0x57: {  	_ =	swait.ge [sflag:s13], $0x400  }
0x58: {  	[sflag:s13] =	ssyncset.done $0x0  }
0x59: {  	[sflag:s13] =	ssyncadd.s32 $0xFFFFFC00  }
0x5a: {  	s22 =	simm.s32 $0x0;
	[bflag:$0x0] =	sbarrier.arrive $0xFFFF  }
0x5b: {  	[tilespmem:s22], [sflag:$0x3] =	stream.linear.gather [hbm4b:s6+s22], $0x1400, $0x38;
	[tilespmem:$0x1E800] =	vst v63  }
0x5c: {  	_ =	swait.ge [sflag:s13], $0x1400  }
0x5d: {  	[sflag:s13] =	ssyncset.done $0x0  }
0x5e: {  	[sflag:s13] =	ssyncadd.s32 $0xFFFFEC00  }
0x5f: {  	[tilespmem:s14], [sflag:$0x3] =	stream.linear.gather [hbm4b:s7+s22], $0x1400, $0x38;
	[tilespmem:$0x1E800] =	vst v63  }
0x60: {  	_ =	swait.ge [sflag:s13], $0x1400  }
0x61: {  	[sflag:s13] =	ssyncset.done $0x0  }
0x62: {  	[sflag:s13] =	ssyncadd.s32 $0xFFFFEC00  }
0x63: {  	[tilespmem:s16], [sflag:$0x1] =	stream.indirect.gather [hbm4b:s4+s15], $0x80, s22, s15, $0xb8;
	[tilespmem:$0x1E800] =	vst v63  }
0x64: {  	_ = 	snop  }
0x65: {  	[tilespmem:s17], [sflag:$0x2] =	stream.indirect.gather [hbm4b:s4+s15], $0x80, s15, s15, $0xb8;
	[tilespmem:$0x1E800] =	vst v63  }
0x66: {  	_ =	swait.ge [sflag:s18], $0x4000  }
0x67: {  	[sflag:s18] =	ssyncset.done $0x0  }
0x68: {  	s29 =	simm.s32 $0x1400;
	[sflag:s18] =	ssyncadd.s32 $0xFFFFC000  }
0x69: {  	[spmem:s1] =	stream.indirect.scatter.add.f32 [tilespmem:s16], [sflag:$0x3], $0x80, s29, s15, $0xb8;
	[tilespmem:$0x1E800] =	vst v63  }
0x6a: {  	_ =	swait.ge [sflag:s13], $0x4000  }
0x6b: {  	[sflag:s13] =	ssyncset.done $0x0  }
0x6c: {  	s30 =	simm.s32 $0x100;
	[sflag:s13] =	ssyncadd.s32 $0xFFFFC000  }
0x6d: {  	[tilespmem:s16], [sflag:$0x1] =	stream.indirect.gather [hbm4b:s4+s15], $0x80, s30, s15, $0xb8;
	[tilespmem:$0x1E800] =	vst v63  }
0x6e: {  	_ =	swait.ge [sflag:s19], $0x4000  }
0x6f: {  	[sflag:s19] =	ssyncset.done $0x0  }
0x70: {  	s31 =	simm.s32 $0x1480;
	[sflag:s19] =	ssyncadd.s32 $0xFFFFC000  }
0x71: {  	[spmem:s1] =	stream.indirect.scatter.add.f32 [tilespmem:s17], [sflag:$0x3], $0x80, s31, s15, $0xb8;
	[tilespmem:$0x1E800] =	vst v63  }
0x72: {  	_ =	swait.ge [sflag:s13], $0x4000  }
0x73: {  	[sflag:s13] =	ssyncset.done $0x0  }
0x74: {  	s23 =	simm.s32 $0x180;
	s22 =	simm.s32 $0x400;
	[sflag:s13] =	ssyncadd.s32 $0xFFFFC000  }
.LBB2_4:
0x75: {  	[tilespmem:s17], [sflag:$0x2] =	stream.indirect.gather [hbm4b:s4+s15], $0x80, s23, s15, $0xb8;
	[tilespmem:$0x1E800] =	vst v63  }
0x76: {  	s23 =	smov.u32 s22  }
0x77: {  	p0 =	sne.s32 s22, $0x4800;
	s22 =	sadd.s32 $0x400, s22;
	_ =	swait.ge [sflag:s18], $0x4000  }
0x78: {  	s23 =	sshra.s32 s23, $0x2;
	[sflag:s18] =	ssyncset.done $0x0  }
0x79: {  	s24 =	sadd.s32 $0x1400, s23;
	[sflag:s18] =	ssyncadd.s32 $0xFFFFC000  }
0x7a: {  	[spmem:s1] =	stream.indirect.scatter.add.f32 [tilespmem:s16], [sflag:$0x3], $0x80, s24, s15, $0xb8;
	[tilespmem:$0x1E800] =	vst v63  }
0x7b: {  	_ =	swait.ge [sflag:s13], $0x4000  }
0x7c: {  	[sflag:s13] =	ssyncset.done $0x0  }
0x7d: {  	s24 =	sadd.s32 $0x100, s23;
	[sflag:s13] =	ssyncadd.s32 $0xFFFFC000  }
0x7e: {  	[tilespmem:s16], [sflag:$0x1] =	stream.indirect.gather [hbm4b:s4+s15], $0x80, s24, s15, $0xb8;
	[tilespmem:$0x1E800] =	vst v63  }
0x7f: {  	_ =	swait.ge [sflag:s19], $0x4000  }
0x80: {  	[sflag:s19] =	ssyncset.done $0x0  }
.Ltmp1:
0x81: {  	s24 =	sadd.s32 $0x1480, s23;
	[sflag:s19] =	ssyncadd.s32 $0xFFFFC000;
	(pc) =	sbr.rel @p0 .LBB2_4-.Ltmp1, $4  }
0x82: {  	[spmem:s1] =	stream.indirect.scatter.add.f32 [tilespmem:s17], [sflag:$0x3], $0x80, s24, s15, $0xb8;
	[tilespmem:$0x1E800] =	vst v63  }
0x83: {  	_ =	swait.ge [sflag:s13], $0x4000  }
0x84: {  	[sflag:s13] =	ssyncset.done $0x0  }
0x85: {  	s23 =	sadd.s32 $0x180, s23;
	[sflag:s13] =	ssyncadd.s32 $0xFFFFC000  }
0x86: {  	[tilespmem:s17], [sflag:$0x2] =	stream.indirect.gather [hbm4b:s4+s15], $0x80, s23, s15, $0xb8;
	[tilespmem:$0x1E800] =	vst v63  }
0x87: {  	_ =	swait.ge [sflag:s18], $0x4000  }
0x88: {  	[sflag:s18] =	ssyncset.done $0x0  }
0x89: {  	[sflag:s18] =	ssyncadd.s32 $0xFFFFC000  }
0x8a: {  	[spmem:s1] =	stream.indirect.scatter.add.f32 [tilespmem:s16], [sflag:$0x3], $0x80, s20, s15, $0xb8;
	[tilespmem:$0x1E800] =	vst v63  }
0x8b: {  	_ =	swait.ge [sflag:s13], $0x4000  }
0x8c: {  	[sflag:s13] =	ssyncset.done $0x0  }
0x8d: {  	[sflag:s13] =	ssyncadd.s32 $0xFFFFC000  }
0x8e: {  	_ =	swait.ge [sflag:s19], $0x4000  }
0x8f: {  	[sflag:s19] =	ssyncset.done $0x0  }
0x90: {  	[sflag:s19] =	ssyncadd.s32 $0xFFFFC000  }
0x91: {  	[spmem:s1] =	stream.indirect.scatter.add.f32 [tilespmem:s17], [sflag:$0x3], $0x80, s21, s15, $0xb8;
	[tilespmem:$0x1E800] =	vst v63  }
0x92: {  	_ =	swait.ge [sflag:s13], $0x4000  }
0x93: {  	[sflag:s13] =	ssyncset.done $0x0  }
0x94: {  	s22 =	simm.s32 $0x0;
	[sflag:s13] =	ssyncadd.s32 $0xFFFFC000  }
0x95: {  	[tilespmem:s22], [sflag:$0x3] =	stream.linear.gather [hbm4b:s8+s22], $0x1400, $0x38;
	[tilespmem:$0x1E800] =	vst v63  }
0x96: {  	_ =	swait.ge [sflag:s13], $0x1400  }
0x97: {  	[sflag:s13] =	ssyncset.done $0x0  }
0x98: {  	[sflag:s13] =	ssyncadd.s32 $0xFFFFEC00  }
0x99: {  	[tilespmem:s14], [sflag:$0x3] =	stream.linear.gather [hbm4b:s9+s22], $0x1400, $0x38;
	[tilespmem:$0x1E800] =	vst v63  }
0x9a: {  	_ =	swait.ge [sflag:s13], $0x1400  }
0x9b: {  	[sflag:s13] =	ssyncset.done $0x0  }
0x9c: {  	[sflag:s13] =	ssyncadd.s32 $0xFFFFEC00  }
0x9d: {  	[tilespmem:s16], [sflag:$0x1] =	stream.indirect.gather [hbm4b:s4+s15], $0x80, s22, s15, $0xb8;
	[tilespmem:$0x1E800] =	vst v63  }
0x9e: {  	_ = 	snop  }
0x9f: {  	[tilespmem:s17], [sflag:$0x2] =	stream.indirect.gather [hbm4b:s4+s15], $0x80, s15, s15, $0xb8;
	[tilespmem:$0x1E800] =	vst v63  }
0xa0: {  	_ =	swait.ge [sflag:s18], $0x4000  }
0xa1: {  	[sflag:s18] =	ssyncset.done $0x0  }
0xa2: {  	s29 =	simm.s32 $0x1400;
	[sflag:s18] =	ssyncadd.s32 $0xFFFFC000  }
0xa3: {  	[spmem:s1] =	stream.indirect.scatter.add.f32 [tilespmem:s16], [sflag:$0x3], $0x80, s29, s15, $0xb8;
	[tilespmem:$0x1E800] =	vst v63  }
0xa4: {  	_ =	swait.ge [sflag:s13], $0x4000  }
0xa5: {  	[sflag:s13] =	ssyncset.done $0x0  }
0xa6: {  	s30 =	simm.s32 $0x100;
	[sflag:s13] =	ssyncadd.s32 $0xFFFFC000  }
0xa7: {  	[tilespmem:s16], [sflag:$0x1] =	stream.indirect.gather [hbm4b:s4+s15], $0x80, s30, s15, $0xb8;
	[tilespmem:$0x1E800] =	vst v63  }
0xa8: {  	_ =	swait.ge [sflag:s19], $0x4000  }
0xa9: {  	[sflag:s19] =	ssyncset.done $0x0  }
0xaa: {  	s31 =	simm.s32 $0x1480;
	[sflag:s19] =	ssyncadd.s32 $0xFFFFC000  }
0xab: {  	[spmem:s1] =	stream.indirect.scatter.add.f32 [tilespmem:s17], [sflag:$0x3], $0x80, s31, s15, $0xb8;
	[tilespmem:$0x1E800] =	vst v63  }
0xac: {  	_ =	swait.ge [sflag:s13], $0x4000  }
0xad: {  	[sflag:s13] =	ssyncset.done $0x0  }
0xae: {  	s23 =	simm.s32 $0x180;
	s22 =	simm.s32 $0x400;
	[sflag:s13] =	ssyncadd.s32 $0xFFFFC000  }
.LBB2_6:
0xaf: {  	[tilespmem:s17], [sflag:$0x2] =	stream.indirect.gather [hbm4b:s4+s15], $0x80, s23, s15, $0xb8;
	[tilespmem:$0x1E800] =	vst v63  }
0xb0: {  	s23 =	smov.u32 s22  }
0xb1: {  	p0 =	sne.s32 s22, $0x4800;
	s22 =	sadd.s32 $0x400, s22;
	_ =	swait.ge [sflag:s18], $0x4000  }
0xb2: {  	s23 =	sshra.s32 s23, $0x2;
	[sflag:s18] =	ssyncset.done $0x0  }
0xb3: {  	s24 =	sadd.s32 $0x1400, s23;
	[sflag:s18] =	ssyncadd.s32 $0xFFFFC000  }
0xb4: {  	[spmem:s1] =	stream.indirect.scatter.add.f32 [tilespmem:s16], [sflag:$0x3], $0x80, s24, s15, $0xb8;
	[tilespmem:$0x1E800] =	vst v63  }
0xb5: {  	_ =	swait.ge [sflag:s13], $0x4000  }
0xb6: {  	[sflag:s13] =	ssyncset.done $0x0  }
0xb7: {  	s24 =	sadd.s32 $0x100, s23;
	[sflag:s13] =	ssyncadd.s32 $0xFFFFC000  }
0xb8: {  	[tilespmem:s16], [sflag:$0x1] =	stream.indirect.gather [hbm4b:s4+s15], $0x80, s24, s15, $0xb8;
	[tilespmem:$0x1E800] =	vst v63  }
0xb9: {  	_ =	swait.ge [sflag:s19], $0x4000  }
0xba: {  	[sflag:s19] =	ssyncset.done $0x0  }
.Ltmp2:
0xbb: {  	s24 =	sadd.s32 $0x1480, s23;
	[sflag:s19] =	ssyncadd.s32 $0xFFFFC000;
	(pc) =	sbr.rel @p0 .LBB2_6-.Ltmp2, $4  }
0xbc: {  	[spmem:s1] =	stream.indirect.scatter.add.f32 [tilespmem:s17], [sflag:$0x3], $0x80, s24, s15, $0xb8;
	[tilespmem:$0x1E800] =	vst v63  }
0xbd: {  	_ =	swait.ge [sflag:s13], $0x4000  }
0xbe: {  	[sflag:s13] =	ssyncset.done $0x0  }
0xbf: {  	s23 =	sadd.s32 $0x180, s23;
	[sflag:s13] =	ssyncadd.s32 $0xFFFFC000  }
0xc0: {  	[tilespmem:s17], [sflag:$0x2] =	stream.indirect.gather [hbm4b:s4+s15], $0x80, s23, s15, $0xb8;
	[tilespmem:$0x1E800] =	vst v63  }
0xc1: {  	_ =	swait.ge [sflag:s18], $0x4000  }
0xc2: {  	[sflag:s18] =	ssyncset.done $0x0  }
0xc3: {  	[sflag:s18] =	ssyncadd.s32 $0xFFFFC000  }
0xc4: {  	[spmem:s1] =	stream.indirect.scatter.add.f32 [tilespmem:s16], [sflag:$0x3], $0x80, s20, s15, $0xb8;
	[tilespmem:$0x1E800] =	vst v63  }
0xc5: {  	_ =	swait.ge [sflag:s13], $0x4000  }
0xc6: {  	[sflag:s13] =	ssyncset.done $0x0  }
0xc7: {  	[sflag:s13] =	ssyncadd.s32 $0xFFFFC000  }
0xc8: {  	_ =	swait.ge [sflag:s19], $0x4000  }
0xc9: {  	[sflag:s19] =	ssyncset.done $0x0  }
0xca: {  	[sflag:s19] =	ssyncadd.s32 $0xFFFFC000  }
0xcb: {  	[spmem:s1] =	stream.indirect.scatter.add.f32 [tilespmem:s17], [sflag:$0x3], $0x80, s21, s15, $0xb8;
	[tilespmem:$0x1E800] =	vst v63  }
0xcc: {  	_ =	swait.ge [sflag:s13], $0x4000  }
0xcd: {  	s22 =	sshll.u32 s2, $0x6;
	s3 =	sadd.s32 $0x1, s3;
	[sflag:s13] =	ssyncset.done $0x0  }
0xce: {  	s31 =	sshrl.u32 s5, $0x3;
	p0 =	sne.s32 s3, s11;
	[sflag:s13] =	ssyncadd.s32 $0xFFFFC000  }
.Ltmp3:
0xcf: {  	s22 =	sor.u32 $0x1C03, s22;
	[bflag:$0x0] =	sbarrier.arrive $0xFFFF;
	(pc) =	sbr.rel @p0 .LBB2_1-.Ltmp3, $4  }
0xd0: {  	[hbm:s10], [sflag:s22] =	dma.local [spmem:s31], $0x2780  }
0xd1: {  	_ =	swait.ge [sflag:s13], $0x2780  }
0xd2: {  	[sflag:s13] =	ssyncset.done $0x0  }
0xd3: {  	[sflag:s13] =	ssyncadd.s32 $0xFFFFD880  }
0xd4: {  	_ =	sfence.sel $0x180000  }
0xd5: {  	[bflag:$0x0] =	sbarrier.arrive $0xFFFF  }
0xd6: {  	p0 =	sne.s32 s2, $0x0;
	_ =	strace $0x90000047  }
0xd7: {  	s0 =	sadd.s32 @!p0 $0x100000, s0;
	[bflag:$0x2] =	sbarrier.arrive $0xFFFF  }
0xd8: {  	[sflag:s0] =	ssyncadd.tile.s32 @!p0 $0x1;
	_ =	shalt  }
.Lfunc_end2:
_tile_overlayer_lowered:
.L_overlay_start_2:
0xd9: {  	(tag) =	ssettag $0x2  }
0xda: {  	s0 =	rddreg [dreg:$0x0];
	s2 =	stileid.u32  }
0xdb: {  	s1 =	rddreg [dreg:$0x1];
	p0 =	sne.s32 s2, $0x0  }
0xdc: {  	s3 =	rddreg [dreg:$0x2];
	[bflag:$0x3] =	sbarrier.arrive $0xFFFF;
	s2 =	simm.s32 @!p0 $0x1C03  }
0xdd: {  	[timem:s3], [sflag:s2] =	dma.local @!p0 [hbm:s0], s1  }
0xde: {  	s0 =	simm.s32 @!p0 $0x3  }
0xdf: {  	_ =	swait.ge @!p0 [sflag:s0], s1  }
0xe0: {  	s1 =	ssub.s32 @!p0 $0x0, s1;
	[sflag:s0] =	ssyncset.done @!p0 $0x0  }
0xe1: {  	[sflag:s0] =	ssyncadd.s32 @!p0 s1  }
0xe2: {  	[bflag:$0x3] =	sbarrier.arrive $0xFFFF  }
0xe3: {  	_ =	shalt  }

// kernel: kernel.13.cloned.1.call-start
scs
__scs_entry_jumppad:
0x0: {  	(pc) =	sbr.rel $0x88, $3  }
0x1: {  	(tag) =	ssettag $0x0;
	lr =	simm.s32 $0x1  }
0x2: {  	[smem:$0x3F8E] =	sst lr;
	_ =	strace $0xD0000000  }
0x3: {  	_ = 	snop  }
0x4: {  	_ = 	snop  }
0x5: {  	_ = 	snop  }
0x6: {  	_ = 	snop  }
0x7: {  	_ = 	snop  }
__scs_overlays_trampoline_lowered:
0x8: {  	[smem:$0x3F9D] =	sst s0  }
0x9: {  	[smem:$0x3F9E] =	sst s1  }
0xa: {  	[smem:$0x3F9F] =	sst s2  }
0xb: {  	[smem:$0x3FA0] =	sst s3  }
0xc: {  	[smem:$0x3FA1] =	sst s4  }
0xd: {  	[smem:$0x3FA2] =	sst s5  }
0xe: {  	[smem:$0x3FA3] =	sst s6  }
0xf: {  	[smem:$0x3FA4] =	sst s7  }
0x10: {  	[smem:$0x3FA5] =	sst s8  }
0x11: {  	[smem:$0x3FA6] =	sst s9;
	s0 =	simm.s32 @!p0 $0x0  }
0x12: {  	s1 =	sld [smem:$0x3F8C];
	s0 =	simm.s32 @p0 $0x1  }
0x13: {  	[smem:$0x3FA7] =	sst s0;
	s0 =	simm.s32 @!p1 $0x0  }
0x14: {  	s2 =	sld [smem:$0x3F8B];
	s0 =	simm.s32 @p1 $0x1  }
0x15: {  	[smem:$0x3FA8] =	sst s0;
	s0 =	simm.s32 @!p2 $0x0  }
0x16: {  	s3 =	sld [smem:$0x3FDB];
	s0 =	simm.s32 @p2 $0x1  }
0x17: {  	s4 =	simm.s32 $0x1BF5;
	[smem:$0x3FAA] =	sst s0  }
0x18: {  	s0 =	sld [smem:$0x3F8D];
	_ =	swait.ge [sflag:s4], $0x0  }
0x19: {  	s7 =	sld [smem:$0x3F8E]  }
0x1a: {  	s8 =	sadd.s32 $0xFFFFE003, lr  }
0x1b: {  	s9 =	sadd.s32 $0xFFFFFEF7, lr;
	s5 =	simm.s32 $0xFFFFFFFF;
	p2 =	slt.u32 s8, $0xFFFFF086  }
0x1c: {  	p1 =	slt.u32 s9, $0xF7A;
	s5 =	simm.s32 @!p2 $0x0  }
0x1d: {  	s5 =	simm.s32 @p1 $0x1;
	p0 =	seq.s32 s7, s2  }
0x1e: {  	s7 =	smul.u32 @!p0 $0xF7A, s2;
	p2 =	seq.s32 @!p0 s5, $0x0  }
0x1f: {  	s9 =	smul.u32 $0xF7A, s1;
	s8 =	simm.s32 @!p0 $0x1BF5;
	p2 =	por !p2, p0  }
0x20: {  	[sflag:s8] =	ssyncset.s32 @!p0 $0xFFFFF086;
	s6 =	sadd.s32 @!p0 s3, s7;
	s7 =	simm.s32 @!p0 $0x108  }
0x21: {  	s3 =	sadd.s32 s3, s9;
	s6 =	sadd.s32 @!p0 $0x88, s6;
	s7 =	simm.s32 @p2 $0x1082  }
0x22: {  	[simem:s7], [sflag:s8] =	dma.local @!p0 [hbm:s6], $0xF7A  }
0x23: {  	s9 =	sor.u32 $0xD0000000, s2;
	s6 =	simm.s32 $0x108;
	_ =	swait.ge @!p0 [sflag:s8], $0x0  }
0x24: {  	s3 =	sadd.s32 $0x88, s3;
	s6 =	simm.s32 @!p1 $0x1082;
	[sflag:s4] =	ssyncset.s32 $0xFFFFF086  }
0x25: {  	[simem:s6], [sflag:s4] =	dma.local [hbm:s3], $0xF7A  }
0x26: {  	[smem:$0x3F8E] =	sst s1;
	(tag) =	ssettag s2;
	_ =	strace s9  }
0x27: {  	s1 =	sld [smem:$0x3F9E]  }
0x28: {  	s2 =	sld [smem:$0x3F9F]  }
0x29: {  	s4 =	sld [smem:$0x3FA1]  }
0x2a: {  	p0 =	seq.s32 s5, $0x0;
	s5 =	sld [smem:$0x3FA2]  }
0x2b: {  	s6 =	sld [smem:$0x3FA3]  }
0x2c: {  	s7 =	sld [smem:$0x3FA4]  }
0x2d: {  	s3 =	simm.s32 $0x108;
	s8 =	sld [smem:$0x3FA5]  }
0x2e: {  	s3 =	simm.s32 @!p0 $0x1082;
	s9 =	sld [smem:$0x3FA6]  }
0x2f: {  	lr =	sadd.s32 s0, s3;
	s0 =	sld [smem:$0x3F9D]  }
0x30: {  	s3 =	sld [smem:$0x3FA0]  }
0x31: {  	[smem:$0x3FA9] =	sst s10  }
0x32: {  	s10 =	sld [smem:$0x3FA7];
	_ =	sdelay $0x3  }
0x33: {  	p0 =	seq.s32 s10, $0x1;
	s10 =	sld [smem:$0x3FA9];
	_ =	sdelay $0x3  }
0x34: {  	[smem:$0x3FA9] =	sst s10  }
0x35: {  	s10 =	sld [smem:$0x3FA8];
	_ =	sdelay $0x3  }
0x36: {  	p1 =	seq.s32 s10, $0x1;
	s10 =	sld [smem:$0x3FA9];
	_ =	sdelay $0x3  }
0x37: {  	[smem:$0x3FA9] =	sst s10  }
0x38: {  	s10 =	sld [smem:$0x3FAA]  }
0x39: {  	_ = 	snop;
	(pc) =	sbr.ind lr, $3  }
0x3a: {  	_ = 	snop  }
0x3b: {  	_ = 	snop  }
0x3c: {  	p2 =	seq.s32 s10, $0x1;
	s10 =	sld [smem:$0x3FA9]  }
0x3d: {  	_ =	shalt  }
0x3e: {  	_ =	shalt  }
0x3f: {  	_ =	shalt  }
0x40: {  	_ =	shalt  }
0x41: {  	_ =	shalt  }
0x42: {  	_ =	shalt  }
0x43: {  	_ =	shalt  }
0x44: {  	_ =	shalt  }
0x45: {  	_ =	shalt  }
0x46: {  	_ =	shalt  }
0x47: {  	_ =	shalt  }
0x48: {  	_ =	shalt  }
0x49: {  	_ =	shalt  }
0x4a: {  	_ =	shalt  }
0x4b: {  	_ =	shalt  }
0x4c: {  	_ =	shalt  }
0x4d: {  	_ =	shalt  }
0x4e: {  	_ =	shalt  }
0x4f: {  	_ =	shalt  }
0x50: {  	_ =	shalt  }
0x51: {  	_ =	shalt  }
0x52: {  	_ =	shalt  }
0x53: {  	_ =	shalt  }
0x54: {  	_ =	shalt  }
0x55: {  	_ =	shalt  }
0x56: {  	_ =	shalt  }
0x57: {  	_ =	shalt  }
0x58: {  	_ =	shalt  }
0x59: {  	_ =	shalt  }
0x5a: {  	_ =	shalt  }
0x5b: {  	_ =	shalt  }
0x5c: {  	_ =	shalt  }
0x5d: {  	_ =	shalt  }
0x5e: {  	_ =	shalt  }
0x5f: {  	_ =	shalt  }
0x60: {  	_ =	shalt  }
0x61: {  	_ =	shalt  }
0x62: {  	_ =	shalt  }
0x63: {  	_ =	shalt  }
0x64: {  	_ =	shalt  }
0x65: {  	_ =	shalt  }
0x66: {  	_ =	shalt  }
0x67: {  	_ =	shalt  }
0x68: {  	_ =	shalt  }
0x69: {  	_ =	shalt  }
0x6a: {  	_ =	shalt  }
0x6b: {  	_ =	shalt  }
0x6c: {  	_ =	shalt  }
0x6d: {  	_ =	shalt  }
0x6e: {  	_ =	shalt  }
0x6f: {  	_ =	shalt  }
0x70: {  	_ =	shalt  }
0x71: {  	_ =	shalt  }
0x72: {  	_ =	shalt  }
0x73: {  	_ =	shalt  }
0x74: {  	_ =	shalt  }
0x75: {  	_ =	shalt  }
0x76: {  	_ =	shalt  }
0x77: {  	_ =	shalt  }
0x78: {  	_ =	shalt  }
0x79: {  	_ =	shalt  }
0x7a: {  	_ =	shalt  }
0x7b: {  	_ =	shalt  }
0x7c: {  	_ =	shalt  }
0x7d: {  	_ =	shalt  }
0x7e: {  	_ =	shalt  }
0x7f: {  	_ =	shalt  }
0x80: {  	_ =	shalt  }
0x81: {  	_ =	shalt  }
0x82: {  	_ =	shalt  }
0x83: {  	_ =	shalt  }
0x84: {  	_ =	shalt  }
0x85: {  	_ =	shalt  }
0x86: {  	_ =	shalt  }
0x87: {  	_ =	shalt  }
.Lfunc_end0:
.L_simem_size_0:
called_computation.1_lowered:
.L_overlay_start_0:
0x88: {  	s2 =	sld [smem:$0x3FD9]  }
0x89: {  	s3 =	sld [smem:$0x3FFE];
	_ =	sdelay $0x1  }
0x8a: {  	s1 =	srdreg.scid  }
0x8b: {  	s0 =	sand.u32 $0x1, s1  }
0x8c: {  	s16 =	sshll.u32 s0, $0xA;
	s2 =	sadd.s32 s3, s2  }
0x8d: {  	s2 =	sadd.s32 s2, s16  }
0x8e: {  	[smem:$0x3FB5] =	sst s2  }
0x8f: {  	_ = 	snop  }
0x90: {  	(tm) =	ssettm $0x1  }
0x91: {  	s17 =	sld [smem:$0x3FFB];
	_ =	sdelay $0x3  }
0x92: {  	_ =	strace s17  }
0x93: {  	s2 =	sld [smem:$0x3FFC];
	_ =	sdelay $0x3  }
0x94: {  	_ =	strace s2  }
0x95: {  	s2 =	sld [smem:$0x3FFD];
	_ =	sdelay $0x3  }
0x96: {  	_ =	strace s2  }
0x97: {  	_ =	strace $0x8FFFFFFF  }
0x98: {  	s18 =	sld [smem:$0x3FDB];
	_ =	sdelay $0x1  }
0x99: {  	s19 =	simm.s32 $_scs_section_size  }
0x9a: {  	s4 =	simm.s32 $_size__tile_overlayer_lowered;
	s5 =	simm.s32 $_tile_overlayer_lowered  }
0x9b: {  	s22 =	simm.s32 $0x1BFF;
	s21 =	sshll.u32 s5, $0x1;
	s2 =	sadd.s32 s19, s18  }
0x9c: {  	s6 =	simm.s32 $0x0;
	s20 =	sshll.u32 s4, $0x1;
	s4 =	sadd.s32 s21, s2  }
0x9d: {  	[timem:s6], [sflag:s22] =	dma.local [hbm:s4], s20  }
0x9e: {  	_ =	swait.ge [sflag:s22], s20  }
0x9f: {  	s3 =	ssub.s32 $0x0, s20;
	[sflag:s22] =	ssyncset.done $0x0  }
0xa0: {  	[sflag:s22] =	ssyncadd.s32 s3;
	_ =	sdelay $0x1  }
0xa1: {  	s23 =	simm.s32 $0x1B8B  }
0xa2: {  	_ =	swait.ge [sflag:s23], $0x1  }
0xa3: {  	[sflag:s23] =	ssyncset.done $0x0  }
0xa4: {  	s25 =	simm.s32 $0x1B8E;
	s24 =	sld [smem:$0x3FFE];
	[sflag:s23] =	ssyncadd.s32 $0xFFFFFFFF  }
0xa5: {  	s26 =	simm.s32 $execute0_lowered;
	[smem:$0x3FD2] =	sst s25  }
0xa6: {  	s4 =	sshll.u32 s26, $0x1;
	_ =	strace $0x80000049;
	[dreg:$0x1] =	wrdreg $0xFFFFFFFF  }
0xa7: {  	s28 =	simm.s32 $_size_execute0_lowered;
	s2 =	sadd.s32 s2, s4;
	[dreg:$0x0] =	wrdreg $0x0  }
0xa8: {  	s4 =	sshll.u32 s28, $0x1;
	[dreg:$0x2] =	wrdreg s2  }
0xa9: {  	[dreg:$0x3] =	wrdreg s4  }
0xaa: {  	[dreg:$0x4] =	wrdreg $0xC0  }
0xab: {  	_ =	task [dreg:s6], $0x5FFFF  }
0xac: {  	[dreg:$0x1] =	wrdreg $0xFFFFFFFF  }
0xad: {  	[dreg:$0x0] =	wrdreg $0x60  }
0xae: {  	[dreg:$0x2] =	wrdreg s24  }
0xaf: {  	[dreg:$0x3] =	wrdreg $0xAC000  }
0xb0: {  	[dreg:$0x4] =	wrdreg $0x9  }
0xb1: {  	_ =	task.clear_ibuf [dreg:s6], $0x5FFFF;
	_ =	strace $0x90000049  }
0xb2: {  	s29 =	simm.s32 $0x9;
	_ =	strace $0x8000004B  }
0xb3: {  	_ =	swait.ge [sflag:s29], $0x1  }
0xb4: {  	[sflag:s29] =	ssyncadd.s32 $0xFFFFFFFF  }
0xb5: {  	_ =	strace $0x9000004B  }
0xb6: {  	_ =	sfence  }
0xb7: {  	s30 =	sld [smem:$0x0];
	_ =	sdelay $0x2  }
0xb8: {  	s31 =	sshll.u32 s1, $0xD;
	s1 =	sshrl.u32 s1, $0x2  }
0xb9: {  	s3 =	sand.u32 $0x4000, s31;
	s1 =	sadd.s32 s1, s30  }
0xba: {  	s0 =	sor.u32 s3, s0;
	s1 =	sshll.u32 s1, $0x11  }
0xbb: {  	s0 =	sor.u32 s1, s0  }
0xbc: {  	s0 =	sadd.s32 $0x8F2B, s0  }
0xbd: {  	[sflag:s0] =	ssyncadd.remote.s32 $0x1  }
0xbe: {  	_ =	sfence.sel $0xFFFF  }
0xbf: {  	[dreg:$0x0] =	wrdreg $0xFFFFFFFF;
	(pc) =	sbr.abs _section_cstart, $3  }
0xc0: {  	[dreg:$0x1] =	wrdreg $0xFFFFFFFF  }
0xc1: {  	_ =	task.clear_ibuf [dreg:s6], $0x2FFFF;
	_ =	strace $0x9FFFFFFF  }
0xc2: {  	(tm) =	ssettm $0x7FFFFFFF  }
0xc3: {  	_ =	shalt  }
tec
execute0_lowered:
.L_overlay_start_1:
0x0: {  	(tag) =	ssettag $0x1  }
0x1: {  	s5 =	rddreg [dreg:$0x0]  }
0x2: {  	s1 =	rddreg [dreg:$0x1]  }
0x3: {  	s0 =	rddreg [dreg:$0x2];
	s3 =	simm.s32 $0x0;
	s2 =	srdreg.scid  }
0x4: {  	s14 =	simm.s32 $0x1400;
	s15 =	simm.s32 $0x80;
	s16 =	simm.s32 $0x2800  }
0x5: {  	s17 =	simm.s32 $0x6800;
	s18 =	simm.s32 $0x1;
	s19 =	simm.s32 $0x2  }
0x6: {  	s20 =	simm.s32 $0x2700;
	s21 =	simm.s32 $0x2780;
	[smem:$0x7FF] =	sst s3  }
0x7: {  	s6 =	sand.u32 $0x1, s2;
	s2 =	stileid.u32;
	s4 =	sadd.s32 $0x16C00, s5  }
0x8: {  	s9 =	sadd.s32 $0x2C00, s5;
	s11 =	sadd.s32 $0xCC00, s5;
	s7 =	smul.u32 $0x13C000, s6  }
0x9: {  	_ =	strace $0x8000004A;
	s8 =	smul.u32 $0x13C00, s2;
	s10 =	sshll.u32 s6, $0x4  }
0xa: {  	s26 =	smul.u32 $0x4F000, s2;
	s6 =	ssub.s32 $0x2, s6;
	s25 =	sor.u32 s2, s10  }
0xb: {  	s28 =	sshrl.u32 s6, $0x1;
	s7 =	sadd.s32 s8, s7;
	s8 =	smul.u32 $0x2800, s25  }
0xc: {  	s13 =	ssub.s32 s6, s28;
	s29 =	sshrl.u32 s26, $0x2;
	s7 =	sshrl.u32 s7, $0x3  }
0xd: {  	s12 =	sadd.s32 s7, s5;
	s30 =	sshrl.u32 s8, $0x3;
	s5 =	sadd.s32 s29, s1  }
0xe: {  	s6 =	sadd.s32 s9, s30;
	s31 =	sadd.s32 $0x280, s30;
	s7 =	sadd.s32 s11, s30  }
0xf: {  	s10 =	sadd.s32 $0xB3000, s12;
	s12 =	simm.s32 $0xA800;
	s8 =	sadd.s32 s9, s31  }
0x10: {  	v0 =	vimm.f32 $0.0e+00;
	s9 =	sadd.s32 s11, s31;
	s11 =	smax.u32 s13, $0x1;
	s13 =	simm.s32 $0x3  }
.LBB2_1:
0x11: {  	[tilespmem:$0xA800] =	vst v0  }
0x12: {  	[tilespmem:$0xA810] =	vst v0  }
0x13: {  	[tilespmem:$0xA820] =	vst v0  }
0x14: {  	[tilespmem:$0xA830] =	vst v0  }
0x15: {  	[tilespmem:$0xA840] =	vst v0  }
0x16: {  	[tilespmem:$0xA850] =	vst v0  }
0x17: {  	[tilespmem:$0xA860] =	vst v0  }
0x18: {  	[tilespmem:$0xA870] =	vst v0  }
0x19: {  	[tilespmem:$0xA880] =	vst v0  }
0x1a: {  	[tilespmem:$0xA890] =	vst v0  }
0x1b: {  	[tilespmem:$0xA8A0] =	vst v0  }
0x1c: {  	[tilespmem:$0xA8B0] =	vst v0  }
0x1d: {  	[tilespmem:$0xA8C0] =	vst v0  }
0x1e: {  	[tilespmem:$0xA8D0] =	vst v0  }
0x1f: {  	[tilespmem:$0xA8E0] =	vst v0  }
0x20: {  	[tilespmem:$0xA8F0] =	vst v0  }
0x21: {  	[tilespmem:$0xA900] =	vst v0  }
0x22: {  	[tilespmem:$0xA910] =	vst v0  }
0x23: {  	[tilespmem:$0xA920] =	vst v0  }
0x24: {  	[tilespmem:$0xA930] =	vst v0  }
0x25: {  	[tilespmem:$0xA940] =	vst v0  }
0x26: {  	[tilespmem:$0xA950] =	vst v0  }
0x27: {  	[tilespmem:$0xA960] =	vst v0  }
0x28: {  	[tilespmem:$0xA970] =	vst v0  }
0x29: {  	[tilespmem:$0xA980] =	vst v0  }
0x2a: {  	[tilespmem:$0xA990] =	vst v0  }
0x2b: {  	[tilespmem:$0xA9A0] =	vst v0  }
0x2c: {  	[tilespmem:$0xA9B0] =	vst v0  }
0x2d: {  	[tilespmem:$0xA9C0] =	vst v0  }
0x2e: {  	[tilespmem:$0xA9D0] =	vst v0  }
0x2f: {  	[tilespmem:$0xA9E0] =	vst v0  }
0x30: {  	[tilespmem:$0xA9F0] =	vst v0  }
0x31: {  	[tilespmem:$0xAA00] =	vst v0  }
0x32: {  	[tilespmem:$0xAA10] =	vst v0  }
0x33: {  	[tilespmem:$0xAA20] =	vst v0  }
0x34: {  	[tilespmem:$0xAA30] =	vst v0  }
0x35: {  	[tilespmem:$0xAA40] =	vst v0  }
0x36: {  	[tilespmem:$0xAA50] =	vst v0  }
0x37: {  	[tilespmem:$0xAA60] =	vst v0  }
0x38: {  	[tilespmem:$0xAA70] =	vst v0  }
0x39: {  	[tilespmem:$0xAA80] =	vst v0  }
0x3a: {  	[tilespmem:$0xAA90] =	vst v0  }
0x3b: {  	[tilespmem:$0xAAA0] =	vst v0  }
0x3c: {  	[tilespmem:$0xAAB0] =	vst v0  }
0x3d: {  	[tilespmem:$0xAAC0] =	vst v0  }
0x3e: {  	[tilespmem:$0xAAD0] =	vst v0  }
0x3f: {  	[tilespmem:$0xAAE0] =	vst v0  }
0x40: {  	[tilespmem:$0xAAF0] =	vst v0  }
0x41: {  	[tilespmem:$0xAB00] =	vst v0  }
0x42: {  	[tilespmem:$0xAB10] =	vst v0  }
0x43: {  	[tilespmem:$0xAB20] =	vst v0  }
0x44: {  	[tilespmem:$0xAB30] =	vst v0  }
0x45: {  	[tilespmem:$0xAB40] =	vst v0  }
0x46: {  	[tilespmem:$0xAB50] =	vst v0  }
0x47: {  	[tilespmem:$0xAB60] =	vst v0  }
0x48: {  	[tilespmem:$0xAB70] =	vst v0  }
0x49: {  	[tilespmem:$0xAB80] =	vst v0  }
0x4a: {  	[tilespmem:$0xAB90] =	vst v0  }
0x4b: {  	[tilespmem:$0xABA0] =	vst v0  }
0x4c: {  	[tilespmem:$0xABB0] =	vst v0  }
0x4d: {  	[tilespmem:$0xABC0] =	vst v0  }
0x4e: {  	[tilespmem:$0xABD0] =	vst v0  }
0x4f: {  	[tilespmem:$0xABE0] =	vst v0  }
0x50: {  	[tilespmem:$0xABF0] =	vst v0;
	s22 =	sadd.s32 $0x0, s5  }
0x51: {  	[spmem:s22] =	stream.linear.scatter [tilespmem:s12], [sflag:$0x3], $0x400, $0x38;
	[tilespmem:$0x1E800] =	vst v63  }
0x52: {  	s22 =	simm.s32 $0x1000;
	_ =	swait.ge [sflag:s13], $0x400  }
.LBB2_2:
0x53: {  	s23 =	sshra.s32 s22, $0x2;
	[sflag:s13] =	ssyncset.done $0x0;
	p0 =	sne.s32 s22, $0x4E000  }
.Ltmp0:
0x54: {  	s23 =	sadd.s32 s23, s5;
	[sflag:s13] =	ssyncadd.s32 $0xFFFFFC00;
	(pc) =	sbr.rel @p0 .LBB2_2-.Ltmp0, $3  }
0x55: {  	[spmem:s23] =	stream.linear.scatter [tilespmem:s12], [sflag:$0x3], $0x400, $0x38;
	[tilespmem:$0x1E800] =	vst v63  }
0x56: {  	s22 =	sadd.s32 $0x1000, s22;
	_ =	sdelay $0x1  }
0x57: {  	_ =	swait.ge [sflag:s13], $0x400  }
0x58: {  	[sflag:s13] =	ssyncset.done $0x0  }
0x59: {  	[sflag:s13] =	ssyncadd.s32 $0xFFFFFC00  }
0x5a: {  	s22 =	simm.s32 $0x0;
	[bflag:$0x0] =	sbarrier.arrive $0xFFFF  }
0x5b: {  	[tilespmem:s22], [sflag:$0x3] =	stream.linear.gather [hbm4b:s6+s22], $0x1400, $0x38;
	[tilespmem:$0x1E800] =	vst v63  }
0x5c: {  	_ =	swait.ge [sflag:s13], $0x1400  }
0x5d: {  	[sflag:s13] =	ssyncset.done $0x0  }
0x5e: {  	[sflag:s13] =	ssyncadd.s32 $0xFFFFEC00  }
0x5f: {  	[tilespmem:s14], [sflag:$0x3] =	stream.linear.gather [hbm4b:s7+s22], $0x1400, $0x38;
	[tilespmem:$0x1E800] =	vst v63  }
0x60: {  	_ =	swait.ge [sflag:s13], $0x1400  }
0x61: {  	[sflag:s13] =	ssyncset.done $0x0  }
0x62: {  	[sflag:s13] =	ssyncadd.s32 $0xFFFFEC00  }
0x63: {  	[tilespmem:s16], [sflag:$0x1] =	stream.indirect.gather [hbm4b:s4+s15], $0x80, s22, s15, $0xb8;
	[tilespmem:$0x1E800] =	vst v63  }
0x64: {  	_ = 	snop  }
0x65: {  	[tilespmem:s17], [sflag:$0x2] =	stream.indirect.gather [hbm4b:s4+s15], $0x80, s15, s15, $0xb8;
	[tilespmem:$0x1E800] =	vst v63  }
0x66: {  	_ =	swait.ge [sflag:s18], $0x4000  }
0x67: {  	[sflag:s18] =	ssyncset.done $0x0  }
0x68: {  	s29 =	simm.s32 $0x1400;
	[sflag:s18] =	ssyncadd.s32 $0xFFFFC000  }
0x69: {  	[spmem:s1] =	stream.indirect.scatter.add.f32 [tilespmem:s16], [sflag:$0x3], $0x80, s29, s15, $0xb8;
	[tilespmem:$0x1E800] =	vst v63  }
0x6a: {  	_ =	swait.ge [sflag:s13], $0x4000  }
0x6b: {  	[sflag:s13] =	ssyncset.done $0x0  }
0x6c: {  	s30 =	simm.s32 $0x100;
	[sflag:s13] =	ssyncadd.s32 $0xFFFFC000  }
0x6d: {  	[tilespmem:s16], [sflag:$0x1] =	stream.indirect.gather [hbm4b:s4+s15], $0x80, s30, s15, $0xb8;
	[tilespmem:$0x1E800] =	vst v63  }
0x6e: {  	_ =	swait.ge [sflag:s19], $0x4000  }
0x6f: {  	[sflag:s19] =	ssyncset.done $0x0  }
0x70: {  	s31 =	simm.s32 $0x1480;
	[sflag:s19] =	ssyncadd.s32 $0xFFFFC000  }
0x71: {  	[spmem:s1] =	stream.indirect.scatter.add.f32 [tilespmem:s17], [sflag:$0x3], $0x80, s31, s15, $0xb8;
	[tilespmem:$0x1E800] =	vst v63  }
0x72: {  	_ =	swait.ge [sflag:s13], $0x4000  }
0x73: {  	[sflag:s13] =	ssyncset.done $0x0  }
0x74: {  	s23 =	simm.s32 $0x180;
	s22 =	simm.s32 $0x400;
	[sflag:s13] =	ssyncadd.s32 $0xFFFFC000  }
.LBB2_4:
0x75: {  	[tilespmem:s17], [sflag:$0x2] =	stream.indirect.gather [hbm4b:s4+s15], $0x80, s23, s15, $0xb8;
	[tilespmem:$0x1E800] =	vst v63  }
0x76: {  	s23 =	smov.u32 s22  }
0x77: {  	p0 =	sne.s32 s22, $0x4800;
	s22 =	sadd.s32 $0x400, s22;
	_ =	swait.ge [sflag:s18], $0x4000  }
0x78: {  	s23 =	sshra.s32 s23, $0x2;
	[sflag:s18] =	ssyncset.done $0x0  }
0x79: {  	s24 =	sadd.s32 $0x1400, s23;
	[sflag:s18] =	ssyncadd.s32 $0xFFFFC000  }
0x7a: {  	[spmem:s1] =	stream.indirect.scatter.add.f32 [tilespmem:s16], [sflag:$0x3], $0x80, s24, s15, $0xb8;
	[tilespmem:$0x1E800] =	vst v63  }
0x7b: {  	_ =	swait.ge [sflag:s13], $0x4000  }
0x7c: {  	[sflag:s13] =	ssyncset.done $0x0  }
0x7d: {  	s24 =	sadd.s32 $0x100, s23;
	[sflag:s13] =	ssyncadd.s32 $0xFFFFC000  }
0x7e: {  	[tilespmem:s16], [sflag:$0x1] =	stream.indirect.gather [hbm4b:s4+s15], $0x80, s24, s15, $0xb8;
	[tilespmem:$0x1E800] =	vst v63  }
0x7f: {  	_ =	swait.ge [sflag:s19], $0x4000  }
0x80: {  	[sflag:s19] =	ssyncset.done $0x0  }
.Ltmp1:
0x81: {  	s24 =	sadd.s32 $0x1480, s23;
	[sflag:s19] =	ssyncadd.s32 $0xFFFFC000;
	(pc) =	sbr.rel @p0 .LBB2_4-.Ltmp1, $4  }
0x82: {  	[spmem:s1] =	stream.indirect.scatter.add.f32 [tilespmem:s17], [sflag:$0x3], $0x80, s24, s15, $0xb8;
	[tilespmem:$0x1E800] =	vst v63  }
0x83: {  	_ =	swait.ge [sflag:s13], $0x4000  }
0x84: {  	[sflag:s13] =	ssyncset.done $0x0  }
0x85: {  	s23 =	sadd.s32 $0x180, s23;
	[sflag:s13] =	ssyncadd.s32 $0xFFFFC000  }
0x86: {  	[tilespmem:s17], [sflag:$0x2] =	stream.indirect.gather [hbm4b:s4+s15], $0x80, s23, s15, $0xb8;
	[tilespmem:$0x1E800] =	vst v63  }
0x87: {  	_ =	swait.ge [sflag:s18], $0x4000  }
0x88: {  	[sflag:s18] =	ssyncset.done $0x0  }
0x89: {  	[sflag:s18] =	ssyncadd.s32 $0xFFFFC000  }
0x8a: {  	[spmem:s1] =	stream.indirect.scatter.add.f32 [tilespmem:s16], [sflag:$0x3], $0x80, s20, s15, $0xb8;
	[tilespmem:$0x1E800] =	vst v63  }
0x8b: {  	_ =	swait.ge [sflag:s13], $0x4000  }
0x8c: {  	[sflag:s13] =	ssyncset.done $0x0  }
0x8d: {  	[sflag:s13] =	ssyncadd.s32 $0xFFFFC000  }
0x8e: {  	_ =	swait.ge [sflag:s19], $0x4000  }
0x8f: {  	[sflag:s19] =	ssyncset.done $0x0  }
0x90: {  	[sflag:s19] =	ssyncadd.s32 $0xFFFFC000  }
0x91: {  	[spmem:s1] =	stream.indirect.scatter.add.f32 [tilespmem:s17], [sflag:$0x3], $0x80, s21, s15, $0xb8;
	[tilespmem:$0x1E800] =	vst v63  }
0x92: {  	_ =	swait.ge [sflag:s13], $0x4000  }
0x93: {  	[sflag:s13] =	ssyncset.done $0x0  }
0x94: {  	s22 =	simm.s32 $0x0;
	[sflag:s13] =	ssyncadd.s32 $0xFFFFC000  }
0x95: {  	[tilespmem:s22], [sflag:$0x3] =	stream.linear.gather [hbm4b:s8+s22], $0x1400, $0x38;
	[tilespmem:$0x1E800] =	vst v63  }
0x96: {  	_ =	swait.ge [sflag:s13], $0x1400  }
0x97: {  	[sflag:s13] =	ssyncset.done $0x0  }
0x98: {  	[sflag:s13] =	ssyncadd.s32 $0xFFFFEC00  }
0x99: {  	[tilespmem:s14], [sflag:$0x3] =	stream.linear.gather [hbm4b:s9+s22], $0x1400, $0x38;
	[tilespmem:$0x1E800] =	vst v63  }
0x9a: {  	_ =	swait.ge [sflag:s13], $0x1400  }
0x9b: {  	[sflag:s13] =	ssyncset.done $0x0  }
0x9c: {  	[sflag:s13] =	ssyncadd.s32 $0xFFFFEC00  }
0x9d: {  	[tilespmem:s16], [sflag:$0x1] =	stream.indirect.gather [hbm4b:s4+s15], $0x80, s22, s15, $0xb8;
	[tilespmem:$0x1E800] =	vst v63  }
0x9e: {  	_ = 	snop  }
0x9f: {  	[tilespmem:s17], [sflag:$0x2] =	stream.indirect.gather [hbm4b:s4+s15], $0x80, s15, s15, $0xb8;
	[tilespmem:$0x1E800] =	vst v63  }
0xa0: {  	_ =	swait.ge [sflag:s18], $0x4000  }
0xa1: {  	[sflag:s18] =	ssyncset.done $0x0  }
0xa2: {  	s29 =	simm.s32 $0x1400;
	[sflag:s18] =	ssyncadd.s32 $0xFFFFC000  }
0xa3: {  	[spmem:s1] =	stream.indirect.scatter.add.f32 [tilespmem:s16], [sflag:$0x3], $0x80, s29, s15, $0xb8;
	[tilespmem:$0x1E800] =	vst v63  }
0xa4: {  	_ =	swait.ge [sflag:s13], $0x4000  }
0xa5: {  	[sflag:s13] =	ssyncset.done $0x0  }
0xa6: {  	s30 =	simm.s32 $0x100;
	[sflag:s13] =	ssyncadd.s32 $0xFFFFC000  }
0xa7: {  	[tilespmem:s16], [sflag:$0x1] =	stream.indirect.gather [hbm4b:s4+s15], $0x80, s30, s15, $0xb8;
	[tilespmem:$0x1E800] =	vst v63  }
0xa8: {  	_ =	swait.ge [sflag:s19], $0x4000  }
0xa9: {  	[sflag:s19] =	ssyncset.done $0x0  }
0xaa: {  	s31 =	simm.s32 $0x1480;
	[sflag:s19] =	ssyncadd.s32 $0xFFFFC000  }
0xab: {  	[spmem:s1] =	stream.indirect.scatter.add.f32 [tilespmem:s17], [sflag:$0x3], $0x80, s31, s15, $0xb8;
	[tilespmem:$0x1E800] =	vst v63  }
0xac: {  	_ =	swait.ge [sflag:s13], $0x4000  }
0xad: {  	[sflag:s13] =	ssyncset.done $0x0  }
0xae: {  	s23 =	simm.s32 $0x180;
	s22 =	simm.s32 $0x400;
	[sflag:s13] =	ssyncadd.s32 $0xFFFFC000  }
.LBB2_6:
0xaf: {  	[tilespmem:s17], [sflag:$0x2] =	stream.indirect.gather [hbm4b:s4+s15], $0x80, s23, s15, $0xb8;
	[tilespmem:$0x1E800] =	vst v63  }
0xb0: {  	s23 =	smov.u32 s22  }
0xb1: {  	p0 =	sne.s32 s22, $0x4800;
	s22 =	sadd.s32 $0x400, s22;
	_ =	swait.ge [sflag:s18], $0x4000  }
0xb2: {  	s23 =	sshra.s32 s23, $0x2;
	[sflag:s18] =	ssyncset.done $0x0  }
0xb3: {  	s24 =	sadd.s32 $0x1400, s23;
	[sflag:s18] =	ssyncadd.s32 $0xFFFFC000  }
0xb4: {  	[spmem:s1] =	stream.indirect.scatter.add.f32 [tilespmem:s16], [sflag:$0x3], $0x80, s24, s15, $0xb8;
	[tilespmem:$0x1E800] =	vst v63  }
0xb5: {  	_ =	swait.ge [sflag:s13], $0x4000  }
0xb6: {  	[sflag:s13] =	ssyncset.done $0x0  }
0xb7: {  	s24 =	sadd.s32 $0x100, s23;
	[sflag:s13] =	ssyncadd.s32 $0xFFFFC000  }
0xb8: {  	[tilespmem:s16], [sflag:$0x1] =	stream.indirect.gather [hbm4b:s4+s15], $0x80, s24, s15, $0xb8;
	[tilespmem:$0x1E800] =	vst v63  }
0xb9: {  	_ =	swait.ge [sflag:s19], $0x4000  }
0xba: {  	[sflag:s19] =	ssyncset.done $0x0  }
.Ltmp2:
0xbb: {  	s24 =	sadd.s32 $0x1480, s23;
	[sflag:s19] =	ssyncadd.s32 $0xFFFFC000;
	(pc) =	sbr.rel @p0 .LBB2_6-.Ltmp2, $4  }
0xbc: {  	[spmem:s1] =	stream.indirect.scatter.add.f32 [tilespmem:s17], [sflag:$0x3], $0x80, s24, s15, $0xb8;
	[tilespmem:$0x1E800] =	vst v63  }
0xbd: {  	_ =	swait.ge [sflag:s13], $0x4000  }
0xbe: {  	[sflag:s13] =	ssyncset.done $0x0  }
0xbf: {  	s23 =	sadd.s32 $0x180, s23;
	[sflag:s13] =	ssyncadd.s32 $0xFFFFC000  }
0xc0: {  	[tilespmem:s17], [sflag:$0x2] =	stream.indirect.gather [hbm4b:s4+s15], $0x80, s23, s15, $0xb8;
	[tilespmem:$0x1E800] =	vst v63  }
0xc1: {  	_ =	swait.ge [sflag:s18], $0x4000  }
0xc2: {  	[sflag:s18] =	ssyncset.done $0x0  }
0xc3: {  	[sflag:s18] =	ssyncadd.s32 $0xFFFFC000  }
0xc4: {  	[spmem:s1] =	stream.indirect.scatter.add.f32 [tilespmem:s16], [sflag:$0x3], $0x80, s20, s15, $0xb8;
	[tilespmem:$0x1E800] =	vst v63  }
0xc5: {  	_ =	swait.ge [sflag:s13], $0x4000  }
0xc6: {  	[sflag:s13] =	ssyncset.done $0x0  }
0xc7: {  	[sflag:s13] =	ssyncadd.s32 $0xFFFFC000  }
0xc8: {  	_ =	swait.ge [sflag:s19], $0x4000  }
0xc9: {  	[sflag:s19] =	ssyncset.done $0x0  }
0xca: {  	[sflag:s19] =	ssyncadd.s32 $0xFFFFC000  }
0xcb: {  	[spmem:s1] =	stream.indirect.scatter.add.f32 [tilespmem:s17], [sflag:$0x3], $0x80, s21, s15, $0xb8;
	[tilespmem:$0x1E800] =	vst v63  }
0xcc: {  	_ =	swait.ge [sflag:s13], $0x4000  }
0xcd: {  	s22 =	sshll.u32 s2, $0x6;
	s3 =	sadd.s32 $0x1, s3;
	[sflag:s13] =	ssyncset.done $0x0  }
0xce: {  	s31 =	sshrl.u32 s5, $0x3;
	p0 =	sne.s32 s3, s11;
	[sflag:s13] =	ssyncadd.s32 $0xFFFFC000  }
.Ltmp3:
0xcf: {  	s22 =	sor.u32 $0x1C03, s22;
	[bflag:$0x0] =	sbarrier.arrive $0xFFFF;
	(pc) =	sbr.rel @p0 .LBB2_1-.Ltmp3, $4  }
0xd0: {  	[hbm:s10], [sflag:s22] =	dma.local [spmem:s31], $0x2780  }
0xd1: {  	_ =	swait.ge [sflag:s13], $0x2780  }
0xd2: {  	[sflag:s13] =	ssyncset.done $0x0  }
0xd3: {  	[sflag:s13] =	ssyncadd.s32 $0xFFFFD880  }
0xd4: {  	_ =	sfence.sel $0x180000  }
0xd5: {  	[bflag:$0x0] =	sbarrier.arrive $0xFFFF  }
0xd6: {  	p0 =	sne.s32 s2, $0x0;
	_ =	strace $0x9000004A  }
0xd7: {  	s0 =	sadd.s32 @!p0 $0x100000, s0;
	[bflag:$0x2] =	sbarrier.arrive $0xFFFF  }
0xd8: {  	[sflag:s0] =	ssyncadd.tile.s32 @!p0 $0x1;
	_ =	shalt  }
.Lfunc_end2:
_tile_overlayer_lowered:
.L_overlay_start_2:
0xd9: {  	(tag) =	ssettag $0x2  }
0xda: {  	s0 =	rddreg [dreg:$0x0];
	s2 =	stileid.u32  }
0xdb: {  	s1 =	rddreg [dreg:$0x1];
	p0 =	sne.s32 s2, $0x0  }
0xdc: {  	s3 =	rddreg [dreg:$0x2];
	[bflag:$0x3] =	sbarrier.arrive $0xFFFF;
	s2 =	simm.s32 @!p0 $0x1C03  }
0xdd: {  	[timem:s3], [sflag:s2] =	dma.local @!p0 [hbm:s0], s1  }
0xde: {  	s0 =	simm.s32 @!p0 $0x3  }
0xdf: {  	_ =	swait.ge @!p0 [sflag:s0], s1  }
0xe0: {  	s1 =	ssub.s32 @!p0 $0x0, s1;
	[sflag:s0] =	ssyncset.done @!p0 $0x0  }
0xe1: {  	[sflag:s0] =	ssyncadd.s32 @!p0 s1  }
0xe2: {  	[bflag:$0x3] =	sbarrier.arrive $0xFFFF  }
0xe3: {  	_ =	shalt  }

// kernel: kernel.16.cloned.1.call-start
scs
__scs_entry_jumppad:
0x0: {  	(pc) =	sbr.rel $0x88, $3  }
0x1: {  	(tag) =	ssettag $0x0;
	lr =	simm.s32 $0x1  }
0x2: {  	[smem:$0x3F8E] =	sst lr;
	_ =	strace $0xD0000000  }
0x3: {  	_ = 	snop  }
0x4: {  	_ = 	snop  }
0x5: {  	_ = 	snop  }
0x6: {  	_ = 	snop  }
0x7: {  	_ = 	snop  }
__scs_overlays_trampoline_lowered:
0x8: {  	[smem:$0x3F9D] =	sst s0  }
0x9: {  	[smem:$0x3F9E] =	sst s1  }
0xa: {  	[smem:$0x3F9F] =	sst s2  }
0xb: {  	[smem:$0x3FA0] =	sst s3  }
0xc: {  	[smem:$0x3FA1] =	sst s4  }
0xd: {  	[smem:$0x3FA2] =	sst s5  }
0xe: {  	[smem:$0x3FA3] =	sst s6  }
0xf: {  	[smem:$0x3FA4] =	sst s7  }
0x10: {  	[smem:$0x3FA5] =	sst s8  }
0x11: {  	[smem:$0x3FA6] =	sst s9;
	s0 =	simm.s32 @!p0 $0x0  }
0x12: {  	s1 =	sld [smem:$0x3F8C];
	s0 =	simm.s32 @p0 $0x1  }
0x13: {  	[smem:$0x3FA7] =	sst s0;
	s0 =	simm.s32 @!p1 $0x0  }
0x14: {  	s2 =	sld [smem:$0x3F8B];
	s0 =	simm.s32 @p1 $0x1  }
0x15: {  	[smem:$0x3FA8] =	sst s0;
	s0 =	simm.s32 @!p2 $0x0  }
0x16: {  	s3 =	sld [smem:$0x3FDB];
	s0 =	simm.s32 @p2 $0x1  }
0x17: {  	s4 =	simm.s32 $0x1BF5;
	[smem:$0x3FAA] =	sst s0  }
0x18: {  	s0 =	sld [smem:$0x3F8D];
	_ =	swait.ge [sflag:s4], $0x0  }
0x19: {  	s7 =	sld [smem:$0x3F8E]  }
0x1a: {  	s8 =	sadd.s32 $0xFFFFE003, lr  }
0x1b: {  	s9 =	sadd.s32 $0xFFFFFEF7, lr;
	s5 =	simm.s32 $0xFFFFFFFF;
	p2 =	slt.u32 s8, $0xFFFFF086  }
0x1c: {  	p1 =	slt.u32 s9, $0xF7A;
	s5 =	simm.s32 @!p2 $0x0  }
0x1d: {  	s5 =	simm.s32 @p1 $0x1;
	p0 =	seq.s32 s7, s2  }
0x1e: {  	s7 =	smul.u32 @!p0 $0xF7A, s2;
	p2 =	seq.s32 @!p0 s5, $0x0  }
0x1f: {  	s9 =	smul.u32 $0xF7A, s1;
	s8 =	simm.s32 @!p0 $0x1BF5;
	p2 =	por !p2, p0  }
0x20: {  	[sflag:s8] =	ssyncset.s32 @!p0 $0xFFFFF086;
	s6 =	sadd.s32 @!p0 s3, s7;
	s7 =	simm.s32 @!p0 $0x108  }
0x21: {  	s3 =	sadd.s32 s3, s9;
	s6 =	sadd.s32 @!p0 $0x88, s6;
	s7 =	simm.s32 @p2 $0x1082  }
0x22: {  	[simem:s7], [sflag:s8] =	dma.local @!p0 [hbm:s6], $0xF7A  }
0x23: {  	s9 =	sor.u32 $0xD0000000, s2;
	s6 =	simm.s32 $0x108;
	_ =	swait.ge @!p0 [sflag:s8], $0x0  }
0x24: {  	s3 =	sadd.s32 $0x88, s3;
	s6 =	simm.s32 @!p1 $0x1082;
	[sflag:s4] =	ssyncset.s32 $0xFFFFF086  }
0x25: {  	[simem:s6], [sflag:s4] =	dma.local [hbm:s3], $0xF7A  }
0x26: {  	[smem:$0x3F8E] =	sst s1;
	(tag) =	ssettag s2;
	_ =	strace s9  }
0x27: {  	s1 =	sld [smem:$0x3F9E]  }
0x28: {  	s2 =	sld [smem:$0x3F9F]  }
0x29: {  	s4 =	sld [smem:$0x3FA1]  }
0x2a: {  	p0 =	seq.s32 s5, $0x0;
	s5 =	sld [smem:$0x3FA2]  }
0x2b: {  	s6 =	sld [smem:$0x3FA3]  }
0x2c: {  	s7 =	sld [smem:$0x3FA4]  }
0x2d: {  	s3 =	simm.s32 $0x108;
	s8 =	sld [smem:$0x3FA5]  }
0x2e: {  	s3 =	simm.s32 @!p0 $0x1082;
	s9 =	sld [smem:$0x3FA6]  }
0x2f: {  	lr =	sadd.s32 s0, s3;
	s0 =	sld [smem:$0x3F9D]  }
0x30: {  	s3 =	sld [smem:$0x3FA0]  }
0x31: {  	[smem:$0x3FA9] =	sst s10  }
0x32: {  	s10 =	sld [smem:$0x3FA7];
	_ =	sdelay $0x3  }
0x33: {  	p0 =	seq.s32 s10, $0x1;
	s10 =	sld [smem:$0x3FA9];
	_ =	sdelay $0x3  }
0x34: {  	[smem:$0x3FA9] =	sst s10  }
0x35: {  	s10 =	sld [smem:$0x3FA8];
	_ =	sdelay $0x3  }
0x36: {  	p1 =	seq.s32 s10, $0x1;
	s10 =	sld [smem:$0x3FA9];
	_ =	sdelay $0x3  }
0x37: {  	[smem:$0x3FA9] =	sst s10  }
0x38: {  	s10 =	sld [smem:$0x3FAA]  }
0x39: {  	_ = 	snop;
	(pc) =	sbr.ind lr, $3  }
0x3a: {  	_ = 	snop  }
0x3b: {  	_ = 	snop  }
0x3c: {  	p2 =	seq.s32 s10, $0x1;
	s10 =	sld [smem:$0x3FA9]  }
0x3d: {  	_ =	shalt  }
0x3e: {  	_ =	shalt  }
0x3f: {  	_ =	shalt  }
0x40: {  	_ =	shalt  }
0x41: {  	_ =	shalt  }
0x42: {  	_ =	shalt  }
0x43: {  	_ =	shalt  }
0x44: {  	_ =	shalt  }
0x45: {  	_ =	shalt  }
0x46: {  	_ =	shalt  }
0x47: {  	_ =	shalt  }
0x48: {  	_ =	shalt  }
0x49: {  	_ =	shalt  }
0x4a: {  	_ =	shalt  }
0x4b: {  	_ =	shalt  }
0x4c: {  	_ =	shalt  }
0x4d: {  	_ =	shalt  }
0x4e: {  	_ =	shalt  }
0x4f: {  	_ =	shalt  }
0x50: {  	_ =	shalt  }
0x51: {  	_ =	shalt  }
0x52: {  	_ =	shalt  }
0x53: {  	_ =	shalt  }
0x54: {  	_ =	shalt  }
0x55: {  	_ =	shalt  }
0x56: {  	_ =	shalt  }
0x57: {  	_ =	shalt  }
0x58: {  	_ =	shalt  }
0x59: {  	_ =	shalt  }
0x5a: {  	_ =	shalt  }
0x5b: {  	_ =	shalt  }
0x5c: {  	_ =	shalt  }
0x5d: {  	_ =	shalt  }
0x5e: {  	_ =	shalt  }
0x5f: {  	_ =	shalt  }
0x60: {  	_ =	shalt  }
0x61: {  	_ =	shalt  }
0x62: {  	_ =	shalt  }
0x63: {  	_ =	shalt  }
0x64: {  	_ =	shalt  }
0x65: {  	_ =	shalt  }
0x66: {  	_ =	shalt  }
0x67: {  	_ =	shalt  }
0x68: {  	_ =	shalt  }
0x69: {  	_ =	shalt  }
0x6a: {  	_ =	shalt  }
0x6b: {  	_ =	shalt  }
0x6c: {  	_ =	shalt  }
0x6d: {  	_ =	shalt  }
0x6e: {  	_ =	shalt  }
0x6f: {  	_ =	shalt  }
0x70: {  	_ =	shalt  }
0x71: {  	_ =	shalt  }
0x72: {  	_ =	shalt  }
0x73: {  	_ =	shalt  }
0x74: {  	_ =	shalt  }
0x75: {  	_ =	shalt  }
0x76: {  	_ =	shalt  }
0x77: {  	_ =	shalt  }
0x78: {  	_ =	shalt  }
0x79: {  	_ =	shalt  }
0x7a: {  	_ =	shalt  }
0x7b: {  	_ =	shalt  }
0x7c: {  	_ =	shalt  }
0x7d: {  	_ =	shalt  }
0x7e: {  	_ =	shalt  }
0x7f: {  	_ =	shalt  }
0x80: {  	_ =	shalt  }
0x81: {  	_ =	shalt  }
0x82: {  	_ =	shalt  }
0x83: {  	_ =	shalt  }
0x84: {  	_ =	shalt  }
0x85: {  	_ =	shalt  }
0x86: {  	_ =	shalt  }
0x87: {  	_ =	shalt  }
.Lfunc_end0:
.L_simem_size_0:
called_computation.2_lowered:
.L_overlay_start_0:
0x88: {  	s2 =	sld [smem:$0x3FD9]  }
0x89: {  	s3 =	sld [smem:$0x3FFE];
	_ =	sdelay $0x1  }
0x8a: {  	s1 =	srdreg.scid  }
0x8b: {  	s0 =	sand.u32 $0x1, s1  }
0x8c: {  	s16 =	sshll.u32 s0, $0xA;
	s2 =	sadd.s32 s3, s2  }
0x8d: {  	s2 =	sadd.s32 s2, s16  }
0x8e: {  	[smem:$0x3FB5] =	sst s2  }
0x8f: {  	_ = 	snop  }
0x90: {  	(tm) =	ssettm $0x1  }
0x91: {  	s17 =	sld [smem:$0x3FFB];
	_ =	sdelay $0x3  }
0x92: {  	_ =	strace s17  }
0x93: {  	s2 =	sld [smem:$0x3FFC];
	_ =	sdelay $0x3  }
0x94: {  	_ =	strace s2  }
0x95: {  	s2 =	sld [smem:$0x3FFD];
	_ =	sdelay $0x3  }
0x96: {  	_ =	strace s2  }
0x97: {  	_ =	strace $0x8FFFFFFF  }
0x98: {  	s18 =	sld [smem:$0x3FDB];
	_ =	sdelay $0x1  }
0x99: {  	s19 =	simm.s32 $_scs_section_size  }
0x9a: {  	s4 =	simm.s32 $_size__tile_overlayer_lowered;
	s5 =	simm.s32 $_tile_overlayer_lowered  }
0x9b: {  	s22 =	simm.s32 $0x1BFF;
	s21 =	sshll.u32 s5, $0x1;
	s2 =	sadd.s32 s19, s18  }
0x9c: {  	s6 =	simm.s32 $0x0;
	s20 =	sshll.u32 s4, $0x1;
	s4 =	sadd.s32 s21, s2  }
0x9d: {  	[timem:s6], [sflag:s22] =	dma.local [hbm:s4], s20  }
0x9e: {  	_ =	swait.ge [sflag:s22], s20  }
0x9f: {  	s3 =	ssub.s32 $0x0, s20;
	[sflag:s22] =	ssyncset.done $0x0  }
0xa0: {  	[sflag:s22] =	ssyncadd.s32 s3;
	_ =	sdelay $0x1  }
0xa1: {  	s23 =	simm.s32 $0x1B8B  }
0xa2: {  	_ =	swait.ge [sflag:s23], $0x1  }
0xa3: {  	[sflag:s23] =	ssyncset.done $0x0  }
0xa4: {  	s25 =	simm.s32 $0x1B8E;
	s24 =	sld [smem:$0x3FFE];
	[sflag:s23] =	ssyncadd.s32 $0xFFFFFFFF  }
0xa5: {  	s26 =	simm.s32 $execute0_lowered;
	[smem:$0x3FD2] =	sst s25  }
0xa6: {  	s4 =	sshll.u32 s26, $0x1;
	_ =	strace $0x8000004C;
	[dreg:$0x1] =	wrdreg $0xFFFFFFFF  }
0xa7: {  	s28 =	simm.s32 $_size_execute0_lowered;
	s2 =	sadd.s32 s2, s4;
	[dreg:$0x0] =	wrdreg $0x0  }
0xa8: {  	s4 =	sshll.u32 s28, $0x1;
	[dreg:$0x2] =	wrdreg s2  }
0xa9: {  	[dreg:$0x3] =	wrdreg s4  }
0xaa: {  	[dreg:$0x4] =	wrdreg $0xC0  }
0xab: {  	_ =	task [dreg:s6], $0x5FFFF  }
0xac: {  	[dreg:$0x1] =	wrdreg $0xFFFFFFFF  }
0xad: {  	[dreg:$0x0] =	wrdreg $0x60  }
0xae: {  	[dreg:$0x2] =	wrdreg s24  }
0xaf: {  	[dreg:$0x3] =	wrdreg $0x86000  }
0xb0: {  	[dreg:$0x4] =	wrdreg $0x9  }
0xb1: {  	_ =	task.clear_ibuf [dreg:s6], $0x5FFFF;
	_ =	strace $0x9000004C  }
0xb2: {  	s29 =	simm.s32 $0x9;
	_ =	strace $0x8000004E  }
0xb3: {  	_ =	swait.ge [sflag:s29], $0x1  }
0xb4: {  	[sflag:s29] =	ssyncadd.s32 $0xFFFFFFFF  }
0xb5: {  	_ =	strace $0x9000004E  }
0xb6: {  	_ =	sfence  }
0xb7: {  	s30 =	sld [smem:$0x0];
	_ =	sdelay $0x2  }
0xb8: {  	s31 =	sshll.u32 s1, $0xD;
	s1 =	sshrl.u32 s1, $0x2  }
0xb9: {  	s3 =	sand.u32 $0x4000, s31;
	s1 =	sadd.s32 s1, s30  }
0xba: {  	s0 =	sor.u32 s3, s0;
	s1 =	sshll.u32 s1, $0x11  }
0xbb: {  	s0 =	sor.u32 s1, s0  }
0xbc: {  	s0 =	sadd.s32 $0x8F2B, s0  }
0xbd: {  	[sflag:s0] =	ssyncadd.remote.s32 $0x1  }
0xbe: {  	_ =	sfence.sel $0xFFFF  }
0xbf: {  	[dreg:$0x0] =	wrdreg $0xFFFFFFFF;
	(pc) =	sbr.abs _section_cstart, $3  }
0xc0: {  	[dreg:$0x1] =	wrdreg $0xFFFFFFFF  }
0xc1: {  	_ =	task.clear_ibuf [dreg:s6], $0x2FFFF;
	_ =	strace $0x9FFFFFFF  }
0xc2: {  	(tm) =	ssettm $0x7FFFFFFF  }
0xc3: {  	_ =	shalt  }
tec
execute0_lowered:
.L_overlay_start_1:
0x0: {  	(tag) =	ssettag $0x1  }
0x1: {  	s16 =	rddreg [dreg:$0x0]  }
0x2: {  	s1 =	rddreg [dreg:$0x1];
	s2 =	simm.s32 $0x0  }
0x3: {  	v0 =	vimm.f32 $0.0e+00;
	[smem:$0x7FF] =	sst s2  }
0x4: {  	s0 =	rddreg [dreg:$0x2];
	_ =	strace $0x8000004D;
	[tilespmem:$0x8220] =	vst v0  }
0x5: {  	[tilespmem:$0x8230] =	vst v0  }
0x6: {  	[tilespmem:$0x8240] =	vst v0  }
0x7: {  	[tilespmem:$0x8250] =	vst v0  }
0x8: {  	[tilespmem:$0x8260] =	vst v0  }
0x9: {  	[tilespmem:$0x8270] =	vst v0  }
0xa: {  	[tilespmem:$0x8200] =	vst v0  }
0xb: {  	[tilespmem:$0x85F0] =	vst v0  }
0xc: {  	[tilespmem:$0x85E0] =	vst v0  }
0xd: {  	[tilespmem:$0x85D0] =	vst v0  }
0xe: {  	[tilespmem:$0x85C0] =	vst v0  }
0xf: {  	[tilespmem:$0x85B0] =	vst v0  }
0x10: {  	[tilespmem:$0x85A0] =	vst v0  }
0x11: {  	[tilespmem:$0x8590] =	vst v0  }
0x12: {  	[tilespmem:$0x8580] =	vst v0  }
0x13: {  	[tilespmem:$0x8570] =	vst v0  }
0x14: {  	[tilespmem:$0x8560] =	vst v0  }
0x15: {  	[tilespmem:$0x8550] =	vst v0  }
0x16: {  	[tilespmem:$0x8540] =	vst v0  }
0x17: {  	[tilespmem:$0x8530] =	vst v0  }
0x18: {  	[tilespmem:$0x8520] =	vst v0  }
0x19: {  	[tilespmem:$0x8510] =	vst v0  }
0x1a: {  	[tilespmem:$0x8500] =	vst v0  }
0x1b: {  	[tilespmem:$0x84E0] =	vst v0  }
0x1c: {  	[tilespmem:$0x84F0] =	vst v0  }
0x1d: {  	[tilespmem:$0x84D0] =	vst v0  }
0x1e: {  	[tilespmem:$0x84C0] =	vst v0  }
0x1f: {  	[tilespmem:$0x84B0] =	vst v0  }
0x20: {  	[tilespmem:$0x84A0] =	vst v0  }
0x21: {  	[tilespmem:$0x8490] =	vst v0  }
0x22: {  	[tilespmem:$0x8480] =	vst v0  }
0x23: {  	[tilespmem:$0x8470] =	vst v0  }
0x24: {  	[tilespmem:$0x8460] =	vst v0  }
0x25: {  	[tilespmem:$0x8450] =	vst v0  }
0x26: {  	[tilespmem:$0x8440] =	vst v0  }
0x27: {  	[tilespmem:$0x8430] =	vst v0  }
0x28: {  	[tilespmem:$0x8420] =	vst v0  }
0x29: {  	[tilespmem:$0x8410] =	vst v0  }
0x2a: {  	[tilespmem:$0x8400] =	vst v0  }
0x2b: {  	[tilespmem:$0x83F0] =	vst v0  }
0x2c: {  	[tilespmem:$0x83E0] =	vst v0  }
0x2d: {  	[tilespmem:$0x83D0] =	vst v0  }
0x2e: {  	[tilespmem:$0x83C0] =	vst v0  }
0x2f: {  	[tilespmem:$0x83B0] =	vst v0  }
0x30: {  	[tilespmem:$0x83A0] =	vst v0  }
0x31: {  	[tilespmem:$0x8390] =	vst v0  }
0x32: {  	[tilespmem:$0x8380] =	vst v0  }
0x33: {  	[tilespmem:$0x8370] =	vst v0  }
0x34: {  	[tilespmem:$0x8360] =	vst v0  }
0x35: {  	[tilespmem:$0x8350] =	vst v0  }
0x36: {  	[tilespmem:$0x8340] =	vst v0  }
0x37: {  	[tilespmem:$0x8330] =	vst v0  }
0x38: {  	[tilespmem:$0x8320] =	vst v0  }
0x39: {  	[tilespmem:$0x8310] =	vst v0  }
0x3a: {  	[tilespmem:$0x8300] =	vst v0  }
0x3b: {  	[tilespmem:$0x82F0] =	vst v0  }
0x3c: {  	[tilespmem:$0x82E0] =	vst v0  }
0x3d: {  	[tilespmem:$0x82D0] =	vst v0  }
0x3e: {  	[tilespmem:$0x82C0] =	vst v0  }
0x3f: {  	[tilespmem:$0x82B0] =	vst v0  }
0x40: {  	[tilespmem:$0x82A0] =	vst v0  }
0x41: {  	s3 =	stileid.u32;
	[tilespmem:$0x8290] =	vst v0  }
0x42: {  	s4 =	srdreg.scid;
	s6 =	simm.s32 $0x8200;
	s29 =	sshll.u32 s3, $0xA;
	[tilespmem:$0x8280] =	vst v0  }
0x43: {  	s5 =	simm.s32 $0x3;
	s17 =	sand.u32 $0x1, s4;
	s4 =	sadd.s32 s29, s1;
	[tilespmem:$0x8210] =	vst v0  }
0x44: {  	[spmem:s4] =	stream.linear.scatter [tilespmem:s6], [sflag:$0x3], $0x400, $0x38;
	[tilespmem:$0x8A00] =	vst v63  }
0x45: {  	s8 =	sshll.u32 s3, $0x5;
	s7 =	sshll.u32 s17, $0x9;
	_ =	swait.ge [sflag:s5], $0x400  }
0x46: {  	s7 =	sor.u32 s8, s7;
	[sflag:s5] =	ssyncset.done $0x0  }
0x47: {  	s8 =	sadd.s32 s7, s16;
	[sflag:s5] =	ssyncadd.s32 $0xFFFFFC00  }
0x48: {  	s7 =	sadd.s32 $0x102000, s8;
	[bflag:$0x0] =	sbarrier.arrive $0xFFFF  }
0x49: {  	[tilespmem:s2], [sflag:$0x3] =	stream.linear.gather [hbm4b:s7+s2], $0x100, $0x38;
	[tilespmem:$0x8A00] =	vst v63  }
0x4a: {  	_ =	swait.ge [sflag:s5], $0x100  }
0x4b: {  	[sflag:s5] =	ssyncset.done $0x0  }
0x4c: {  	s9 =	simm.s32 $0x100;
	s8 =	sadd.s32 $0x102400, s8;
	[sflag:s5] =	ssyncadd.s32 $0xFFFFFF00  }
0x4d: {  	[tilespmem:s9], [sflag:$0x3] =	stream.linear.gather [hbm4b:s8+s2], $0x100, $0x38;
	[tilespmem:$0x8A00] =	vst v63  }
0x4e: {  	_ =	swait.ge [sflag:s5], $0x100  }
0x4f: {  	s11 =	simm.s32 $0x80;
	[sflag:s5] =	ssyncset.done $0x0  }
0x50: {  	s12 =	simm.s32 $0x200;
	s10 =	sadd.s32 $0x2C00, s16;
	[sflag:s5] =	ssyncadd.s32 $0xFFFFFF00  }
0x51: {  	[tilespmem:s12], [sflag:$0x1] =	stream.indirect.gather [hbm4b:s10+s11], $0x80, s2, s11, $0xb8;
	[tilespmem:$0x8A00] =	vst v63  }
0x52: {  	s13 =	simm.s32 $0x4200;
	s14 =	simm.s32 $0x1  }
0x53: {  	[tilespmem:s13], [sflag:$0x2] =	stream.indirect.gather [hbm4b:s10+s11], $0x80, s11, s11, $0xb8;
	[tilespmem:$0x8A00] =	vst v63  }
0x54: {  	_ =	swait.ge [sflag:s14], $0x4000  }
0x55: {  	[sflag:s14] =	ssyncset.done $0x0  }
0x56: {  	[sflag:s14] =	ssyncadd.s32 $0xFFFFC000  }
0x57: {  	[spmem:s1] =	stream.indirect.scatter.add.f32 [tilespmem:s12], [sflag:$0x3], $0x80, s9, s11, $0xb8;
	[tilespmem:$0x8A00] =	vst v63  }
0x58: {  	_ =	swait.ge [sflag:s5], $0x4000  }
0x59: {  	[sflag:s5] =	ssyncset.done $0x0  }
0x5a: {  	s15 =	simm.s32 $0x2;
	s18 =	sshll.u32 s3, $0x7;
	[sflag:s5] =	ssyncadd.s32 $0xFFFFC000  }
0x5b: {  	s31 =	sshll.u32 s3, $0x6;
	s19 =	ssub.s32 $0x2, s17;
	_ =	swait.ge [sflag:s15], $0x4000  }
0x5c: {  	s18 =	sadd.s32 s18, s16;
	s20 =	sshrl.u32 s19, $0x1;
	[sflag:s15] =	ssyncset.done $0x0  }
0x5d: {  	s16 =	simm.s32 $0x180;
	s30 =	ssub.s32 s19, s20;
	[sflag:s15] =	ssyncadd.s32 $0xFFFFC000  }
0x5e: {  	[spmem:s1] =	stream.indirect.scatter.add.f32 [tilespmem:s13], [sflag:$0x3], $0x80, s16, s11, $0xb8;
	[tilespmem:$0x8A00] =	vst v63  }
0x5f: {  	s17 =	sshll.u32 s17, $0xB;
	s20 =	smax.u32 s30, $0x1;
	_ =	swait.ge [sflag:s5], $0x4000  }
0x60: {  	s17 =	sadd.s32 s17, s18;
	p0 =	sne.s32 s20, $0x1;
	[sflag:s5] =	ssyncset.done $0x0  }
.Ltmp0:
0x61: {  	s18 =	sor.u32 $0x1C03, s31;
	[sflag:s5] =	ssyncadd.s32 $0xFFFFC000;
	(pc) =	sbr.rel @!p0 .LBB2_2-.Ltmp0, $4  }
0x62: {  	s17 =	sadd.s32 $0x29E00, s17;
	s19 =	sshrl.u32 s4, $0x3;
	[bflag:$0x0] =	sbarrier.arrive $0xFFFF  }
0x63: {  	[hbm:s17], [sflag:s18] =	dma.local [spmem:s19], $0x80  }
0x64: {  	_ =	swait.ge [sflag:s5], $0x80  }
0x65: {  	s20 =	sadd.s32 $0xFFFFFFFF, s20;
	[sflag:s5] =	ssyncset.done $0x0  }
.LBB2_1:
0x66: {  	p0 =	sne.s32 s20, $0x1;
	s20 =	sadd.s32 $0xFFFFFFFF, s20;
	[sflag:s5] =	ssyncadd.s32 $0xFFFFFF80  }
0x67: {  	[tilespmem:$0x8220] =	vst v0  }
0x68: {  	[tilespmem:$0x8230] =	vst v0  }
0x69: {  	[tilespmem:$0x8240] =	vst v0  }
0x6a: {  	[tilespmem:$0x8250] =	vst v0  }
0x6b: {  	[tilespmem:$0x8260] =	vst v0  }
0x6c: {  	[tilespmem:$0x8270] =	vst v0  }
0x6d: {  	[tilespmem:$0x8200] =	vst v0  }
0x6e: {  	[tilespmem:$0x85F0] =	vst v0  }
0x6f: {  	[tilespmem:$0x85E0] =	vst v0  }
0x70: {  	[tilespmem:$0x85D0] =	vst v0  }
0x71: {  	[tilespmem:$0x85C0] =	vst v0  }
0x72: {  	[tilespmem:$0x85B0] =	vst v0  }
0x73: {  	[tilespmem:$0x85A0] =	vst v0  }
0x74: {  	[tilespmem:$0x8590] =	vst v0  }
0x75: {  	[tilespmem:$0x8580] =	vst v0  }
0x76: {  	[tilespmem:$0x8570] =	vst v0  }
0x77: {  	[tilespmem:$0x8560] =	vst v0  }
0x78: {  	[tilespmem:$0x8550] =	vst v0  }
0x79: {  	[tilespmem:$0x8540] =	vst v0  }
0x7a: {  	[tilespmem:$0x8530] =	vst v0  }
0x7b: {  	[tilespmem:$0x8520] =	vst v0  }
0x7c: {  	[tilespmem:$0x8510] =	vst v0  }
0x7d: {  	[tilespmem:$0x8500] =	vst v0  }
0x7e: {  	[tilespmem:$0x84E0] =	vst v0  }
0x7f: {  	[tilespmem:$0x84F0] =	vst v0  }
0x80: {  	[tilespmem:$0x84D0] =	vst v0  }
0x81: {  	[tilespmem:$0x84C0] =	vst v0  }
0x82: {  	[tilespmem:$0x84B0] =	vst v0  }
0x83: {  	[tilespmem:$0x84A0] =	vst v0  }
0x84: {  	[tilespmem:$0x8490] =	vst v0  }
0x85: {  	[tilespmem:$0x8480] =	vst v0  }
0x86: {  	[tilespmem:$0x8470] =	vst v0  }
0x87: {  	[tilespmem:$0x8460] =	vst v0  }
0x88: {  	[tilespmem:$0x8450] =	vst v0  }
0x89: {  	[tilespmem:$0x8440] =	vst v0  }
0x8a: {  	[tilespmem:$0x8430] =	vst v0  }
0x8b: {  	[tilespmem:$0x8420] =	vst v0  }
0x8c: {  	[tilespmem:$0x8410] =	vst v0  }
0x8d: {  	[tilespmem:$0x8400] =	vst v0  }
0x8e: {  	[tilespmem:$0x83F0] =	vst v0  }
0x8f: {  	[tilespmem:$0x83E0] =	vst v0  }
0x90: {  	[tilespmem:$0x83D0] =	vst v0  }
0x91: {  	[tilespmem:$0x83C0] =	vst v0  }
0x92: {  	[tilespmem:$0x83B0] =	vst v0  }
0x93: {  	[tilespmem:$0x83A0] =	vst v0  }
0x94: {  	[tilespmem:$0x8390] =	vst v0  }
0x95: {  	[tilespmem:$0x8380] =	vst v0  }
0x96: {  	[tilespmem:$0x8370] =	vst v0  }
0x97: {  	[tilespmem:$0x8360] =	vst v0  }
0x98: {  	[tilespmem:$0x8350] =	vst v0  }
0x99: {  	[tilespmem:$0x8340] =	vst v0  }
0x9a: {  	[tilespmem:$0x8330] =	vst v0  }
0x9b: {  	[tilespmem:$0x8320] =	vst v0  }
0x9c: {  	[tilespmem:$0x8310] =	vst v0  }
0x9d: {  	[tilespmem:$0x8300] =	vst v0  }
0x9e: {  	[tilespmem:$0x82F0] =	vst v0  }
0x9f: {  	[tilespmem:$0x82E0] =	vst v0  }
0xa0: {  	[tilespmem:$0x82D0] =	vst v0  }
0xa1: {  	[tilespmem:$0x82C0] =	vst v0  }
0xa2: {  	[tilespmem:$0x82B0] =	vst v0  }
0xa3: {  	[tilespmem:$0x82A0] =	vst v0  }
0xa4: {  	[tilespmem:$0x8290] =	vst v0  }
0xa5: {  	[tilespmem:$0x8280] =	vst v0  }
0xa6: {  	[tilespmem:$0x8210] =	vst v0  }
0xa7: {  	[spmem:s4] =	stream.linear.scatter [tilespmem:s6], [sflag:$0x3], $0x400, $0x38;
	[tilespmem:$0x8A00] =	vst v63  }
0xa8: {  	_ =	swait.ge [sflag:s5], $0x400  }
0xa9: {  	[sflag:s5] =	ssyncset.done $0x0  }
0xaa: {  	[sflag:s5] =	ssyncadd.s32 $0xFFFFFC00  }
0xab: {  	[bflag:$0x0] =	sbarrier.arrive $0xFFFF  }
0xac: {  	[tilespmem:s2], [sflag:$0x3] =	stream.linear.gather [hbm4b:s7+s2], $0x100, $0x38;
	[tilespmem:$0x8A00] =	vst v63  }
0xad: {  	_ =	swait.ge [sflag:s5], $0x100  }
0xae: {  	[sflag:s5] =	ssyncset.done $0x0  }
0xaf: {  	[sflag:s5] =	ssyncadd.s32 $0xFFFFFF00  }
0xb0: {  	[tilespmem:s9], [sflag:$0x3] =	stream.linear.gather [hbm4b:s8+s2], $0x100, $0x38;
	[tilespmem:$0x8A00] =	vst v63  }
0xb1: {  	_ =	swait.ge [sflag:s5], $0x100  }
0xb2: {  	[sflag:s5] =	ssyncset.done $0x0  }
0xb3: {  	[sflag:s5] =	ssyncadd.s32 $0xFFFFFF00  }
0xb4: {  	[tilespmem:s12], [sflag:$0x1] =	stream.indirect.gather [hbm4b:s10+s11], $0x80, s2, s11, $0xb8;
	[tilespmem:$0x8A00] =	vst v63  }
0xb5: {  	_ = 	snop  }
0xb6: {  	[tilespmem:s13], [sflag:$0x2] =	stream.indirect.gather [hbm4b:s10+s11], $0x80, s11, s11, $0xb8;
	[tilespmem:$0x8A00] =	vst v63  }
0xb7: {  	_ =	swait.ge [sflag:s14], $0x4000  }
0xb8: {  	[sflag:s14] =	ssyncset.done $0x0  }
0xb9: {  	[sflag:s14] =	ssyncadd.s32 $0xFFFFC000  }
0xba: {  	[spmem:s1] =	stream.indirect.scatter.add.f32 [tilespmem:s12], [sflag:$0x3], $0x80, s9, s11, $0xb8;
	[tilespmem:$0x8A00] =	vst v63  }
0xbb: {  	_ =	swait.ge [sflag:s5], $0x4000  }
0xbc: {  	[sflag:s5] =	ssyncset.done $0x0  }
0xbd: {  	[sflag:s5] =	ssyncadd.s32 $0xFFFFC000  }
0xbe: {  	_ =	swait.ge [sflag:s15], $0x4000  }
0xbf: {  	[sflag:s15] =	ssyncset.done $0x0  }
0xc0: {  	[sflag:s15] =	ssyncadd.s32 $0xFFFFC000  }
0xc1: {  	[spmem:s1] =	stream.indirect.scatter.add.f32 [tilespmem:s13], [sflag:$0x3], $0x80, s16, s11, $0xb8;
	[tilespmem:$0x8A00] =	vst v63  }
0xc2: {  	_ =	swait.ge [sflag:s5], $0x4000  }
0xc3: {  	[sflag:s5] =	ssyncset.done $0x0  }
.Ltmp1:
0xc4: {  	[sflag:s5] =	ssyncadd.s32 $0xFFFFC000;
	(pc) =	sbr.rel @p0 .LBB2_1-.Ltmp1, $4  }
0xc5: {  	[bflag:$0x0] =	sbarrier.arrive $0xFFFF  }
0xc6: {  	[hbm:s17], [sflag:s18] =	dma.local [spmem:s19], $0x80  }
0xc7: {  	_ =	swait.ge [sflag:s5], $0x80  }
0xc8: {  	[sflag:s5] =	ssyncset.done $0x0  }
.LBB2_2:
0xc9: {  	[sflag:s5] =	ssyncadd.s32 $0xFFFFFF80  }
0xca: {  	_ =	sfence.sel $0x180000  }
0xcb: {  	[bflag:$0x0] =	sbarrier.arrive $0xFFFF  }
0xcc: {  	p0 =	sne.s32 s3, $0x0;
	_ =	strace $0x9000004D  }
0xcd: {  	s0 =	sadd.s32 @!p0 $0x100000, s0;
	[bflag:$0x2] =	sbarrier.arrive $0xFFFF  }
0xce: {  	[sflag:s0] =	ssyncadd.tile.s32 @!p0 $0x1;
	_ =	shalt  }
.Lfunc_end2:
_tile_overlayer_lowered:
.L_overlay_start_2:
0xcf: {  	(tag) =	ssettag $0x2  }
0xd0: {  	s0 =	rddreg [dreg:$0x0];
	s2 =	stileid.u32  }
0xd1: {  	s1 =	rddreg [dreg:$0x1];
	p0 =	sne.s32 s2, $0x0  }
0xd2: {  	s3 =	rddreg [dreg:$0x2];
	[bflag:$0x3] =	sbarrier.arrive $0xFFFF;
	s2 =	simm.s32 @!p0 $0x1C03  }
0xd3: {  	[timem:s3], [sflag:s2] =	dma.local @!p0 [hbm:s0], s1  }
0xd4: {  	s0 =	simm.s32 @!p0 $0x3  }
0xd5: {  	_ =	swait.ge @!p0 [sflag:s0], s1  }
0xd6: {  	s1 =	ssub.s32 @!p0 $0x0, s1;
	[sflag:s0] =	ssyncset.done @!p0 $0x0  }
0xd7: {  	[sflag:s0] =	ssyncadd.s32 @!p0 s1  }
0xd8: {  	[bflag:$0x3] =	sbarrier.arrive $0xFFFF  }
0xd9: {  	_ =	shalt  }

</sc_bundles>
